<compile_context>
chip_gen: v7x
topology: tpu7x:2x2x1
jax: 0.10.2.dev20260603
libtpu: 0.0.44.dev20260713+nightly
codegen_flags: <defaults>
</compile_context>

<pallas_src>
import functools

import jax
import jax.numpy as jnp
from jax import lax
from jax.experimental import pallas as pl
from jax.experimental.pallas import tpu as pltpu
from jax.experimental.pallas import tpu_sc as plsc

NC = 2
NS = 16
NW = NC * NS
L = 16

CHUNK = 128
NBUF = 2
BLKC = 32


def _pad_geometry(n, e):
    chunks_t = -(-e // (NW * CHUNK))
    chunks_t = -(-chunks_t // 8) * 8
    e_pad = NW * chunks_t * CHUNK
    rows_t = -(-(n + 1) // NS)
    rows_t = -(-rows_t // 8) * 8
    n_pad = rows_t * NS
    return chunks_t, e_pad, rows_t, n_pad


def _make_deg_kernel(n_pad, chunks_t):
    mesh = plsc.VectorSubcoreMesh(core_axis_name="c", subcore_axis_name="s")

    ept = chunks_t * CHUNK

    @functools.partial(
        pl.kernel,
        out_type=jax.ShapeDtypeStruct((NW, n_pad), jnp.float32),
        mesh=mesh,
        scratch_types=[
            pltpu.VMEM((ept,), jnp.int32),
            pltpu.VMEM((n_pad,), jnp.float32),
        ],
        compiler_params=pltpu.CompilerParams(needs_layout_passes=False),
    )
    def deg_kernel(dst_hbm, out_hbm, dst_v, hist_v):
        cid = lax.axis_index("c")
        sid = lax.axis_index("s")
        wid = cid * NS + sid
        pltpu.sync_copy(dst_hbm.at[pl.ds(wid * ept, ept)], dst_v)

        zeros16 = jnp.zeros((L,), jnp.float32)

        def zbody(i, carry):
            hist_v[pl.ds(i * L, L)] = zeros16
            return carry

        lax.fori_loop(0, n_pad // L, zbody, None)

        ones16 = jnp.ones((L,), jnp.float32)

        def body(i, carry):
            idx = dst_v[pl.ds(i * L, L)]
            plsc.addupdate_scatter(hist_v, [idx], ones16)
            return carry

        lax.fori_loop(0, ept // L, body, None)
        pltpu.sync_copy(hist_v, out_hbm.at[wid])

    return deg_kernel


def _make_agg_kernel(n, n_pad, rows_t, chunks_t):
    mesh = plsc.VectorSubcoreMesh(core_axis_name="c", subcore_axis_name="s")

    total_pair = 2 * chunks_t
    cpt0 = (total_pair * 3 // 5) // BLKC * BLKC
    cpt1 = total_pair - cpt0
    groups = BLKC // NBUF

    @functools.partial(
        pl.kernel,
        out_type=jax.ShapeDtypeStruct((NC, n_pad, 128), jnp.float32),
        mesh=mesh,
        scratch_types=[
            pltpu.VMEM((BLKC, CHUNK), jnp.int32),
            pltpu.VMEM((BLKC, CHUNK), jnp.int32),
            pltpu.VMEM((NBUF, CHUNK, 128), jnp.float32),
            pltpu.VMEM_SHARED((n_pad, 128), jnp.float32),
            pltpu.SemaphoreType.DMA((NBUF,)),
        ],
        compiler_params=pltpu.CompilerParams(needs_layout_passes=False),
    )
    def agg_kernel(hp_hbm, src_hbm, dst_hbm, zeros_hbm, out_hbm,
                   src_v, dst_v, rows_v, accum, sems):
        cid = lax.axis_index("c")
        sid = lax.axis_index("s")
        pltpu.sync_copy(zeros_hbm, accum.at[pl.ds(sid * rows_t, rows_t)])
        plsc.subcore_barrier()

        nblk = lax.select(cid == 0, cpt0 // BLKC, cpt1 // BLKC)
        base_chunk = lax.select(cid == 0, sid * cpt0,
                                NS * cpt0 + sid * cpt1)

        def blk_body(blk, carry):
            b0 = base_chunk + blk * BLKC
            pltpu.sync_copy(src_hbm.at[pl.ds(b0, BLKC)], src_v)
            pltpu.sync_copy(dst_hbm.at[pl.ds(b0, BLKC)], dst_v)

            for k in range(NBUF):
                pltpu.async_copy(hp_hbm.at[src_v.at[k]], rows_v.at[k],
                                 sems.at[k])

            def body(g, c2):
                for k in range(NBUF):
                    i = g * NBUF + k
                    pltpu.make_async_copy(
                        hp_hbm.at[src_v.at[i]], rows_v.at[k],
                        sems.at[k]).wait()
                    pltpu.sync_copy(rows_v.at[k], accum.at[dst_v.at[i]],
                                    add=True)

                    @pl.when(g + 1 < groups)
                    def _():
                        pltpu.async_copy(hp_hbm.at[src_v.at[i + NBUF]],
                                         rows_v.at[k], sems.at[k])

                return c2

            lax.fori_loop(0, groups, body, None)
            return carry

        lax.fori_loop(0, nblk, blk_body, None)

        plsc.subcore_barrier()
        pltpu.sync_copy(accum.at[pl.ds(sid * rows_t, rows_t)],
                        out_hbm.at[cid, pl.ds(sid * rows_t, rows_t)])

    return agg_kernel


def _dinv_body(hist_ref, o_ref):
    deg = jnp.sum(hist_ref[...], axis=0, keepdims=True) + 1.0
    o_ref[...] = lax.rsqrt(deg)


def _mm_body(x_ref, w_ref, dinv_ref, o_ref):
    h = jnp.dot(x_ref[...], w_ref[...], preferred_element_type=jnp.float32)
    o_ref[...] = h * dinv_ref[...]


def _epilogue_body(p0_ref, p1_ref, hp_ref, dinv_ref, b_ref, g_ref, bt_ref,
                   o_ref):
    t = (p0_ref[...] + p1_ref[...] + hp_ref[...]) * dinv_ref[...] + b_ref[...]
    mu = jnp.mean(t, axis=0, keepdims=True)
    var = jnp.mean((t - mu) ** 2, axis=0, keepdims=True)
    y = g_ref[...] * (t - mu) * lax.rsqrt(var + 1e-5) + bt_ref[...]
    o_ref[...] = jnp.maximum(y, 0.0)


def kernel(x, edge_index, W1, b1, g1, bt1, W2, b2, g2, bt2, W3, b3, g3, bt3):
    n, d = x.shape
    e = edge_index.shape[1]
    chunks_t, e_pad, rows_t, n_pad = _pad_geometry(n, e)

    src = edge_index[0]
    dst = edge_index[1]
    pad = e_pad - e
    src_p = jnp.concatenate([src, jnp.zeros((pad,), src.dtype)])
    dst_p = jnp.concatenate([dst, jnp.full((pad,), n, dst.dtype)])
    src2d = src_p.reshape(NW * chunks_t, CHUNK)
    dst2d = dst_p.reshape(NW * chunks_t, CHUNK)
    zeros_rows = jnp.zeros((rows_t, d), jnp.float32)

    deg_kernel = _make_deg_kernel(n_pad, chunks_t)
    agg_kernel = _make_agg_kernel(n, n_pad, rows_t, chunks_t)

    hist = deg_kernel(dst_p)

    dinv_row = pl.pallas_call(
        _dinv_body,
        out_shape=jax.ShapeDtypeStruct((1, n_pad), jnp.float32),
    )(hist)
    dinv = dinv_row.reshape(n_pad, 1)[:n]

    mm = pl.pallas_call(
        _mm_body,
        out_shape=jax.ShapeDtypeStruct((n, d), jnp.float32),
    )
    epilogue = pl.pallas_call(
        _epilogue_body,
        out_shape=jax.ShapeDtypeStruct((n, d), jnp.float32),
    )

    h = x
    for (W, b, g, bt) in ((W1, b1, g1, bt1), (W2, b2, g2, bt2),
                          (W3, b3, g3, bt3)):
        hp = mm(h, W, dinv)
        parts = agg_kernel(hp, src2d, dst2d, zeros_rows)
        h = epilogue(parts[0, :n], parts[1, :n], hp, dinv,
                     b.reshape(1, d), g.reshape(1, d), bt.reshape(1, d))
    return h

# --- scband reference (transcript-rebuilt; emitter-appended) ---
"""Pipeline reference for scband-mpnn-89687507076375 (READ-ONLY COPY).

The authoritative reference and input builder live on the scoring server;
editing this copy changes nothing except your own understanding.
"""

import jax, jax.numpy as jnp
import numpy as np

N = 10000
D = 128
E = 320000


def gcn_conv(x, src, dst, W, b, n):
    # x @ W then symmetric-normalized scatter-add aggregation (PyG GCNConv, add_self_loops=True)
    h = x @ W
    ones = jnp.ones(src.shape[0], jnp.float32)
    deg = jnp.zeros((n,), jnp.float32).at[dst].add(ones)
    dinv = jnp.where(deg > 0, 1.0 / jnp.sqrt(deg), 0.0)
    norm = dinv[src] * dinv[dst]
    msg = h[src] * norm[:, None]
    out = jnp.zeros((n, h.shape[1]), h.dtype).at[dst].add(msg)
    return out + b


def batchnorm(x, g, b):
    # nn.BatchNorm1d in training mode: batch stats, biased variance, eps=1e-5
    mu = jnp.mean(x, axis=0)
    var = jnp.mean((x - mu) ** 2, axis=0)
    return g * (x - mu) / jnp.sqrt(var + 1e-5) + b


def setup_inputs(seed: int = 0) -> dict:
    key = jax.random.key(seed)
    ks = jax.random.split(key, 16)
    inp = {}
    inp["x"] = jax.random.normal(ks[0], (N, D), jnp.float32)
    inp["edge_index"] = jax.random.randint(ks[1], (2, E), 0, N, dtype=jnp.int32)
    s = 1.0 / np.sqrt(D)
    for i in range(3):
        inp[f"W{i+1}"] = jax.random.normal(ks[2 + i], (D, D), jnp.float32) * s
        inp[f"b{i+1}"] = jnp.zeros((D,), jnp.float32)
        inp[f"g{i+1}"] = jnp.ones((D,), jnp.float32)
        inp[f"bt{i+1}"] = jnp.zeros((D,), jnp.float32)
    return inp


def reference(x, edge_index, W1, b1, g1, bt1, W2, b2, g2, bt2, W3, b3, g3, bt3):
    n = x.shape[0]
    si = jnp.arange(n, dtype=edge_index.dtype)
    src = jnp.concatenate([edge_index[0], si])
    dst = jnp.concatenate([edge_index[1], si])
    params = [(W1, b1, g1, bt1), (W2, b2, g2, bt2), (W3, b3, g3, bt3)]
    h = x
    for (W, b, g, bt) in params:
        h = gcn_conv(h, src, dst, W, b, n)
        h = jax.nn.relu(batchnorm(h, g, bt))
        # dropout p=0.0 -> identity
    return h

if __name__ == "__main__":
    import jax
    _d = setup_inputs()
    print(jax.jit(kernel)(*tuple(_d.values())))

</pallas_src>

<mosaic_0001>
#map = affine_map<(d0, d1) -> (0, 0)>
#map1 = affine_map<(d0, d1) -> (0, 0, 0)>
module attributes {stable_mosaic.version = 14 : i64} {
  func.func @agg_kernel(%arg0: i32, %arg1: i32, %arg2: memref<10000x128xf32, #tpu.memory_space<hbm>>, %arg3: memref<2560x128xi32, #tpu.memory_space<hbm>>, %arg4: memref<2560x128xi32, #tpu.memory_space<hbm>>, %arg5: memref<632x128xf32, #tpu.memory_space<hbm>>, %arg6: memref<2x10112x128xf32, #tpu.memory_space<hbm>>, %arg7: memref<32x128xi32, #tpu.memory_space<vmem>>, %arg8: memref<32x128xi32, #tpu.memory_space<vmem>>, %arg9: memref<2x128x128xf32, #tpu.memory_space<vmem>>, %arg10: memref<10112x128xf32, #tpu.memory_space<vmem_shared>>, %arg11: memref<2x!tpu.dma_semaphore, #tpu.memory_space<semaphore_mem>>) attributes {dimension_semantics = [#tpu.dimension_semantics<core_parallel>, #tpu.dimension_semantics<subcore_parallel>], iteration_bounds = array<i64: 2, 16>, scalar_prefetch = 0 : i64, scratch_operands = 5 : i64, tpu.core_type = #tpu.core_type<sc_vector_subcore>, window_params = [{transform_indices = #map}, {transform_indices = #map}, {transform_indices = #map}, {transform_indices = #map}, {transform_indices = #map1}]} {
    %mul3A = arith.constant 632 : i32
    %mul3A_0 = arith.muli %arg1, %mul3A : i32
    "tpu.region"() ({
      %run_scoped3A = tpu.sem_alloc : memref<!tpu.dma_semaphore, #tpu.memory_space<semaphore_mem>>
      %dma_start3A = arith.constant 0 : i32
      %dma_start3A_25 = tpu.memref_slice %arg10[%mul3A_0, %dma_start3A] : memref<10112x128xf32, #tpu.memory_space<vmem_shared>> -> memref<632x128xf32, #tpu.memory_space<vmem_shared>>
      tpu.enqueue_dma source(%arg5 : memref<632x128xf32, #tpu.memory_space<hbm>>) target(%dma_start3A_25 : memref<632x128xf32, #tpu.memory_space<vmem_shared>>) target_semaphore(%run_scoped3A : memref<!tpu.dma_semaphore, #tpu.memory_space<semaphore_mem>>)
      %dma_wait3A = arith.constant 0 : i32
      %dma_wait3A_26 = tpu.memref_slice %arg10[%mul3A_0, %dma_wait3A] : memref<10112x128xf32, #tpu.memory_space<vmem_shared>> -> memref<632x128xf32, #tpu.memory_space<vmem_shared>>
      tpu.wait_dma2 semaphore(%run_scoped3A : memref<!tpu.dma_semaphore, #tpu.memory_space<semaphore_mem>>) src(%arg5 : memref<632x128xf32, #tpu.memory_space<hbm>>) dst(%dma_wait3A_26 : memref<632x128xf32, #tpu.memory_space<vmem_shared>>)
      tpu.yield
    }) : () -> ()
    %barrier3A = arith.constant 0 : index
    tpu.barrier barrier_id(%barrier3A)
    %eq3A = arith.constant 0 : i32
    %eq3A_1 = arith.cmpi eq, %arg0, %eq3A : i32
    %select_n3A = arith.constant 2 : i32
    %select_n3A_2 = arith.constant 3 : i32
    %select_n3A_3 = arith.select %eq3A_1, %select_n3A_2, %select_n3A : i32
    %eq3A_4 = arith.constant 0 : i32
    %eq3A_5 = arith.cmpi eq, %arg0, %eq3A_4 : i32
    %mul3A_6 = arith.constant 96 : i32
    %mul3A_7 = arith.muli %arg1, %mul3A_6 : i32
    %mul3A_8 = arith.constant 64 : i32
    %mul3A_9 = arith.muli %arg1, %mul3A_8 : i32
    %add3A = arith.constant 1536 : i32
    %add3A_10 = arith.addi %add3A, %mul3A_9 : i32
    %select_n3A_11 = arith.select %eq3A_5, %mul3A_7, %add3A_10 : i32
    %while3A = arith.constant 0 : i32
    %while3A_12 = arith.subi %select_n3A_3, %while3A : i32
    %while3A_13 = arith.addi %while3A, %while3A_12 : i32
    %while3A_14 = arith.constant 1 : i32
    %while3A_15 = arith.divsi %while3A_12, %while3A_14 : i32
    %while3A_16 = arith.muli %while3A_15, %while3A_14 : i32
    %while3A_17 = arith.addi %while3A, %while3A_16 : i32
    %while3A_18 = arith.constant 1 : i32
    scf.for %while3A_25 = %while3A to %while3A_17 step %while3A_18  : i32 {
      %mul3A_26 = arith.constant 32 : i32
      %mul3A_27 = arith.muli %while3A_25, %mul3A_26 : i32
      %add3A_28 = arith.addi %select_n3A_11, %mul3A_27 : i32
      "tpu.region"() ({
        %run_scoped3A = tpu.sem_alloc : memref<!tpu.dma_semaphore, #tpu.memory_space<semaphore_mem>>
        %dma_start3A_62 = arith.constant 0 : i32
        %dma_start3A_63 = tpu.memref_slice %arg3[%add3A_28, %dma_start3A_62] : memref<2560x128xi32, #tpu.memory_space<hbm>> -> memref<32x128xi32, #tpu.memory_space<hbm>>
        %dma_start3A_64 = arith.constant 0 : i32
        %dma_start3A_65 = tpu.memref_slice %arg3[%add3A_28, %dma_start3A_64] : memref<2560x128xi32, #tpu.memory_space<hbm>> -> memref<32x128xi32, #tpu.memory_space<hbm>>
        tpu.enqueue_dma source(%dma_start3A_65 : memref<32x128xi32, #tpu.memory_space<hbm>>) target(%arg7 : memref<32x128xi32, #tpu.memory_space<vmem>>) target_semaphore(%run_scoped3A : memref<!tpu.dma_semaphore, #tpu.memory_space<semaphore_mem>>)
        %dma_wait3A = arith.constant 0 : i32
        %dma_wait3A_66 = tpu.memref_slice %arg3[%add3A_28, %dma_wait3A] : memref<2560x128xi32, #tpu.memory_space<hbm>> -> memref<32x128xi32, #tpu.memory_space<hbm>>
        %dma_wait3A_67 = arith.constant 0 : i32
        %dma_wait3A_68 = tpu.memref_slice %arg3[%add3A_28, %dma_wait3A_67] : memref<2560x128xi32, #tpu.memory_space<hbm>> -> memref<32x128xi32, #tpu.memory_space<hbm>>
        tpu.wait_dma2 semaphore(%run_scoped3A : memref<!tpu.dma_semaphore, #tpu.memory_space<semaphore_mem>>) src(%dma_wait3A_68 : memref<32x128xi32, #tpu.memory_space<hbm>>) dst(%arg7 : memref<32x128xi32, #tpu.memory_space<vmem>>)
        tpu.yield
      }) : () -> ()
      "tpu.region"() ({
        %run_scoped3A = tpu.sem_alloc : memref<!tpu.dma_semaphore, #tpu.memory_space<semaphore_mem>>
        %dma_start3A_62 = arith.constant 0 : i32
        %dma_start3A_63 = tpu.memref_slice %arg4[%add3A_28, %dma_start3A_62] : memref<2560x128xi32, #tpu.memory_space<hbm>> -> memref<32x128xi32, #tpu.memory_space<hbm>>
        %dma_start3A_64 = arith.constant 0 : i32
        %dma_start3A_65 = tpu.memref_slice %arg4[%add3A_28, %dma_start3A_64] : memref<2560x128xi32, #tpu.memory_space<hbm>> -> memref<32x128xi32, #tpu.memory_space<hbm>>
        tpu.enqueue_dma source(%dma_start3A_65 : memref<32x128xi32, #tpu.memory_space<hbm>>) target(%arg8 : memref<32x128xi32, #tpu.memory_space<vmem>>) target_semaphore(%run_scoped3A : memref<!tpu.dma_semaphore, #tpu.memory_space<semaphore_mem>>)
        %dma_wait3A = arith.constant 0 : i32
        %dma_wait3A_66 = tpu.memref_slice %arg4[%add3A_28, %dma_wait3A] : memref<2560x128xi32, #tpu.memory_space<hbm>> -> memref<32x128xi32, #tpu.memory_space<hbm>>
        %dma_wait3A_67 = arith.constant 0 : i32
        %dma_wait3A_68 = tpu.memref_slice %arg4[%add3A_28, %dma_wait3A_67] : memref<2560x128xi32, #tpu.memory_space<hbm>> -> memref<32x128xi32, #tpu.memory_space<hbm>>
        tpu.wait_dma2 semaphore(%run_scoped3A : memref<!tpu.dma_semaphore, #tpu.memory_space<semaphore_mem>>) src(%dma_wait3A_68 : memref<32x128xi32, #tpu.memory_space<hbm>>) dst(%arg8 : memref<32x128xi32, #tpu.memory_space<vmem>>)
        tpu.yield
      }) : () -> ()
      %dma_start3A = arith.constant 0 : i32
      %dma_start3A_29 = arith.constant 0 : i32
      %dma_start3A_30 = arith.constant 0 : i32
      %dma_start3A_31 = arith.constant 0 : i32
      %dma_start3A_32 = arith.constant 0 : i32
      %dma_start3A_33 = tpu.memref_slice %arg9[%dma_start3A_29, %dma_start3A_31, %dma_start3A_32] : memref<2x128x128xf32, #tpu.memory_space<vmem>> -> memref<1x128x128xf32, #tpu.memory_space<vmem>>
      %dma_start3A_34 = tpu.memref_squeeze %dma_start3A_33 : memref<1x128x128xf32, #tpu.memory_space<vmem>> -> memref<128x128xf32, #tpu.memory_space<vmem>>
      %dma_start3A_35 = arith.constant 0 : i32
      %dma_start3A_36 = tpu.memref_slice %arg7[%dma_start3A, %dma_start3A_35] : memref<32x128xi32, #tpu.memory_space<vmem>> -> memref<1x128xi32, #tpu.memory_space<vmem>>
      %dma_start3A_37 = tpu.memref_squeeze %dma_start3A_36 : memref<1x128xi32, #tpu.memory_space<vmem>> -> memref<128xi32, #tpu.memory_space<vmem>>
      %dma_start3A_38 = arith.constant 0 : i32
      %dma_start3A_39 = arith.constant 0 : i32
      %dma_start3A_40 = tpu.memref_slice %arg2[%dma_start3A_38, %dma_start3A_39] : memref<10000x128xf32, #tpu.memory_space<hbm>> -> memref<10000x128xf32, #tpu.memory_space<hbm>>
      %dma_start3A_41 = tpu.memref_slice %arg11[%dma_start3A_30] : memref<2x!tpu.dma_semaphore, #tpu.memory_space<semaphore_mem>> -> memref<1x!tpu.dma_semaphore, #tpu.memory_space<semaphore_mem>>
      %dma_start3A_42 = tpu.memref_squeeze %dma_start3A_41 : memref<1x!tpu.dma_semaphore, #tpu.memory_space<semaphore_mem>> -> memref<!tpu.dma_semaphore, #tpu.memory_space<semaphore_mem>>
      tpu.enqueue_indirect_dma source(%dma_start3A_40 : memref<10000x128xf32, #tpu.memory_space<hbm>>) target(%dma_start3A_34 : memref<128x128xf32, #tpu.memory_space<vmem>>) offsets(%dma_start3A_37 : memref<128xi32, #tpu.memory_space<vmem>>) semaphore(%dma_start3A_42 : memref<!tpu.dma_semaphore, #tpu.memory_space<semaphore_mem>>)
      %dma_start3A_43 = arith.constant 1 : i32
      %dma_start3A_44 = arith.constant 1 : i32
      %dma_start3A_45 = arith.constant 1 : i32
      %dma_start3A_46 = arith.constant 0 : i32
      %dma_start3A_47 = arith.constant 0 : i32
      %dma_start3A_48 = tpu.memref_slice %arg9[%dma_start3A_44, %dma_start3A_46, %dma_start3A_47] : memref<2x128x128xf32, #tpu.memory_space<vmem>> -> memref<1x128x128xf32, #tpu.memory_space<vmem>>
      %dma_start3A_49 = tpu.memref_squeeze %dma_start3A_48 : memref<1x128x128xf32, #tpu.memory_space<vmem>> -> memref<128x128xf32, #tpu.memory_space<vmem>>
      %dma_start3A_50 = arith.constant 0 : i32
      %dma_start3A_51 = tpu.memref_slice %arg7[%dma_start3A_43, %dma_start3A_50] : memref<32x128xi32, #tpu.memory_space<vmem>> -> memref<1x128xi32, #tpu.memory_space<vmem>>
      %dma_start3A_52 = tpu.memref_squeeze %dma_start3A_51 : memref<1x128xi32, #tpu.memory_space<vmem>> -> memref<128xi32, #tpu.memory_space<vmem>>
      %dma_start3A_53 = arith.constant 0 : i32
      %dma_start3A_54 = arith.constant 0 : i32
      %dma_start3A_55 = tpu.memref_slice %arg2[%dma_start3A_53, %dma_start3A_54] : memref<10000x128xf32, #tpu.memory_space<hbm>> -> memref<10000x128xf32, #tpu.memory_space<hbm>>
      %dma_start3A_56 = tpu.memref_slice %arg11[%dma_start3A_45] : memref<2x!tpu.dma_semaphore, #tpu.memory_space<semaphore_mem>> -> memref<1x!tpu.dma_semaphore, #tpu.memory_space<semaphore_mem>>
      %dma_start3A_57 = tpu.memref_squeeze %dma_start3A_56 : memref<1x!tpu.dma_semaphore, #tpu.memory_space<semaphore_mem>> -> memref<!tpu.dma_semaphore, #tpu.memory_space<semaphore_mem>>
      tpu.enqueue_indirect_dma source(%dma_start3A_55 : memref<10000x128xf32, #tpu.memory_space<hbm>>) target(%dma_start3A_49 : memref<128x128xf32, #tpu.memory_space<vmem>>) offsets(%dma_start3A_52 : memref<128xi32, #tpu.memory_space<vmem>>) semaphore(%dma_start3A_57 : memref<!tpu.dma_semaphore, #tpu.memory_space<semaphore_mem>>)
      %scan3A = arith.constant 0 : i32
      %scan3A_58 = arith.constant 16 : i32
      %scan3A_59 = arith.addi %scan3A, %scan3A_58 : i32
      %scan3A_60 = arith.constant 1 : i32
      scf.for %scan3A_62 = %scan3A to %scan3A_59 step %scan3A_60  : i32 {
        %mul3A_63 = arith.constant 2 : i32
        %mul3A_64 = arith.muli %scan3A_62, %mul3A_63 : i32
        %add3A_65 = arith.constant 0 : i32
        %add3A_66 = arith.addi %mul3A_64, %add3A_65 : i32
        %dma_wait3A = arith.constant 0 : i32
        %dma_wait3A_67 = arith.constant 0 : i32
        %dma_wait3A_68 = arith.constant 0 : i32
        %dma_wait3A_69 = arith.constant 0 : i32
        %dma_wait3A_70 = tpu.memref_slice %arg9[%dma_wait3A, %dma_wait3A_68, %dma_wait3A_69] : memref<2x128x128xf32, #tpu.memory_space<vmem>> -> memref<1x128x128xf32, #tpu.memory_space<vmem>>
        %dma_wait3A_71 = tpu.memref_squeeze %dma_wait3A_70 : memref<1x128x128xf32, #tpu.memory_space<vmem>> -> memref<128x128xf32, #tpu.memory_space<vmem>>
        %dma_wait3A_72 = arith.constant 0 : i32
        %dma_wait3A_73 = tpu.memref_slice %arg7[%add3A_66, %dma_wait3A_72] : memref<32x128xi32, #tpu.memory_space<vmem>> -> memref<1x128xi32, #tpu.memory_space<vmem>>
        %dma_wait3A_74 = tpu.memref_squeeze %dma_wait3A_73 : memref<1x128xi32, #tpu.memory_space<vmem>> -> memref<128xi32, #tpu.memory_space<vmem>>
        %dma_wait3A_75 = arith.constant 0 : i32
        %dma_wait3A_76 = arith.constant 0 : i32
        %dma_wait3A_77 = tpu.memref_slice %arg2[%dma_wait3A_75, %dma_wait3A_76] : memref<10000x128xf32, #tpu.memory_space<hbm>> -> memref<10000x128xf32, #tpu.memory_space<hbm>>
        %dma_wait3A_78 = tpu.memref_slice %arg11[%dma_wait3A_67] : memref<2x!tpu.dma_semaphore, #tpu.memory_space<semaphore_mem>> -> memref<1x!tpu.dma_semaphore, #tpu.memory_space<semaphore_mem>>
        %dma_wait3A_79 = tpu.memref_squeeze %dma_wait3A_78 : memref<1x!tpu.dma_semaphore, #tpu.memory_space<semaphore_mem>> -> memref<!tpu.dma_semaphore, #tpu.memory_space<semaphore_mem>>
        tpu.wait_indirect_dma semaphore(%dma_wait3A_79 : memref<!tpu.dma_semaphore, #tpu.memory_space<semaphore_mem>>) src(%dma_wait3A_77 : memref<10000x128xf32, #tpu.memory_space<hbm>>) dst(%dma_wait3A_71 : memref<128x128xf32, #tpu.memory_space<vmem>>)
        %run_scoped3A = arith.constant 0 : i32
        "tpu.region"() ({
          %run_scoped3A_110 = tpu.sem_alloc : memref<!tpu.dma_semaphore, #tpu.memory_space<semaphore_mem>>
          %dma_start3A_111 = arith.constant 0 : i32
          %dma_start3A_112 = arith.constant 0 : i32
          %dma_start3A_113 = tpu.memref_slice %arg9[%run_scoped3A, %dma_start3A_111, %dma_start3A_112] : memref<2x128x128xf32, #tpu.memory_space<vmem>> -> memref<1x128x128xf32, #tpu.memory_space<vmem>>
          %dma_start3A_114 = tpu.memref_squeeze %dma_start3A_113 : memref<1x128x128xf32, #tpu.memory_space<vmem>> -> memref<128x128xf32, #tpu.memory_space<vmem>>
          %dma_start3A_115 = arith.constant 0 : i32
          %dma_start3A_116 = tpu.memref_slice %arg8[%add3A_66, %dma_start3A_115] : memref<32x128xi32, #tpu.memory_space<vmem>> -> memref<1x128xi32, #tpu.memory_space<vmem>>
          %dma_start3A_117 = tpu.memref_squeeze %dma_start3A_116 : memref<1x128xi32, #tpu.memory_space<vmem>> -> memref<128xi32, #tpu.memory_space<vmem>>
          %dma_start3A_118 = arith.constant 0 : i32
          %dma_start3A_119 = arith.constant 0 : i32
          %dma_start3A_120 = tpu.memref_slice %arg10[%dma_start3A_118, %dma_start3A_119] : memref<10112x128xf32, #tpu.memory_space<vmem_shared>> -> memref<10112x128xf32, #tpu.memory_space<vmem_shared>>
          tpu.enqueue_indirect_dma source(%dma_start3A_114 : memref<128x128xf32, #tpu.memory_space<vmem>>) target(%dma_start3A_120 : memref<10112x128xf32, #tpu.memory_space<vmem_shared>>) offsets(%dma_start3A_117 : memref<128xi32, #tpu.memory_space<vmem>>) semaphore(%run_scoped3A_110 : memref<!tpu.dma_semaphore, #tpu.memory_space<semaphore_mem>>) {add = true}
          %dma_wait3A_121 = arith.constant 0 : i32
          %dma_wait3A_122 = arith.constant 0 : i32
          %dma_wait3A_123 = tpu.memref_slice %arg9[%run_scoped3A, %dma_wait3A_121, %dma_wait3A_122] : memref<2x128x128xf32, #tpu.memory_space<vmem>> -> memref<1x128x128xf32, #tpu.memory_space<vmem>>
          %dma_wait3A_124 = tpu.memref_squeeze %dma_wait3A_123 : memref<1x128x128xf32, #tpu.memory_space<vmem>> -> memref<128x128xf32, #tpu.memory_space<vmem>>
          %dma_wait3A_125 = arith.constant 0 : i32
          %dma_wait3A_126 = tpu.memref_slice %arg8[%add3A_66, %dma_wait3A_125] : memref<32x128xi32, #tpu.memory_space<vmem>> -> memref<1x128xi32, #tpu.memory_space<vmem>>
          %dma_wait3A_127 = tpu.memref_squeeze %dma_wait3A_126 : memref<1x128xi32, #tpu.memory_space<vmem>> -> memref<128xi32, #tpu.memory_space<vmem>>
          %dma_wait3A_128 = arith.constant 0 : i32
          %dma_wait3A_129 = arith.constant 0 : i32
          %dma_wait3A_130 = tpu.memref_slice %arg10[%dma_wait3A_128, %dma_wait3A_129] : memref<10112x128xf32, #tpu.memory_space<vmem_shared>> -> memref<10112x128xf32, #tpu.memory_space<vmem_shared>>
          tpu.wait_indirect_dma semaphore(%run_scoped3A_110 : memref<!tpu.dma_semaphore, #tpu.memory_space<semaphore_mem>>) src(%dma_wait3A_124 : memref<128x128xf32, #tpu.memory_space<vmem>>) dst(%dma_wait3A_130 : memref<10112x128xf32, #tpu.memory_space<vmem_shared>>)
          tpu.yield
        }) : () -> ()
        %add3A_80 = arith.constant 1 : i32
        %add3A_81 = arith.addi %scan3A_62, %add3A_80 : i32
        %lt3A = arith.constant 16 : i32
        %lt3A_82 = arith.cmpi slt, %add3A_81, %lt3A : i32
        %convert_element_type3A = arith.extui %lt3A_82 : i1 to i32
        %cond3A = arith.constant 0 : i32
        %cond3A_83 = arith.cmpi ne, %convert_element_type3A, %cond3A : i32
        scf.if %cond3A_83 {
          %add3A_110 = arith.constant 2 : i32
          %add3A_111 = arith.addi %add3A_66, %add3A_110 : i32
          %dma_start3A_112 = arith.constant 0 : i32
          %dma_start3A_113 = arith.constant 0 : i32
          %dma_start3A_114 = arith.constant 0 : i32
          %dma_start3A_115 = arith.constant 0 : i32
          %dma_start3A_116 = tpu.memref_slice %arg9[%dma_start3A_112, %dma_start3A_114, %dma_start3A_115] : memref<2x128x128xf32, #tpu.memory_space<vmem>> -> memref<1x128x128xf32, #tpu.memory_space<vmem>>
          %dma_start3A_117 = tpu.memref_squeeze %dma_start3A_116 : memref<1x128x128xf32, #tpu.memory_space<vmem>> -> memref<128x128xf32, #tpu.memory_space<vmem>>
          %dma_start3A_118 = arith.constant 0 : i32
          %dma_start3A_119 = tpu.memref_slice %arg7[%add3A_111, %dma_start3A_118] : memref<32x128xi32, #tpu.memory_space<vmem>> -> memref<1x128xi32, #tpu.memory_space<vmem>>
          %dma_start3A_120 = tpu.memref_squeeze %dma_start3A_119 : memref<1x128xi32, #tpu.memory_space<vmem>> -> memref<128xi32, #tpu.memory_space<vmem>>
          %dma_start3A_121 = arith.constant 0 : i32
          %dma_start3A_122 = arith.constant 0 : i32
          %dma_start3A_123 = tpu.memref_slice %arg2[%dma_start3A_121, %dma_start3A_122] : memref<10000x128xf32, #tpu.memory_space<hbm>> -> memref<10000x128xf32, #tpu.memory_space<hbm>>
          %dma_start3A_124 = tpu.memref_slice %arg11[%dma_start3A_113] : memref<2x!tpu.dma_semaphore, #tpu.memory_space<semaphore_mem>> -> memref<1x!tpu.dma_semaphore, #tpu.memory_space<semaphore_mem>>
          %dma_start3A_125 = tpu.memref_squeeze %dma_start3A_124 : memref<1x!tpu.dma_semaphore, #tpu.memory_space<semaphore_mem>> -> memref<!tpu.dma_semaphore, #tpu.memory_space<semaphore_mem>>
          tpu.enqueue_indirect_dma source(%dma_start3A_123 : memref<10000x128xf32, #tpu.memory_space<hbm>>) target(%dma_start3A_117 : memref<128x128xf32, #tpu.memory_space<vmem>>) offsets(%dma_start3A_120 : memref<128xi32, #tpu.memory_space<vmem>>) semaphore(%dma_start3A_125 : memref<!tpu.dma_semaphore, #tpu.memory_space<semaphore_mem>>)
        } else {
        }
        %mul3A_84 = arith.constant 2 : i32
        %mul3A_85 = arith.muli %scan3A_62, %mul3A_84 : i32
        %add3A_86 = arith.constant 1 : i32
        %add3A_87 = arith.addi %mul3A_85, %add3A_86 : i32
        %dma_wait3A_88 = arith.constant 1 : i32
        %dma_wait3A_89 = arith.constant 1 : i32
        %dma_wait3A_90 = arith.constant 0 : i32
        %dma_wait3A_91 = arith.constant 0 : i32
        %dma_wait3A_92 = tpu.memref_slice %arg9[%dma_wait3A_88, %dma_wait3A_90, %dma_wait3A_91] : memref<2x128x128xf32, #tpu.memory_space<vmem>> -> memref<1x128x128xf32, #tpu.memory_space<vmem>>
        %dma_wait3A_93 = tpu.memref_squeeze %dma_wait3A_92 : memref<1x128x128xf32, #tpu.memory_space<vmem>> -> memref<128x128xf32, #tpu.memory_space<vmem>>
        %dma_wait3A_94 = arith.constant 0 : i32
        %dma_wait3A_95 = tpu.memref_slice %arg7[%add3A_87, %dma_wait3A_94] : memref<32x128xi32, #tpu.memory_space<vmem>> -> memref<1x128xi32, #tpu.memory_space<vmem>>
        %dma_wait3A_96 = tpu.memref_squeeze %dma_wait3A_95 : memref<1x128xi32, #tpu.memory_space<vmem>> -> memref<128xi32, #tpu.memory_space<vmem>>
        %dma_wait3A_97 = arith.constant 0 : i32
        %dma_wait3A_98 = arith.constant 0 : i32
        %dma_wait3A_99 = tpu.memref_slice %arg2[%dma_wait3A_97, %dma_wait3A_98] : memref<10000x128xf32, #tpu.memory_space<hbm>> -> memref<10000x128xf32, #tpu.memory_space<hbm>>
        %dma_wait3A_100 = tpu.memref_slice %arg11[%dma_wait3A_89] : memref<2x!tpu.dma_semaphore, #tpu.memory_space<semaphore_mem>> -> memref<1x!tpu.dma_semaphore, #tpu.memory_space<semaphore_mem>>
        %dma_wait3A_101 = tpu.memref_squeeze %dma_wait3A_100 : memref<1x!tpu.dma_semaphore, #tpu.memory_space<semaphore_mem>> -> memref<!tpu.dma_semaphore, #tpu.memory_space<semaphore_mem>>
        tpu.wait_indirect_dma semaphore(%dma_wait3A_101 : memref<!tpu.dma_semaphore, #tpu.memory_space<semaphore_mem>>) src(%dma_wait3A_99 : memref<10000x128xf32, #tpu.memory_space<hbm>>) dst(%dma_wait3A_93 : memref<128x128xf32, #tpu.memory_space<vmem>>)
        %run_scoped3A_102 = arith.constant 1 : i32
        "tpu.region"() ({
          %run_scoped3A_110 = tpu.sem_alloc : memref<!tpu.dma_semaphore, #tpu.memory_space<semaphore_mem>>
          %dma_start3A_111 = arith.constant 0 : i32
          %dma_start3A_112 = arith.constant 0 : i32
          %dma_start3A_113 = tpu.memref_slice %arg9[%run_scoped3A_102, %dma_start3A_111, %dma_start3A_112] : memref<2x128x128xf32, #tpu.memory_space<vmem>> -> memref<1x128x128xf32, #tpu.memory_space<vmem>>
          %dma_start3A_114 = tpu.memref_squeeze %dma_start3A_113 : memref<1x128x128xf32, #tpu.memory_space<vmem>> -> memref<128x128xf32, #tpu.memory_space<vmem>>
          %dma_start3A_115 = arith.constant 0 : i32
          %dma_start3A_116 = tpu.memref_slice %arg8[%add3A_87, %dma_start3A_115] : memref<32x128xi32, #tpu.memory_space<vmem>> -> memref<1x128xi32, #tpu.memory_space<vmem>>
          %dma_start3A_117 = tpu.memref_squeeze %dma_start3A_116 : memref<1x128xi32, #tpu.memory_space<vmem>> -> memref<128xi32, #tpu.memory_space<vmem>>
          %dma_start3A_118 = arith.constant 0 : i32
          %dma_start3A_119 = arith.constant 0 : i32
          %dma_start3A_120 = tpu.memref_slice %arg10[%dma_start3A_118, %dma_start3A_119] : memref<10112x128xf32, #tpu.memory_space<vmem_shared>> -> memref<10112x128xf32, #tpu.memory_space<vmem_shared>>
          tpu.enqueue_indirect_dma source(%dma_start3A_114 : memref<128x128xf32, #tpu.memory_space<vmem>>) target(%dma_start3A_120 : memref<10112x128xf32, #tpu.memory_space<vmem_shared>>) offsets(%dma_start3A_117 : memref<128xi32, #tpu.memory_space<vmem>>) semaphore(%run_scoped3A_110 : memref<!tpu.dma_semaphore, #tpu.memory_space<semaphore_mem>>) {add = true}
          %dma_wait3A_121 = arith.constant 0 : i32
          %dma_wait3A_122 = arith.constant 0 : i32
          %dma_wait3A_123 = tpu.memref_slice %arg9[%run_scoped3A_102, %dma_wait3A_121, %dma_wait3A_122] : memref<2x128x128xf32, #tpu.memory_space<vmem>> -> memref<1x128x128xf32, #tpu.memory_space<vmem>>
          %dma_wait3A_124 = tpu.memref_squeeze %dma_wait3A_123 : memref<1x128x128xf32, #tpu.memory_space<vmem>> -> memref<128x128xf32, #tpu.memory_space<vmem>>
          %dma_wait3A_125 = arith.constant 0 : i32
          %dma_wait3A_126 = tpu.memref_slice %arg8[%add3A_87, %dma_wait3A_125] : memref<32x128xi32, #tpu.memory_space<vmem>> -> memref<1x128xi32, #tpu.memory_space<vmem>>
          %dma_wait3A_127 = tpu.memref_squeeze %dma_wait3A_126 : memref<1x128xi32, #tpu.memory_space<vmem>> -> memref<128xi32, #tpu.memory_space<vmem>>
          %dma_wait3A_128 = arith.constant 0 : i32
          %dma_wait3A_129 = arith.constant 0 : i32
          %dma_wait3A_130 = tpu.memref_slice %arg10[%dma_wait3A_128, %dma_wait3A_129] : memref<10112x128xf32, #tpu.memory_space<vmem_shared>> -> memref<10112x128xf32, #tpu.memory_space<vmem_shared>>
          tpu.wait_indirect_dma semaphore(%run_scoped3A_110 : memref<!tpu.dma_semaphore, #tpu.memory_space<semaphore_mem>>) src(%dma_wait3A_124 : memref<128x128xf32, #tpu.memory_space<vmem>>) dst(%dma_wait3A_130 : memref<10112x128xf32, #tpu.memory_space<vmem_shared>>)
          tpu.yield
        }) : () -> ()
        %add3A_103 = arith.constant 1 : i32
        %add3A_104 = arith.addi %scan3A_62, %add3A_103 : i32
        %lt3A_105 = arith.constant 16 : i32
        %lt3A_106 = arith.cmpi slt, %add3A_104, %lt3A_105 : i32
        %convert_element_type3A_107 = arith.extui %lt3A_106 : i1 to i32
        %cond3A_108 = arith.constant 0 : i32
        %cond3A_109 = arith.cmpi ne, %convert_element_type3A_107, %cond3A_108 : i32
        scf.if %cond3A_109 {
          %add3A_110 = arith.constant 2 : i32
          %add3A_111 = arith.addi %add3A_87, %add3A_110 : i32
          %dma_start3A_112 = arith.constant 1 : i32
          %dma_start3A_113 = arith.constant 1 : i32
          %dma_start3A_114 = arith.constant 0 : i32
          %dma_start3A_115 = arith.constant 0 : i32
          %dma_start3A_116 = tpu.memref_slice %arg9[%dma_start3A_112, %dma_start3A_114, %dma_start3A_115] : memref<2x128x128xf32, #tpu.memory_space<vmem>> -> memref<1x128x128xf32, #tpu.memory_space<vmem>>
          %dma_start3A_117 = tpu.memref_squeeze %dma_start3A_116 : memref<1x128x128xf32, #tpu.memory_space<vmem>> -> memref<128x128xf32, #tpu.memory_space<vmem>>
          %dma_start3A_118 = arith.constant 0 : i32
          %dma_start3A_119 = tpu.memref_slice %arg7[%add3A_111, %dma_start3A_118] : memref<32x128xi32, #tpu.memory_space<vmem>> -> memref<1x128xi32, #tpu.memory_space<vmem>>
          %dma_start3A_120 = tpu.memref_squeeze %dma_start3A_119 : memref<1x128xi32, #tpu.memory_space<vmem>> -> memref<128xi32, #tpu.memory_space<vmem>>
          %dma_start3A_121 = arith.constant 0 : i32
          %dma_start3A_122 = arith.constant 0 : i32
          %dma_start3A_123 = tpu.memref_slice %arg2[%dma_start3A_121, %dma_start3A_122] : memref<10000x128xf32, #tpu.memory_space<hbm>> -> memref<10000x128xf32, #tpu.memory_space<hbm>>
          %dma_start3A_124 = tpu.memref_slice %arg11[%dma_start3A_113] : memref<2x!tpu.dma_semaphore, #tpu.memory_space<semaphore_mem>> -> memref<1x!tpu.dma_semaphore, #tpu.memory_space<semaphore_mem>>
          %dma_start3A_125 = tpu.memref_squeeze %dma_start3A_124 : memref<1x!tpu.dma_semaphore, #tpu.memory_space<semaphore_mem>> -> memref<!tpu.dma_semaphore, #tpu.memory_space<semaphore_mem>>
          tpu.enqueue_indirect_dma source(%dma_start3A_123 : memref<10000x128xf32, #tpu.memory_space<hbm>>) target(%dma_start3A_117 : memref<128x128xf32, #tpu.memory_space<vmem>>) offsets(%dma_start3A_120 : memref<128xi32, #tpu.memory_space<vmem>>) semaphore(%dma_start3A_125 : memref<!tpu.dma_semaphore, #tpu.memory_space<semaphore_mem>>)
        } else {
        }
      }
      %scan3A_61 = arith.constant 16 : i32
    }
    %while3A_19 = arith.constant 1 : i32
    scf.for %while3A_25 = %while3A_17 to %while3A_13 step %while3A_19  : i32 {
      %mul3A_26 = arith.constant 32 : i32
      %mul3A_27 = arith.muli %while3A_25, %mul3A_26 : i32
      %add3A_28 = arith.addi %select_n3A_11, %mul3A_27 : i32
      "tpu.region"() ({
        %run_scoped3A = tpu.sem_alloc : memref<!tpu.dma_semaphore, #tpu.memory_space<semaphore_mem>>
        %dma_start3A_62 = arith.constant 0 : i32
        %dma_start3A_63 = tpu.memref_slice %arg3[%add3A_28, %dma_start3A_62] : memref<2560x128xi32, #tpu.memory_space<hbm>> -> memref<32x128xi32, #tpu.memory_space<hbm>>
        %dma_start3A_64 = arith.constant 0 : i32
        %dma_start3A_65 = tpu.memref_slice %arg3[%add3A_28, %dma_start3A_64] : memref<2560x128xi32, #tpu.memory_space<hbm>> -> memref<32x128xi32, #tpu.memory_space<hbm>>
        tpu.enqueue_dma source(%dma_start3A_65 : memref<32x128xi32, #tpu.memory_space<hbm>>) target(%arg7 : memref<32x128xi32, #tpu.memory_space<vmem>>) target_semaphore(%run_scoped3A : memref<!tpu.dma_semaphore, #tpu.memory_space<semaphore_mem>>)
        %dma_wait3A = arith.constant 0 : i32
        %dma_wait3A_66 = tpu.memref_slice %arg3[%add3A_28, %dma_wait3A] : memref<2560x128xi32, #tpu.memory_space<hbm>> -> memref<32x128xi32, #tpu.memory_space<hbm>>
        %dma_wait3A_67 = arith.constant 0 : i32
        %dma_wait3A_68 = tpu.memref_slice %arg3[%add3A_28, %dma_wait3A_67] : memref<2560x128xi32, #tpu.memory_space<hbm>> -> memref<32x128xi32, #tpu.memory_space<hbm>>
        tpu.wait_dma2 semaphore(%run_scoped3A : memref<!tpu.dma_semaphore, #tpu.memory_space<semaphore_mem>>) src(%dma_wait3A_68 : memref<32x128xi32, #tpu.memory_space<hbm>>) dst(%arg7 : memref<32x128xi32, #tpu.memory_space<vmem>>)
        tpu.yield
      }) : () -> ()
      "tpu.region"() ({
        %run_scoped3A = tpu.sem_alloc : memref<!tpu.dma_semaphore, #tpu.memory_space<semaphore_mem>>
        %dma_start3A_62 = arith.constant 0 : i32
        %dma_start3A_63 = tpu.memref_slice %arg4[%add3A_28, %dma_start3A_62] : memref<2560x128xi32, #tpu.memory_space<hbm>> -> memref<32x128xi32, #tpu.memory_space<hbm>>
        %dma_start3A_64 = arith.constant 0 : i32
        %dma_start3A_65 = tpu.memref_slice %arg4[%add3A_28, %dma_start3A_64] : memref<2560x128xi32, #tpu.memory_space<hbm>> -> memref<32x128xi32, #tpu.memory_space<hbm>>
        tpu.enqueue_dma source(%dma_start3A_65 : memref<32x128xi32, #tpu.memory_space<hbm>>) target(%arg8 : memref<32x128xi32, #tpu.memory_space<vmem>>) target_semaphore(%run_scoped3A : memref<!tpu.dma_semaphore, #tpu.memory_space<semaphore_mem>>)
        %dma_wait3A = arith.constant 0 : i32
        %dma_wait3A_66 = tpu.memref_slice %arg4[%add3A_28, %dma_wait3A] : memref<2560x128xi32, #tpu.memory_space<hbm>> -> memref<32x128xi32, #tpu.memory_space<hbm>>
        %dma_wait3A_67 = arith.constant 0 : i32
        %dma_wait3A_68 = tpu.memref_slice %arg4[%add3A_28, %dma_wait3A_67] : memref<2560x128xi32, #tpu.memory_space<hbm>> -> memref<32x128xi32, #tpu.memory_space<hbm>>
        tpu.wait_dma2 semaphore(%run_scoped3A : memref<!tpu.dma_semaphore, #tpu.memory_space<semaphore_mem>>) src(%dma_wait3A_68 : memref<32x128xi32, #tpu.memory_space<hbm>>) dst(%arg8 : memref<32x128xi32, #tpu.memory_space<vmem>>)
        tpu.yield
      }) : () -> ()
      %dma_start3A = arith.constant 0 : i32
      %dma_start3A_29 = arith.constant 0 : i32
      %dma_start3A_30 = arith.constant 0 : i32
      %dma_start3A_31 = arith.constant 0 : i32
      %dma_start3A_32 = arith.constant 0 : i32
      %dma_start3A_33 = tpu.memref_slice %arg9[%dma_start3A_29, %dma_start3A_31, %dma_start3A_32] : memref<2x128x128xf32, #tpu.memory_space<vmem>> -> memref<1x128x128xf32, #tpu.memory_space<vmem>>
      %dma_start3A_34 = tpu.memref_squeeze %dma_start3A_33 : memref<1x128x128xf32, #tpu.memory_space<vmem>> -> memref<128x128xf32, #tpu.memory_space<vmem>>
      %dma_start3A_35 = arith.constant 0 : i32
      %dma_start3A_36 = tpu.memref_slice %arg7[%dma_start3A, %dma_start3A_35] : memref<32x128xi32, #tpu.memory_space<vmem>> -> memref<1x128xi32, #tpu.memory_space<vmem>>
      %dma_start3A_37 = tpu.memref_squeeze %dma_start3A_36 : memref<1x128xi32, #tpu.memory_space<vmem>> -> memref<128xi32, #tpu.memory_space<vmem>>
      %dma_start3A_38 = arith.constant 0 : i32
      %dma_start3A_39 = arith.constant 0 : i32
      %dma_start3A_40 = tpu.memref_slice %arg2[%dma_start3A_38, %dma_start3A_39] : memref<10000x128xf32, #tpu.memory_space<hbm>> -> memref<10000x128xf32, #tpu.memory_space<hbm>>
      %dma_start3A_41 = tpu.memref_slice %arg11[%dma_start3A_30] : memref<2x!tpu.dma_semaphore, #tpu.memory_space<semaphore_mem>> -> memref<1x!tpu.dma_semaphore, #tpu.memory_space<semaphore_mem>>
      %dma_start3A_42 = tpu.memref_squeeze %dma_start3A_41 : memref<1x!tpu.dma_semaphore, #tpu.memory_space<semaphore_mem>> -> memref<!tpu.dma_semaphore, #tpu.memory_space<semaphore_mem>>
      tpu.enqueue_indirect_dma source(%dma_start3A_40 : memref<10000x128xf32, #tpu.memory_space<hbm>>) target(%dma_start3A_34 : memref<128x128xf32, #tpu.memory_space<vmem>>) offsets(%dma_start3A_37 : memref<128xi32, #tpu.memory_space<vmem>>) semaphore(%dma_start3A_42 : memref<!tpu.dma_semaphore, #tpu.memory_space<semaphore_mem>>)
      %dma_start3A_43 = arith.constant 1 : i32
      %dma_start3A_44 = arith.constant 1 : i32
      %dma_start3A_45 = arith.constant 1 : i32
      %dma_start3A_46 = arith.constant 0 : i32
      %dma_start3A_47 = arith.constant 0 : i32
      %dma_start3A_48 = tpu.memref_slice %arg9[%dma_start3A_44, %dma_start3A_46, %dma_start3A_47] : memref<2x128x128xf32, #tpu.memory_space<vmem>> -> memref<1x128x128xf32, #tpu.memory_space<vmem>>
      %dma_start3A_49 = tpu.memref_squeeze %dma_start3A_48 : memref<1x128x128xf32, #tpu.memory_space<vmem>> -> memref<128x128xf32, #tpu.memory_space<vmem>>
      %dma_start3A_50 = arith.constant 0 : i32
      %dma_start3A_51 = tpu.memref_slice %arg7[%dma_start3A_43, %dma_start3A_50] : memref<32x128xi32, #tpu.memory_space<vmem>> -> memref<1x128xi32, #tpu.memory_space<vmem>>
      %dma_start3A_52 = tpu.memref_squeeze %dma_start3A_51 : memref<1x128xi32, #tpu.memory_space<vmem>> -> memref<128xi32, #tpu.memory_space<vmem>>
      %dma_start3A_53 = arith.constant 0 : i32
      %dma_start3A_54 = arith.constant 0 : i32
      %dma_start3A_55 = tpu.memref_slice %arg2[%dma_start3A_53, %dma_start3A_54] : memref<10000x128xf32, #tpu.memory_space<hbm>> -> memref<10000x128xf32, #tpu.memory_space<hbm>>
      %dma_start3A_56 = tpu.memref_slice %arg11[%dma_start3A_45] : memref<2x!tpu.dma_semaphore, #tpu.memory_space<semaphore_mem>> -> memref<1x!tpu.dma_semaphore, #tpu.memory_space<semaphore_mem>>
      %dma_start3A_57 = tpu.memref_squeeze %dma_start3A_56 : memref<1x!tpu.dma_semaphore, #tpu.memory_space<semaphore_mem>> -> memref<!tpu.dma_semaphore, #tpu.memory_space<semaphore_mem>>
      tpu.enqueue_indirect_dma source(%dma_start3A_55 : memref<10000x128xf32, #tpu.memory_space<hbm>>) target(%dma_start3A_49 : memref<128x128xf32, #tpu.memory_space<vmem>>) offsets(%dma_start3A_52 : memref<128xi32, #tpu.memory_space<vmem>>) semaphore(%dma_start3A_57 : memref<!tpu.dma_semaphore, #tpu.memory_space<semaphore_mem>>)
      %scan3A = arith.constant 0 : i32
      %scan3A_58 = arith.constant 16 : i32
      %scan3A_59 = arith.addi %scan3A, %scan3A_58 : i32
      %scan3A_60 = arith.constant 1 : i32
      scf.for %scan3A_62 = %scan3A to %scan3A_59 step %scan3A_60  : i32 {
        %mul3A_63 = arith.constant 2 : i32
        %mul3A_64 = arith.muli %scan3A_62, %mul3A_63 : i32
        %add3A_65 = arith.constant 0 : i32
        %add3A_66 = arith.addi %mul3A_64, %add3A_65 : i32
        %dma_wait3A = arith.constant 0 : i32
        %dma_wait3A_67 = arith.constant 0 : i32
        %dma_wait3A_68 = arith.constant 0 : i32
        %dma_wait3A_69 = arith.constant 0 : i32
        %dma_wait3A_70 = tpu.memref_slice %arg9[%dma_wait3A, %dma_wait3A_68, %dma_wait3A_69] : memref<2x128x128xf32, #tpu.memory_space<vmem>> -> memref<1x128x128xf32, #tpu.memory_space<vmem>>
        %dma_wait3A_71 = tpu.memref_squeeze %dma_wait3A_70 : memref<1x128x128xf32, #tpu.memory_space<vmem>> -> memref<128x128xf32, #tpu.memory_space<vmem>>
        %dma_wait3A_72 = arith.constant 0 : i32
        %dma_wait3A_73 = tpu.memref_slice %arg7[%add3A_66, %dma_wait3A_72] : memref<32x128xi32, #tpu.memory_space<vmem>> -> memref<1x128xi32, #tpu.memory_space<vmem>>
        %dma_wait3A_74 = tpu.memref_squeeze %dma_wait3A_73 : memref<1x128xi32, #tpu.memory_space<vmem>> -> memref<128xi32, #tpu.memory_space<vmem>>
        %dma_wait3A_75 = arith.constant 0 : i32
        %dma_wait3A_76 = arith.constant 0 : i32
        %dma_wait3A_77 = tpu.memref_slice %arg2[%dma_wait3A_75, %dma_wait3A_76] : memref<10000x128xf32, #tpu.memory_space<hbm>> -> memref<10000x128xf32, #tpu.memory_space<hbm>>
        %dma_wait3A_78 = tpu.memref_slice %arg11[%dma_wait3A_67] : memref<2x!tpu.dma_semaphore, #tpu.memory_space<semaphore_mem>> -> memref<1x!tpu.dma_semaphore, #tpu.memory_space<semaphore_mem>>
        %dma_wait3A_79 = tpu.memref_squeeze %dma_wait3A_78 : memref<1x!tpu.dma_semaphore, #tpu.memory_space<semaphore_mem>> -> memref<!tpu.dma_semaphore, #tpu.memory_space<semaphore_mem>>
        tpu.wait_indirect_dma semaphore(%dma_wait3A_79 : memref<!tpu.dma_semaphore, #tpu.memory_space<semaphore_mem>>) src(%dma_wait3A_77 : memref<10000x128xf32, #tpu.memory_space<hbm>>) dst(%dma_wait3A_71 : memref<128x128xf32, #tpu.memory_space<vmem>>)
        %run_scoped3A = arith.constant 0 : i32
        "tpu.region"() ({
          %run_scoped3A_110 = tpu.sem_alloc : memref<!tpu.dma_semaphore, #tpu.memory_space<semaphore_mem>>
          %dma_start3A_111 = arith.constant 0 : i32
          %dma_start3A_112 = arith.constant 0 : i32
          %dma_start3A_113 = tpu.memref_slice %arg9[%run_scoped3A, %dma_start3A_111, %dma_start3A_112] : memref<2x128x128xf32, #tpu.memory_space<vmem>> -> memref<1x128x128xf32, #tpu.memory_space<vmem>>
          %dma_start3A_114 = tpu.memref_squeeze %dma_start3A_113 : memref<1x128x128xf32, #tpu.memory_space<vmem>> -> memref<128x128xf32, #tpu.memory_space<vmem>>
          %dma_start3A_115 = arith.constant 0 : i32
          %dma_start3A_116 = tpu.memref_slice %arg8[%add3A_66, %dma_start3A_115] : memref<32x128xi32, #tpu.memory_space<vmem>> -> memref<1x128xi32, #tpu.memory_space<vmem>>
          %dma_start3A_117 = tpu.memref_squeeze %dma_start3A_116 : memref<1x128xi32, #tpu.memory_space<vmem>> -> memref<128xi32, #tpu.memory_space<vmem>>
          %dma_start3A_118 = arith.constant 0 : i32
          %dma_start3A_119 = arith.constant 0 : i32
          %dma_start3A_120 = tpu.memref_slice %arg10[%dma_start3A_118, %dma_start3A_119] : memref<10112x128xf32, #tpu.memory_space<vmem_shared>> -> memref<10112x128xf32, #tpu.memory_space<vmem_shared>>
          tpu.enqueue_indirect_dma source(%dma_start3A_114 : memref<128x128xf32, #tpu.memory_space<vmem>>) target(%dma_start3A_120 : memref<10112x128xf32, #tpu.memory_space<vmem_shared>>) offsets(%dma_start3A_117 : memref<128xi32, #tpu.memory_space<vmem>>) semaphore(%run_scoped3A_110 : memref<!tpu.dma_semaphore, #tpu.memory_space<semaphore_mem>>) {add = true}
          %dma_wait3A_121 = arith.constant 0 : i32
          %dma_wait3A_122 = arith.constant 0 : i32
          %dma_wait3A_123 = tpu.memref_slice %arg9[%run_scoped3A, %dma_wait3A_121, %dma_wait3A_122] : memref<2x128x128xf32, #tpu.memory_space<vmem>> -> memref<1x128x128xf32, #tpu.memory_space<vmem>>
          %dma_wait3A_124 = tpu.memref_squeeze %dma_wait3A_123 : memref<1x128x128xf32, #tpu.memory_space<vmem>> -> memref<128x128xf32, #tpu.memory_space<vmem>>
          %dma_wait3A_125 = arith.constant 0 : i32
          %dma_wait3A_126 = tpu.memref_slice %arg8[%add3A_66, %dma_wait3A_125] : memref<32x128xi32, #tpu.memory_space<vmem>> -> memref<1x128xi32, #tpu.memory_space<vmem>>
          %dma_wait3A_127 = tpu.memref_squeeze %dma_wait3A_126 : memref<1x128xi32, #tpu.memory_space<vmem>> -> memref<128xi32, #tpu.memory_space<vmem>>
          %dma_wait3A_128 = arith.constant 0 : i32
          %dma_wait3A_129 = arith.constant 0 : i32
          %dma_wait3A_130 = tpu.memref_slice %arg10[%dma_wait3A_128, %dma_wait3A_129] : memref<10112x128xf32, #tpu.memory_space<vmem_shared>> -> memref<10112x128xf32, #tpu.memory_space<vmem_shared>>
          tpu.wait_indirect_dma semaphore(%run_scoped3A_110 : memref<!tpu.dma_semaphore, #tpu.memory_space<semaphore_mem>>) src(%dma_wait3A_124 : memref<128x128xf32, #tpu.memory_space<vmem>>) dst(%dma_wait3A_130 : memref<10112x128xf32, #tpu.memory_space<vmem_shared>>)
          tpu.yield
        }) : () -> ()
        %add3A_80 = arith.constant 1 : i32
        %add3A_81 = arith.addi %scan3A_62, %add3A_80 : i32
        %lt3A = arith.constant 16 : i32
        %lt3A_82 = arith.cmpi slt, %add3A_81, %lt3A : i32
        %convert_element_type3A = arith.extui %lt3A_82 : i1 to i32
        %cond3A = arith.constant 0 : i32
        %cond3A_83 = arith.cmpi ne, %convert_element_type3A, %cond3A : i32
        scf.if %cond3A_83 {
          %add3A_110 = arith.constant 2 : i32
          %add3A_111 = arith.addi %add3A_66, %add3A_110 : i32
          %dma_start3A_112 = arith.constant 0 : i32
          %dma_start3A_113 = arith.constant 0 : i32
          %dma_start3A_114 = arith.constant 0 : i32
          %dma_start3A_115 = arith.constant 0 : i32
          %dma_start3A_116 = tpu.memref_slice %arg9[%dma_start3A_112, %dma_start3A_114, %dma_start3A_115] : memref<2x128x128xf32, #tpu.memory_space<vmem>> -> memref<1x128x128xf32, #tpu.memory_space<vmem>>
          %dma_start3A_117 = tpu.memref_squeeze %dma_start3A_116 : memref<1x128x128xf32, #tpu.memory_space<vmem>> -> memref<128x128xf32, #tpu.memory_space<vmem>>
          %dma_start3A_118 = arith.constant 0 : i32
          %dma_start3A_119 = tpu.memref_slice %arg7[%add3A_111, %dma_start3A_118] : memref<32x128xi32, #tpu.memory_space<vmem>> -> memref<1x128xi32, #tpu.memory_space<vmem>>
          %dma_start3A_120 = tpu.memref_squeeze %dma_start3A_119 : memref<1x128xi32, #tpu.memory_space<vmem>> -> memref<128xi32, #tpu.memory_space<vmem>>
          %dma_start3A_121 = arith.constant 0 : i32
          %dma_start3A_122 = arith.constant 0 : i32
          %dma_start3A_123 = tpu.memref_slice %arg2[%dma_start3A_121, %dma_start3A_122] : memref<10000x128xf32, #tpu.memory_space<hbm>> -> memref<10000x128xf32, #tpu.memory_space<hbm>>
          %dma_start3A_124 = tpu.memref_slice %arg11[%dma_start3A_113] : memref<2x!tpu.dma_semaphore, #tpu.memory_space<semaphore_mem>> -> memref<1x!tpu.dma_semaphore, #tpu.memory_space<semaphore_mem>>
          %dma_start3A_125 = tpu.memref_squeeze %dma_start3A_124 : memref<1x!tpu.dma_semaphore, #tpu.memory_space<semaphore_mem>> -> memref<!tpu.dma_semaphore, #tpu.memory_space<semaphore_mem>>
          tpu.enqueue_indirect_dma source(%dma_start3A_123 : memref<10000x128xf32, #tpu.memory_space<hbm>>) target(%dma_start3A_117 : memref<128x128xf32, #tpu.memory_space<vmem>>) offsets(%dma_start3A_120 : memref<128xi32, #tpu.memory_space<vmem>>) semaphore(%dma_start3A_125 : memref<!tpu.dma_semaphore, #tpu.memory_space<semaphore_mem>>)
        } else {
        }
        %mul3A_84 = arith.constant 2 : i32
        %mul3A_85 = arith.muli %scan3A_62, %mul3A_84 : i32
        %add3A_86 = arith.constant 1 : i32
        %add3A_87 = arith.addi %mul3A_85, %add3A_86 : i32
        %dma_wait3A_88 = arith.constant 1 : i32
        %dma_wait3A_89 = arith.constant 1 : i32
        %dma_wait3A_90 = arith.constant 0 : i32
        %dma_wait3A_91 = arith.constant 0 : i32
        %dma_wait3A_92 = tpu.memref_slice %arg9[%dma_wait3A_88, %dma_wait3A_90, %dma_wait3A_91] : memref<2x128x128xf32, #tpu.memory_space<vmem>> -> memref<1x128x128xf32, #tpu.memory_space<vmem>>
        %dma_wait3A_93 = tpu.memref_squeeze %dma_wait3A_92 : memref<1x128x128xf32, #tpu.memory_space<vmem>> -> memref<128x128xf32, #tpu.memory_space<vmem>>
        %dma_wait3A_94 = arith.constant 0 : i32
        %dma_wait3A_95 = tpu.memref_slice %arg7[%add3A_87, %dma_wait3A_94] : memref<32x128xi32, #tpu.memory_space<vmem>> -> memref<1x128xi32, #tpu.memory_space<vmem>>
        %dma_wait3A_96 = tpu.memref_squeeze %dma_wait3A_95 : memref<1x128xi32, #tpu.memory_space<vmem>> -> memref<128xi32, #tpu.memory_space<vmem>>
        %dma_wait3A_97 = arith.constant 0 : i32
        %dma_wait3A_98 = arith.constant 0 : i32
        %dma_wait3A_99 = tpu.memref_slice %arg2[%dma_wait3A_97, %dma_wait3A_98] : memref<10000x128xf32, #tpu.memory_space<hbm>> -> memref<10000x128xf32, #tpu.memory_space<hbm>>
        %dma_wait3A_100 = tpu.memref_slice %arg11[%dma_wait3A_89] : memref<2x!tpu.dma_semaphore, #tpu.memory_space<semaphore_mem>> -> memref<1x!tpu.dma_semaphore, #tpu.memory_space<semaphore_mem>>
        %dma_wait3A_101 = tpu.memref_squeeze %dma_wait3A_100 : memref<1x!tpu.dma_semaphore, #tpu.memory_space<semaphore_mem>> -> memref<!tpu.dma_semaphore, #tpu.memory_space<semaphore_mem>>
        tpu.wait_indirect_dma semaphore(%dma_wait3A_101 : memref<!tpu.dma_semaphore, #tpu.memory_space<semaphore_mem>>) src(%dma_wait3A_99 : memref<10000x128xf32, #tpu.memory_space<hbm>>) dst(%dma_wait3A_93 : memref<128x128xf32, #tpu.memory_space<vmem>>)
        %run_scoped3A_102 = arith.constant 1 : i32
        "tpu.region"() ({
          %run_scoped3A_110 = tpu.sem_alloc : memref<!tpu.dma_semaphore, #tpu.memory_space<semaphore_mem>>
          %dma_start3A_111 = arith.constant 0 : i32
          %dma_start3A_112 = arith.constant 0 : i32
          %dma_start3A_113 = tpu.memref_slice %arg9[%run_scoped3A_102, %dma_start3A_111, %dma_start3A_112] : memref<2x128x128xf32, #tpu.memory_space<vmem>> -> memref<1x128x128xf32, #tpu.memory_space<vmem>>
          %dma_start3A_114 = tpu.memref_squeeze %dma_start3A_113 : memref<1x128x128xf32, #tpu.memory_space<vmem>> -> memref<128x128xf32, #tpu.memory_space<vmem>>
          %dma_start3A_115 = arith.constant 0 : i32
          %dma_start3A_116 = tpu.memref_slice %arg8[%add3A_87, %dma_start3A_115] : memref<32x128xi32, #tpu.memory_space<vmem>> -> memref<1x128xi32, #tpu.memory_space<vmem>>
          %dma_start3A_117 = tpu.memref_squeeze %dma_start3A_116 : memref<1x128xi32, #tpu.memory_space<vmem>> -> memref<128xi32, #tpu.memory_space<vmem>>
          %dma_start3A_118 = arith.constant 0 : i32
          %dma_start3A_119 = arith.constant 0 : i32
          %dma_start3A_120 = tpu.memref_slice %arg10[%dma_start3A_118, %dma_start3A_119] : memref<10112x128xf32, #tpu.memory_space<vmem_shared>> -> memref<10112x128xf32, #tpu.memory_space<vmem_shared>>
          tpu.enqueue_indirect_dma source(%dma_start3A_114 : memref<128x128xf32, #tpu.memory_space<vmem>>) target(%dma_start3A_120 : memref<10112x128xf32, #tpu.memory_space<vmem_shared>>) offsets(%dma_start3A_117 : memref<128xi32, #tpu.memory_space<vmem>>) semaphore(%run_scoped3A_110 : memref<!tpu.dma_semaphore, #tpu.memory_space<semaphore_mem>>) {add = true}
          %dma_wait3A_121 = arith.constant 0 : i32
          %dma_wait3A_122 = arith.constant 0 : i32
          %dma_wait3A_123 = tpu.memref_slice %arg9[%run_scoped3A_102, %dma_wait3A_121, %dma_wait3A_122] : memref<2x128x128xf32, #tpu.memory_space<vmem>> -> memref<1x128x128xf32, #tpu.memory_space<vmem>>
          %dma_wait3A_124 = tpu.memref_squeeze %dma_wait3A_123 : memref<1x128x128xf32, #tpu.memory_space<vmem>> -> memref<128x128xf32, #tpu.memory_space<vmem>>
          %dma_wait3A_125 = arith.constant 0 : i32
          %dma_wait3A_126 = tpu.memref_slice %arg8[%add3A_87, %dma_wait3A_125] : memref<32x128xi32, #tpu.memory_space<vmem>> -> memref<1x128xi32, #tpu.memory_space<vmem>>
          %dma_wait3A_127 = tpu.memref_squeeze %dma_wait3A_126 : memref<1x128xi32, #tpu.memory_space<vmem>> -> memref<128xi32, #tpu.memory_space<vmem>>
          %dma_wait3A_128 = arith.constant 0 : i32
          %dma_wait3A_129 = arith.constant 0 : i32
          %dma_wait3A_130 = tpu.memref_slice %arg10[%dma_wait3A_128, %dma_wait3A_129] : memref<10112x128xf32, #tpu.memory_space<vmem_shared>> -> memref<10112x128xf32, #tpu.memory_space<vmem_shared>>
          tpu.wait_indirect_dma semaphore(%run_scoped3A_110 : memref<!tpu.dma_semaphore, #tpu.memory_space<semaphore_mem>>) src(%dma_wait3A_124 : memref<128x128xf32, #tpu.memory_space<vmem>>) dst(%dma_wait3A_130 : memref<10112x128xf32, #tpu.memory_space<vmem_shared>>)
          tpu.yield
        }) : () -> ()
        %add3A_103 = arith.constant 1 : i32
        %add3A_104 = arith.addi %scan3A_62, %add3A_103 : i32
        %lt3A_105 = arith.constant 16 : i32
        %lt3A_106 = arith.cmpi slt, %add3A_104, %lt3A_105 : i32
        %convert_element_type3A_107 = arith.extui %lt3A_106 : i1 to i32
        %cond3A_108 = arith.constant 0 : i32
        %cond3A_109 = arith.cmpi ne, %convert_element_type3A_107, %cond3A_108 : i32
        scf.if %cond3A_109 {
          %add3A_110 = arith.constant 2 : i32
          %add3A_111 = arith.addi %add3A_87, %add3A_110 : i32
          %dma_start3A_112 = arith.constant 1 : i32
          %dma_start3A_113 = arith.constant 1 : i32
          %dma_start3A_114 = arith.constant 0 : i32
          %dma_start3A_115 = arith.constant 0 : i32
          %dma_start3A_116 = tpu.memref_slice %arg9[%dma_start3A_112, %dma_start3A_114, %dma_start3A_115] : memref<2x128x128xf32, #tpu.memory_space<vmem>> -> memref<1x128x128xf32, #tpu.memory_space<vmem>>
          %dma_start3A_117 = tpu.memref_squeeze %dma_start3A_116 : memref<1x128x128xf32, #tpu.memory_space<vmem>> -> memref<128x128xf32, #tpu.memory_space<vmem>>
          %dma_start3A_118 = arith.constant 0 : i32
          %dma_start3A_119 = tpu.memref_slice %arg7[%add3A_111, %dma_start3A_118] : memref<32x128xi32, #tpu.memory_space<vmem>> -> memref<1x128xi32, #tpu.memory_space<vmem>>
          %dma_start3A_120 = tpu.memref_squeeze %dma_start3A_119 : memref<1x128xi32, #tpu.memory_space<vmem>> -> memref<128xi32, #tpu.memory_space<vmem>>
          %dma_start3A_121 = arith.constant 0 : i32
          %dma_start3A_122 = arith.constant 0 : i32
          %dma_start3A_123 = tpu.memref_slice %arg2[%dma_start3A_121, %dma_start3A_122] : memref<10000x128xf32, #tpu.memory_space<hbm>> -> memref<10000x128xf32, #tpu.memory_space<hbm>>
          %dma_start3A_124 = tpu.memref_slice %arg11[%dma_start3A_113] : memref<2x!tpu.dma_semaphore, #tpu.memory_space<semaphore_mem>> -> memref<1x!tpu.dma_semaphore, #tpu.memory_space<semaphore_mem>>
          %dma_start3A_125 = tpu.memref_squeeze %dma_start3A_124 : memref<1x!tpu.dma_semaphore, #tpu.memory_space<semaphore_mem>> -> memref<!tpu.dma_semaphore, #tpu.memory_space<semaphore_mem>>
          tpu.enqueue_indirect_dma source(%dma_start3A_123 : memref<10000x128xf32, #tpu.memory_space<hbm>>) target(%dma_start3A_117 : memref<128x128xf32, #tpu.memory_space<vmem>>) offsets(%dma_start3A_120 : memref<128xi32, #tpu.memory_space<vmem>>) semaphore(%dma_start3A_125 : memref<!tpu.dma_semaphore, #tpu.memory_space<semaphore_mem>>)
        } else {
        }
      }
      %scan3A_61 = arith.constant 16 : i32
    }
    %barrier3A_20 = arith.constant 0 : index
    tpu.barrier barrier_id(%barrier3A_20)
    %mul3A_21 = arith.constant 632 : i32
    %mul3A_22 = arith.muli %arg1, %mul3A_21 : i32
    %mul3A_23 = arith.constant 632 : i32
    %mul3A_24 = arith.muli %arg1, %mul3A_23 : i32
    "tpu.region"() ({
      %run_scoped3A = tpu.sem_alloc : memref<!tpu.dma_semaphore, #tpu.memory_space<semaphore_mem>>
      %dma_start3A = arith.constant 0 : i32
      %dma_start3A_25 = tpu.memref_slice %arg6[%arg0, %mul3A_24, %dma_start3A] : memref<2x10112x128xf32, #tpu.memory_space<hbm>> -> memref<1x632x128xf32, #tpu.memory_space<hbm>>
      %dma_start3A_26 = tpu.memref_squeeze %dma_start3A_25 : memref<1x632x128xf32, #tpu.memory_space<hbm>> -> memref<632x128xf32, #tpu.memory_space<hbm>>
      %dma_start3A_27 = arith.constant 0 : i32
      %dma_start3A_28 = tpu.memref_slice %arg10[%mul3A_22, %dma_start3A_27] : memref<10112x128xf32, #tpu.memory_space<vmem_shared>> -> memref<632x128xf32, #tpu.memory_space<vmem_shared>>
      tpu.enqueue_dma source(%dma_start3A_28 : memref<632x128xf32, #tpu.memory_space<vmem_shared>>) target(%dma_start3A_26 : memref<632x128xf32, #tpu.memory_space<hbm>>) target_semaphore(%run_scoped3A : memref<!tpu.dma_semaphore, #tpu.memory_space<semaphore_mem>>)
      %dma_wait3A = arith.constant 0 : i32
      %dma_wait3A_29 = tpu.memref_slice %arg6[%arg0, %mul3A_24, %dma_wait3A] : memref<2x10112x128xf32, #tpu.memory_space<hbm>> -> memref<1x632x128xf32, #tpu.memory_space<hbm>>
      %dma_wait3A_30 = tpu.memref_squeeze %dma_wait3A_29 : memref<1x632x128xf32, #tpu.memory_space<hbm>> -> memref<632x128xf32, #tpu.memory_space<hbm>>
      %dma_wait3A_31 = arith.constant 0 : i32
      %dma_wait3A_32 = tpu.memref_slice %arg10[%mul3A_22, %dma_wait3A_31] : memref<10112x128xf32, #tpu.memory_space<vmem_shared>> -> memref<632x128xf32, #tpu.memory_space<vmem_shared>>
      tpu.wait_dma2 semaphore(%run_scoped3A : memref<!tpu.dma_semaphore, #tpu.memory_space<semaphore_mem>>) src(%dma_wait3A_32 : memref<632x128xf32, #tpu.memory_space<vmem_shared>>) dst(%dma_wait3A_30 : memref<632x128xf32, #tpu.memory_space<hbm>>)
      tpu.yield
    }) : () -> ()
    return
  }
}

#map = affine_map<(d0, d1) -> (0)>
#map1 = affine_map<(d0, d1) -> (0, 0)>
module attributes {stable_mosaic.version = 14 : i64} {
  func.func @deg_kernel(%arg0: i32, %arg1: i32, %arg2: memref<327680xi32, #tpu.memory_space<hbm>>, %arg3: memref<32x10112xf32, #tpu.memory_space<hbm>>, %arg4: memref<10240xi32, #tpu.memory_space<vmem>>, %arg5: memref<10112xf32, #tpu.memory_space<vmem>>) attributes {dimension_semantics = [#tpu.dimension_semantics<core_parallel>, #tpu.dimension_semantics<subcore_parallel>], iteration_bounds = array<i64: 2, 16>, scalar_prefetch = 0 : i64, scratch_operands = 2 : i64, tpu.core_type = #tpu.core_type<sc_vector_subcore>, window_params = [{transform_indices = #map}, {transform_indices = #map1}]} {
    %mul3A = arith.constant 16 : i32
    %mul3A_0 = arith.muli %arg0, %mul3A : i32
    %add3A = arith.addi %mul3A_0, %arg1 : i32
    %mul3A_1 = arith.constant 10240 : i32
    %mul3A_2 = arith.muli %add3A, %mul3A_1 : i32
    "tpu.region"() ({
      %run_scoped3A = tpu.sem_alloc : memref<!tpu.dma_semaphore, #tpu.memory_space<semaphore_mem>>
      %dma_start3A = tpu.memref_slice %arg2[%mul3A_2] : memref<327680xi32, #tpu.memory_space<hbm>> -> memref<10240xi32, #tpu.memory_space<hbm>>
      %dma_start3A_15 = tpu.memref_slice %arg2[%mul3A_2] : memref<327680xi32, #tpu.memory_space<hbm>> -> memref<10240xi32, #tpu.memory_space<hbm>>
      tpu.enqueue_dma source(%dma_start3A_15 : memref<10240xi32, #tpu.memory_space<hbm>>) target(%arg4 : memref<10240xi32, #tpu.memory_space<vmem>>) target_semaphore(%run_scoped3A : memref<!tpu.dma_semaphore, #tpu.memory_space<semaphore_mem>>)
      %dma_wait3A = tpu.memref_slice %arg2[%mul3A_2] : memref<327680xi32, #tpu.memory_space<hbm>> -> memref<10240xi32, #tpu.memory_space<hbm>>
      %dma_wait3A_16 = tpu.memref_slice %arg2[%mul3A_2] : memref<327680xi32, #tpu.memory_space<hbm>> -> memref<10240xi32, #tpu.memory_space<hbm>>
      tpu.wait_dma2 semaphore(%run_scoped3A : memref<!tpu.dma_semaphore, #tpu.memory_space<semaphore_mem>>) src(%dma_wait3A_16 : memref<10240xi32, #tpu.memory_space<hbm>>) dst(%arg4 : memref<10240xi32, #tpu.memory_space<vmem>>)
      tpu.yield
    }) : () -> ()
    %broadcast_in_dim3A = arith.constant 0.000000e+00 : f32
    %broadcast_in_dim3A_3 = vector.broadcast %broadcast_in_dim3A : f32 to vector<16xf32>
    %scan3A = arith.constant 0 : i32
    %scan3A_4 = arith.constant 632 : i32
    %scan3A_5 = arith.addi %scan3A, %scan3A_4 : i32
    %scan3A_6 = arith.constant 1 : i32
    scf.for %scan3A_15 = %scan3A to %scan3A_5 step %scan3A_6  : i32 {
      %mul3A_16 = arith.constant 16 : i32
      %mul3A_17 = arith.muli %scan3A_15, %mul3A_16 : i32
      %swap3A = arith.index_cast %mul3A_17 : i32 to index
      %swap3A_18 = tpu.vector_load %arg5[%swap3A] {strides = array<i32>} : memref<10112xf32, #tpu.memory_space<vmem>>, vector<16xf32>,
      tpu.vector_store %arg5[%swap3A], %broadcast_in_dim3A_3 {strides = array<i32>} : memref<10112xf32, #tpu.memory_space<vmem>>, vector<16xf32>,
    }
    %scan3A_7 = arith.constant 632 : i32
    %broadcast_in_dim3A_8 = arith.constant 1.000000e+00 : f32
    %broadcast_in_dim3A_9 = vector.broadcast %broadcast_in_dim3A_8 : f32 to vector<16xf32>
    %scan3A_10 = arith.constant 0 : i32
    %scan3A_11 = arith.constant 640 : i32
    %scan3A_12 = arith.addi %scan3A_10, %scan3A_11 : i32
    %scan3A_13 = arith.constant 1 : i32
    scf.for %scan3A_15 = %scan3A_10 to %scan3A_12 step %scan3A_13  : i32 {
      %mul3A_16 = arith.constant 16 : i32
      %mul3A_17 = arith.muli %scan3A_15, %mul3A_16 : i32
      %get3A = arith.index_cast %mul3A_17 : i32 to index
      %get3A_18 = tpu.vector_load %arg4[%get3A] {strides = array<i32>} : memref<10240xi32, #tpu.memory_space<vmem>>, vector<16xi32>,
      tpu.vector_store_idx %arg5[%get3A_18], %broadcast_in_dim3A_9 {add = true} : memref<10112xf32, #tpu.memory_space<vmem>>[vector<16xi32>], vector<16xf32>,
    }
    %scan3A_14 = arith.constant 640 : i32
    "tpu.region"() ({
      %run_scoped3A = tpu.sem_alloc : memref<!tpu.dma_semaphore, #tpu.memory_space<semaphore_mem>>
      %dma_start3A = arith.constant 0 : i32
      %dma_start3A_15 = tpu.memref_slice %arg3[%add3A, %dma_start3A] : memref<32x10112xf32, #tpu.memory_space<hbm>> -> memref<1x10112xf32, #tpu.memory_space<hbm>>
      %dma_start3A_16 = tpu.memref_squeeze %dma_start3A_15 : memref<1x10112xf32, #tpu.memory_space<hbm>> -> memref<10112xf32, #tpu.memory_space<hbm>>
      %dma_start3A_17 = arith.constant 0 : i32
      %dma_start3A_18 = tpu.memref_slice %arg3[%add3A, %dma_start3A_17] : memref<32x10112xf32, #tpu.memory_space<hbm>> -> memref<1x10112xf32, #tpu.memory_space<hbm>>
      %dma_start3A_19 = tpu.memref_squeeze %dma_start3A_18 : memref<1x10112xf32, #tpu.memory_space<hbm>> -> memref<10112xf32, #tpu.memory_space<hbm>>
      tpu.enqueue_dma source(%arg5 : memref<10112xf32, #tpu.memory_space<vmem>>) target(%dma_start3A_19 : memref<10112xf32, #tpu.memory_space<hbm>>) target_semaphore(%run_scoped3A : memref<!tpu.dma_semaphore, #tpu.memory_space<semaphore_mem>>)
      %dma_wait3A = arith.constant 0 : i32
      %dma_wait3A_20 = tpu.memref_slice %arg3[%add3A, %dma_wait3A] : memref<32x10112xf32, #tpu.memory_space<hbm>> -> memref<1x10112xf32, #tpu.memory_space<hbm>>
      %dma_wait3A_21 = tpu.memref_squeeze %dma_wait3A_20 : memref<1x10112xf32, #tpu.memory_space<hbm>> -> memref<10112xf32, #tpu.memory_space<hbm>>
      %dma_wait3A_22 = arith.constant 0 : i32
      %dma_wait3A_23 = tpu.memref_slice %arg3[%add3A, %dma_wait3A_22] : memref<32x10112xf32, #tpu.memory_space<hbm>> -> memref<1x10112xf32, #tpu.memory_space<hbm>>
      %dma_wait3A_24 = tpu.memref_squeeze %dma_wait3A_23 : memref<1x10112xf32, #tpu.memory_space<hbm>> -> memref<10112xf32, #tpu.memory_space<hbm>>
      tpu.wait_dma2 semaphore(%run_scoped3A : memref<!tpu.dma_semaphore, #tpu.memory_space<semaphore_mem>>) src(%arg5 : memref<10112xf32, #tpu.memory_space<vmem>>) dst(%dma_wait3A_24 : memref<10112xf32, #tpu.memory_space<hbm>>)
      tpu.yield
    }) : () -> ()
    return
  }
}

#map = affine_map<(d0, d1) -> (0, 0)>
#map1 = affine_map<(d0, d1) -> (0, 0, 0)>
module attributes {stable_mosaic.version = 14 : i64} {
  func.func @agg_kernel(%arg0: i32, %arg1: i32, %arg2: memref<10000x128xf32, #tpu.memory_space<hbm>>, %arg3: memref<2560x128xi32, #tpu.memory_space<hbm>>, %arg4: memref<2560x128xi32, #tpu.memory_space<hbm>>, %arg5: memref<632x128xf32, #tpu.memory_space<hbm>>, %arg6: memref<2x10112x128xf32, #tpu.memory_space<hbm>>, %arg7: memref<32x128xi32, #tpu.memory_space<vmem>>, %arg8: memref<32x128xi32, #tpu.memory_space<vmem>>, %arg9: memref<2x128x128xf32, #tpu.memory_space<vmem>>, %arg10: memref<10112x128xf32, #tpu.memory_space<vmem_shared>>, %arg11: memref<2x!tpu.dma_semaphore, #tpu.memory_space<semaphore_mem>>) attributes {dimension_semantics = [#tpu.dimension_semantics<core_parallel>, #tpu.dimension_semantics<subcore_parallel>], iteration_bounds = array<i64: 2, 16>, scalar_prefetch = 0 : i64, scratch_operands = 5 : i64, tpu.core_type = #tpu.core_type<sc_vector_subcore>, window_params = [{transform_indices = #map}, {transform_indices = #map}, {transform_indices = #map}, {transform_indices = #map}, {transform_indices = #map1}]} {
    %mul3A = arith.constant 632 : i32
    %mul3A_0 = arith.muli %arg1, %mul3A : i32
    "tpu.region"() ({
      %run_scoped3A = tpu.sem_alloc : memref<!tpu.dma_semaphore, #tpu.memory_space<semaphore_mem>>
      %dma_start3A = arith.constant 0 : i32
      %dma_start3A_25 = tpu.memref_slice %arg10[%mul3A_0, %dma_start3A] : memref<10112x128xf32, #tpu.memory_space<vmem_shared>> -> memref<632x128xf32, #tpu.memory_space<vmem_shared>>
      tpu.enqueue_dma source(%arg5 : memref<632x128xf32, #tpu.memory_space<hbm>>) target(%dma_start3A_25 : memref<632x128xf32, #tpu.memory_space<vmem_shared>>) target_semaphore(%run_scoped3A : memref<!tpu.dma_semaphore, #tpu.memory_space<semaphore_mem>>)
      %dma_wait3A = arith.constant 0 : i32
      %dma_wait3A_26 = tpu.memref_slice %arg10[%mul3A_0, %dma_wait3A] : memref<10112x128xf32, #tpu.memory_space<vmem_shared>> -> memref<632x128xf32, #tpu.memory_space<vmem_shared>>
      tpu.wait_dma2 semaphore(%run_scoped3A : memref<!tpu.dma_semaphore, #tpu.memory_space<semaphore_mem>>) src(%arg5 : memref<632x128xf32, #tpu.memory_space<hbm>>) dst(%dma_wait3A_26 : memref<632x128xf32, #tpu.memory_space<vmem_shared>>)
      tpu.yield
    }) : () -> ()
    %barrier3A = arith.constant 0 : index
    tpu.barrier barrier_id(%barrier3A)
    %eq3A = arith.constant 0 : i32
    %eq3A_1 = arith.cmpi eq, %arg0, %eq3A : i32
    %select_n3A = arith.constant 2 : i32
    %select_n3A_2 = arith.constant 3 : i32
    %select_n3A_3 = arith.select %eq3A_1, %select_n3A_2, %select_n3A : i32
    %eq3A_4 = arith.constant 0 : i32
    %eq3A_5 = arith.cmpi eq, %arg0, %eq3A_4 : i32
    %mul3A_6 = arith.constant 96 : i32
    %mul3A_7 = arith.muli %arg1, %mul3A_6 : i32
    %mul3A_8 = arith.constant 64 : i32
    %mul3A_9 = arith.muli %arg1, %mul3A_8 : i32
    %add3A = arith.constant 1536 : i32
    %add3A_10 = arith.addi %add3A, %mul3A_9 : i32
    %select_n3A_11 = arith.select %eq3A_5, %mul3A_7, %add3A_10 : i32
    %while3A = arith.constant 0 : i32
    %while3A_12 = arith.subi %select_n3A_3, %while3A : i32
    %while3A_13 = arith.addi %while3A, %while3A_12 : i32
    %while3A_14 = arith.constant 1 : i32
    %while3A_15 = arith.divsi %while3A_12, %while3A_14 : i32
    %while3A_16 = arith.muli %while3A_15, %while3A_14 : i32
    %while3A_17 = arith.addi %while3A, %while3A_16 : i32
    %while3A_18 = arith.constant 1 : i32
    scf.for %while3A_25 = %while3A to %while3A_17 step %while3A_18  : i32 {
      %mul3A_26 = arith.constant 32 : i32
      %mul3A_27 = arith.muli %while3A_25, %mul3A_26 : i32
      %add3A_28 = arith.addi %select_n3A_11, %mul3A_27 : i32
      "tpu.region"() ({
        %run_scoped3A = tpu.sem_alloc : memref<!tpu.dma_semaphore, #tpu.memory_space<semaphore_mem>>
        %dma_start3A_62 = arith.constant 0 : i32
        %dma_start3A_63 = tpu.memref_slice %arg3[%add3A_28, %dma_start3A_62] : memref<2560x128xi32, #tpu.memory_space<hbm>> -> memref<32x128xi32, #tpu.memory_space<hbm>>
        %dma_start3A_64 = arith.constant 0 : i32
        %dma_start3A_65 = tpu.memref_slice %arg3[%add3A_28, %dma_start3A_64] : memref<2560x128xi32, #tpu.memory_space<hbm>> -> memref<32x128xi32, #tpu.memory_space<hbm>>
        tpu.enqueue_dma source(%dma_start3A_65 : memref<32x128xi32, #tpu.memory_space<hbm>>) target(%arg7 : memref<32x128xi32, #tpu.memory_space<vmem>>) target_semaphore(%run_scoped3A : memref<!tpu.dma_semaphore, #tpu.memory_space<semaphore_mem>>)
        %dma_wait3A = arith.constant 0 : i32
        %dma_wait3A_66 = tpu.memref_slice %arg3[%add3A_28, %dma_wait3A] : memref<2560x128xi32, #tpu.memory_space<hbm>> -> memref<32x128xi32, #tpu.memory_space<hbm>>
        %dma_wait3A_67 = arith.constant 0 : i32
        %dma_wait3A_68 = tpu.memref_slice %arg3[%add3A_28, %dma_wait3A_67] : memref<2560x128xi32, #tpu.memory_space<hbm>> -> memref<32x128xi32, #tpu.memory_space<hbm>>
        tpu.wait_dma2 semaphore(%run_scoped3A : memref<!tpu.dma_semaphore, #tpu.memory_space<semaphore_mem>>) src(%dma_wait3A_68 : memref<32x128xi32, #tpu.memory_space<hbm>>) dst(%arg7 : memref<32x128xi32, #tpu.memory_space<vmem>>)
        tpu.yield
      }) : () -> ()
      "tpu.region"() ({
        %run_scoped3A = tpu.sem_alloc : memref<!tpu.dma_semaphore, #tpu.memory_space<semaphore_mem>>
        %dma_start3A_62 = arith.constant 0 : i32
        %dma_start3A_63 = tpu.memref_slice %arg4[%add3A_28, %dma_start3A_62] : memref<2560x128xi32, #tpu.memory_space<hbm>> -> memref<32x128xi32, #tpu.memory_space<hbm>>
        %dma_start3A_64 = arith.constant 0 : i32
        %dma_start3A_65 = tpu.memref_slice %arg4[%add3A_28, %dma_start3A_64] : memref<2560x128xi32, #tpu.memory_space<hbm>> -> memref<32x128xi32, #tpu.memory_space<hbm>>
        tpu.enqueue_dma source(%dma_start3A_65 : memref<32x128xi32, #tpu.memory_space<hbm>>) target(%arg8 : memref<32x128xi32, #tpu.memory_space<vmem>>) target_semaphore(%run_scoped3A : memref<!tpu.dma_semaphore, #tpu.memory_space<semaphore_mem>>)
        %dma_wait3A = arith.constant 0 : i32
        %dma_wait3A_66 = tpu.memref_slice %arg4[%add3A_28, %dma_wait3A] : memref<2560x128xi32, #tpu.memory_space<hbm>> -> memref<32x128xi32, #tpu.memory_space<hbm>>
        %dma_wait3A_67 = arith.constant 0 : i32
        %dma_wait3A_68 = tpu.memref_slice %arg4[%add3A_28, %dma_wait3A_67] : memref<2560x128xi32, #tpu.memory_space<hbm>> -> memref<32x128xi32, #tpu.memory_space<hbm>>
        tpu.wait_dma2 semaphore(%run_scoped3A : memref<!tpu.dma_semaphore, #tpu.memory_space<semaphore_mem>>) src(%dma_wait3A_68 : memref<32x128xi32, #tpu.memory_space<hbm>>) dst(%arg8 : memref<32x128xi32, #tpu.memory_space<vmem>>)
        tpu.yield
      }) : () -> ()
      %dma_start3A = arith.constant 0 : i32
      %dma_start3A_29 = arith.constant 0 : i32
      %dma_start3A_30 = arith.constant 0 : i32
      %dma_start3A_31 = arith.constant 0 : i32
      %dma_start3A_32 = arith.constant 0 : i32
      %dma_start3A_33 = tpu.memref_slice %arg9[%dma_start3A_29, %dma_start3A_31, %dma_start3A_32] : memref<2x128x128xf32, #tpu.memory_space<vmem>> -> memref<1x128x128xf32, #tpu.memory_space<vmem>>
      %dma_start3A_34 = tpu.memref_squeeze %dma_start3A_33 : memref<1x128x128xf32, #tpu.memory_space<vmem>> -> memref<128x128xf32, #tpu.memory_space<vmem>>
      %dma_start3A_35 = arith.constant 0 : i32
      %dma_start3A_36 = tpu.memref_slice %arg7[%dma_start3A, %dma_start3A_35] : memref<32x128xi32, #tpu.memory_space<vmem>> -> memref<1x128xi32, #tpu.memory_space<vmem>>
      %dma_start3A_37 = tpu.memref_squeeze %dma_start3A_36 : memref<1x128xi32, #tpu.memory_space<vmem>> -> memref<128xi32, #tpu.memory_space<vmem>>
      %dma_start3A_38 = arith.constant 0 : i32
      %dma_start3A_39 = arith.constant 0 : i32
      %dma_start3A_40 = tpu.memref_slice %arg2[%dma_start3A_38, %dma_start3A_39] : memref<10000x128xf32, #tpu.memory_space<hbm>> -> memref<10000x128xf32, #tpu.memory_space<hbm>>
      %dma_start3A_41 = tpu.memref_slice %arg11[%dma_start3A_30] : memref<2x!tpu.dma_semaphore, #tpu.memory_space<semaphore_mem>> -> memref<1x!tpu.dma_semaphore, #tpu.memory_space<semaphore_mem>>
      %dma_start3A_42 = tpu.memref_squeeze %dma_start3A_41 : memref<1x!tpu.dma_semaphore, #tpu.memory_space<semaphore_mem>> -> memref<!tpu.dma_semaphore, #tpu.memory_space<semaphore_mem>>
      tpu.enqueue_indirect_dma source(%dma_start3A_40 : memref<10000x128xf32, #tpu.memory_space<hbm>>) target(%dma_start3A_34 : memref<128x128xf32, #tpu.memory_space<vmem>>) offsets(%dma_start3A_37 : memref<128xi32, #tpu.memory_space<vmem>>) semaphore(%dma_start3A_42 : memref<!tpu.dma_semaphore, #tpu.memory_space<semaphore_mem>>)
      %dma_start3A_43 = arith.constant 1 : i32
      %dma_start3A_44 = arith.constant 1 : i32
      %dma_start3A_45 = arith.constant 1 : i32
      %dma_start3A_46 = arith.constant 0 : i32
      %dma_start3A_47 = arith.constant 0 : i32
      %dma_start3A_48 = tpu.memref_slice %arg9[%dma_start3A_44, %dma_start3A_46, %dma_start3A_47] : memref<2x128x128xf32, #tpu.memory_space<vmem>> -> memref<1x128x128xf32, #tpu.memory_space<vmem>>
      %dma_start3A_49 = tpu.memref_squeeze %dma_start3A_48 : memref<1x128x128xf32, #tpu.memory_space<vmem>> -> memref<128x128xf32, #tpu.memory_space<vmem>>
      %dma_start3A_50 = arith.constant 0 : i32
      %dma_start3A_51 = tpu.memref_slice %arg7[%dma_start3A_43, %dma_start3A_50] : memref<32x128xi32, #tpu.memory_space<vmem>> -> memref<1x128xi32, #tpu.memory_space<vmem>>
      %dma_start3A_52 = tpu.memref_squeeze %dma_start3A_51 : memref<1x128xi32, #tpu.memory_space<vmem>> -> memref<128xi32, #tpu.memory_space<vmem>>
      %dma_start3A_53 = arith.constant 0 : i32
      %dma_start3A_54 = arith.constant 0 : i32
      %dma_start3A_55 = tpu.memref_slice %arg2[%dma_start3A_53, %dma_start3A_54] : memref<10000x128xf32, #tpu.memory_space<hbm>> -> memref<10000x128xf32, #tpu.memory_space<hbm>>
      %dma_start3A_56 = tpu.memref_slice %arg11[%dma_start3A_45] : memref<2x!tpu.dma_semaphore, #tpu.memory_space<semaphore_mem>> -> memref<1x!tpu.dma_semaphore, #tpu.memory_space<semaphore_mem>>
      %dma_start3A_57 = tpu.memref_squeeze %dma_start3A_56 : memref<1x!tpu.dma_semaphore, #tpu.memory_space<semaphore_mem>> -> memref<!tpu.dma_semaphore, #tpu.memory_space<semaphore_mem>>
      tpu.enqueue_indirect_dma source(%dma_start3A_55 : memref<10000x128xf32, #tpu.memory_space<hbm>>) target(%dma_start3A_49 : memref<128x128xf32, #tpu.memory_space<vmem>>) offsets(%dma_start3A_52 : memref<128xi32, #tpu.memory_space<vmem>>) semaphore(%dma_start3A_57 : memref<!tpu.dma_semaphore, #tpu.memory_space<semaphore_mem>>)
      %scan3A = arith.constant 0 : i32
      %scan3A_58 = arith.constant 16 : i32
      %scan3A_59 = arith.addi %scan3A, %scan3A_58 : i32
      %scan3A_60 = arith.constant 1 : i32
      scf.for %scan3A_62 = %scan3A to %scan3A_59 step %scan3A_60  : i32 {
        %mul3A_63 = arith.constant 2 : i32
        %mul3A_64 = arith.muli %scan3A_62, %mul3A_63 : i32
        %add3A_65 = arith.constant 0 : i32
        %add3A_66 = arith.addi %mul3A_64, %add3A_65 : i32
        %dma_wait3A = arith.constant 0 : i32
        %dma_wait3A_67 = arith.constant 0 : i32
        %dma_wait3A_68 = arith.constant 0 : i32
        %dma_wait3A_69 = arith.constant 0 : i32
        %dma_wait3A_70 = tpu.memref_slice %arg9[%dma_wait3A, %dma_wait3A_68, %dma_wait3A_69] : memref<2x128x128xf32, #tpu.memory_space<vmem>> -> memref<1x128x128xf32, #tpu.memory_space<vmem>>
        %dma_wait3A_71 = tpu.memref_squeeze %dma_wait3A_70 : memref<1x128x128xf32, #tpu.memory_space<vmem>> -> memref<128x128xf32, #tpu.memory_space<vmem>>
        %dma_wait3A_72 = arith.constant 0 : i32
        %dma_wait3A_73 = tpu.memref_slice %arg7[%add3A_66, %dma_wait3A_72] : memref<32x128xi32, #tpu.memory_space<vmem>> -> memref<1x128xi32, #tpu.memory_space<vmem>>
        %dma_wait3A_74 = tpu.memref_squeeze %dma_wait3A_73 : memref<1x128xi32, #tpu.memory_space<vmem>> -> memref<128xi32, #tpu.memory_space<vmem>>
        %dma_wait3A_75 = arith.constant 0 : i32
        %dma_wait3A_76 = arith.constant 0 : i32
        %dma_wait3A_77 = tpu.memref_slice %arg2[%dma_wait3A_75, %dma_wait3A_76] : memref<10000x128xf32, #tpu.memory_space<hbm>> -> memref<10000x128xf32, #tpu.memory_space<hbm>>
        %dma_wait3A_78 = tpu.memref_slice %arg11[%dma_wait3A_67] : memref<2x!tpu.dma_semaphore, #tpu.memory_space<semaphore_mem>> -> memref<1x!tpu.dma_semaphore, #tpu.memory_space<semaphore_mem>>
        %dma_wait3A_79 = tpu.memref_squeeze %dma_wait3A_78 : memref<1x!tpu.dma_semaphore, #tpu.memory_space<semaphore_mem>> -> memref<!tpu.dma_semaphore, #tpu.memory_space<semaphore_mem>>
        tpu.wait_indirect_dma semaphore(%dma_wait3A_79 : memref<!tpu.dma_semaphore, #tpu.memory_space<semaphore_mem>>) src(%dma_wait3A_77 : memref<10000x128xf32, #tpu.memory_space<hbm>>) dst(%dma_wait3A_71 : memref<128x128xf32, #tpu.memory_space<vmem>>)
        %run_scoped3A = arith.constant 0 : i32
        "tpu.region"() ({
          %run_scoped3A_110 = tpu.sem_alloc : memref<!tpu.dma_semaphore, #tpu.memory_space<semaphore_mem>>
          %dma_start3A_111 = arith.constant 0 : i32
          %dma_start3A_112 = arith.constant 0 : i32
          %dma_start3A_113 = tpu.memref_slice %arg9[%run_scoped3A, %dma_start3A_111, %dma_start3A_112] : memref<2x128x128xf32, #tpu.memory_space<vmem>> -> memref<1x128x128xf32, #tpu.memory_space<vmem>>
          %dma_start3A_114 = tpu.memref_squeeze %dma_start3A_113 : memref<1x128x128xf32, #tpu.memory_space<vmem>> -> memref<128x128xf32, #tpu.memory_space<vmem>>
          %dma_start3A_115 = arith.constant 0 : i32
          %dma_start3A_116 = tpu.memref_slice %arg8[%add3A_66, %dma_start3A_115] : memref<32x128xi32, #tpu.memory_space<vmem>> -> memref<1x128xi32, #tpu.memory_space<vmem>>
          %dma_start3A_117 = tpu.memref_squeeze %dma_start3A_116 : memref<1x128xi32, #tpu.memory_space<vmem>> -> memref<128xi32, #tpu.memory_space<vmem>>
          %dma_start3A_118 = arith.constant 0 : i32
          %dma_start3A_119 = arith.constant 0 : i32
          %dma_start3A_120 = tpu.memref_slice %arg10[%dma_start3A_118, %dma_start3A_119] : memref<10112x128xf32, #tpu.memory_space<vmem_shared>> -> memref<10112x128xf32, #tpu.memory_space<vmem_shared>>
          tpu.enqueue_indirect_dma source(%dma_start3A_114 : memref<128x128xf32, #tpu.memory_space<vmem>>) target(%dma_start3A_120 : memref<10112x128xf32, #tpu.memory_space<vmem_shared>>) offsets(%dma_start3A_117 : memref<128xi32, #tpu.memory_space<vmem>>) semaphore(%run_scoped3A_110 : memref<!tpu.dma_semaphore, #tpu.memory_space<semaphore_mem>>) {add = true}
          %dma_wait3A_121 = arith.constant 0 : i32
          %dma_wait3A_122 = arith.constant 0 : i32
          %dma_wait3A_123 = tpu.memref_slice %arg9[%run_scoped3A, %dma_wait3A_121, %dma_wait3A_122] : memref<2x128x128xf32, #tpu.memory_space<vmem>> -> memref<1x128x128xf32, #tpu.memory_space<vmem>>
          %dma_wait3A_124 = tpu.memref_squeeze %dma_wait3A_123 : memref<1x128x128xf32, #tpu.memory_space<vmem>> -> memref<128x128xf32, #tpu.memory_space<vmem>>
          %dma_wait3A_125 = arith.constant 0 : i32
          %dma_wait3A_126 = tpu.memref_slice %arg8[%add3A_66, %dma_wait3A_125] : memref<32x128xi32, #tpu.memory_space<vmem>> -> memref<1x128xi32, #tpu.memory_space<vmem>>
          %dma_wait3A_127 = tpu.memref_squeeze %dma_wait3A_126 : memref<1x128xi32, #tpu.memory_space<vmem>> -> memref<128xi32, #tpu.memory_space<vmem>>
          %dma_wait3A_128 = arith.constant 0 : i32
          %dma_wait3A_129 = arith.constant 0 : i32
          %dma_wait3A_130 = tpu.memref_slice %arg10[%dma_wait3A_128, %dma_wait3A_129] : memref<10112x128xf32, #tpu.memory_space<vmem_shared>> -> memref<10112x128xf32, #tpu.memory_space<vmem_shared>>
          tpu.wait_indirect_dma semaphore(%run_scoped3A_110 : memref<!tpu.dma_semaphore, #tpu.memory_space<semaphore_mem>>) src(%dma_wait3A_124 : memref<128x128xf32, #tpu.memory_space<vmem>>) dst(%dma_wait3A_130 : memref<10112x128xf32, #tpu.memory_space<vmem_shared>>)
          tpu.yield
        }) : () -> ()
        %add3A_80 = arith.constant 1 : i32
        %add3A_81 = arith.addi %scan3A_62, %add3A_80 : i32
        %lt3A = arith.constant 16 : i32
        %lt3A_82 = arith.cmpi slt, %add3A_81, %lt3A : i32
        %convert_element_type3A = arith.extui %lt3A_82 : i1 to i32
        %cond3A = arith.constant 0 : i32
        %cond3A_83 = arith.cmpi ne, %convert_element_type3A, %cond3A : i32
        scf.if %cond3A_83 {
          %add3A_110 = arith.constant 2 : i32
          %add3A_111 = arith.addi %add3A_66, %add3A_110 : i32
          %dma_start3A_112 = arith.constant 0 : i32
          %dma_start3A_113 = arith.constant 0 : i32
          %dma_start3A_114 = arith.constant 0 : i32
          %dma_start3A_115 = arith.constant 0 : i32
          %dma_start3A_116 = tpu.memref_slice %arg9[%dma_start3A_112, %dma_start3A_114, %dma_start3A_115] : memref<2x128x128xf32, #tpu.memory_space<vmem>> -> memref<1x128x128xf32, #tpu.memory_space<vmem>>
          %dma_start3A_117 = tpu.memref_squeeze %dma_start3A_116 : memref<1x128x128xf32, #tpu.memory_space<vmem>> -> memref<128x128xf32, #tpu.memory_space<vmem>>
          %dma_start3A_118 = arith.constant 0 : i32
          %dma_start3A_119 = tpu.memref_slice %arg7[%add3A_111, %dma_start3A_118] : memref<32x128xi32, #tpu.memory_space<vmem>> -> memref<1x128xi32, #tpu.memory_space<vmem>>
          %dma_start3A_120 = tpu.memref_squeeze %dma_start3A_119 : memref<1x128xi32, #tpu.memory_space<vmem>> -> memref<128xi32, #tpu.memory_space<vmem>>
          %dma_start3A_121 = arith.constant 0 : i32
          %dma_start3A_122 = arith.constant 0 : i32
          %dma_start3A_123 = tpu.memref_slice %arg2[%dma_start3A_121, %dma_start3A_122] : memref<10000x128xf32, #tpu.memory_space<hbm>> -> memref<10000x128xf32, #tpu.memory_space<hbm>>
          %dma_start3A_124 = tpu.memref_slice %arg11[%dma_start3A_113] : memref<2x!tpu.dma_semaphore, #tpu.memory_space<semaphore_mem>> -> memref<1x!tpu.dma_semaphore, #tpu.memory_space<semaphore_mem>>
          %dma_start3A_125 = tpu.memref_squeeze %dma_start3A_124 : memref<1x!tpu.dma_semaphore, #tpu.memory_space<semaphore_mem>> -> memref<!tpu.dma_semaphore, #tpu.memory_space<semaphore_mem>>
          tpu.enqueue_indirect_dma source(%dma_start3A_123 : memref<10000x128xf32, #tpu.memory_space<hbm>>) target(%dma_start3A_117 : memref<128x128xf32, #tpu.memory_space<vmem>>) offsets(%dma_start3A_120 : memref<128xi32, #tpu.memory_space<vmem>>) semaphore(%dma_start3A_125 : memref<!tpu.dma_semaphore, #tpu.memory_space<semaphore_mem>>)
        } else {
        }
        %mul3A_84 = arith.constant 2 : i32
        %mul3A_85 = arith.muli %scan3A_62, %mul3A_84 : i32
        %add3A_86 = arith.constant 1 : i32
        %add3A_87 = arith.addi %mul3A_85, %add3A_86 : i32
        %dma_wait3A_88 = arith.constant 1 : i32
        %dma_wait3A_89 = arith.constant 1 : i32
        %dma_wait3A_90 = arith.constant 0 : i32
        %dma_wait3A_91 = arith.constant 0 : i32
        %dma_wait3A_92 = tpu.memref_slice %arg9[%dma_wait3A_88, %dma_wait3A_90, %dma_wait3A_91] : memref<2x128x128xf32, #tpu.memory_space<vmem>> -> memref<1x128x128xf32, #tpu.memory_space<vmem>>
        %dma_wait3A_93 = tpu.memref_squeeze %dma_wait3A_92 : memref<1x128x128xf32, #tpu.memory_space<vmem>> -> memref<128x128xf32, #tpu.memory_space<vmem>>
        %dma_wait3A_94 = arith.constant 0 : i32
        %dma_wait3A_95 = tpu.memref_slice %arg7[%add3A_87, %dma_wait3A_94] : memref<32x128xi32, #tpu.memory_space<vmem>> -> memref<1x128xi32, #tpu.memory_space<vmem>>
        %dma_wait3A_96 = tpu.memref_squeeze %dma_wait3A_95 : memref<1x128xi32, #tpu.memory_space<vmem>> -> memref<128xi32, #tpu.memory_space<vmem>>
        %dma_wait3A_97 = arith.constant 0 : i32
        %dma_wait3A_98 = arith.constant 0 : i32
        %dma_wait3A_99 = tpu.memref_slice %arg2[%dma_wait3A_97, %dma_wait3A_98] : memref<10000x128xf32, #tpu.memory_space<hbm>> -> memref<10000x128xf32, #tpu.memory_space<hbm>>
        %dma_wait3A_100 = tpu.memref_slice %arg11[%dma_wait3A_89] : memref<2x!tpu.dma_semaphore, #tpu.memory_space<semaphore_mem>> -> memref<1x!tpu.dma_semaphore, #tpu.memory_space<semaphore_mem>>
        %dma_wait3A_101 = tpu.memref_squeeze %dma_wait3A_100 : memref<1x!tpu.dma_semaphore, #tpu.memory_space<semaphore_mem>> -> memref<!tpu.dma_semaphore, #tpu.memory_space<semaphore_mem>>
        tpu.wait_indirect_dma semaphore(%dma_wait3A_101 : memref<!tpu.dma_semaphore, #tpu.memory_space<semaphore_mem>>) src(%dma_wait3A_99 : memref<10000x128xf32, #tpu.memory_space<hbm>>) dst(%dma_wait3A_93 : memref<128x128xf32, #tpu.memory_space<vmem>>)
        %run_scoped3A_102 = arith.constant 1 : i32
        "tpu.region"() ({
          %run_scoped3A_110 = tpu.sem_alloc : memref<!tpu.dma_semaphore, #tpu.memory_space<semaphore_mem>>
          %dma_start3A_111 = arith.constant 0 : i32
          %dma_start3A_112 = arith.constant 0 : i32
          %dma_start3A_113 = tpu.memref_slice %arg9[%run_scoped3A_102, %dma_start3A_111, %dma_start3A_112] : memref<2x128x128xf32, #tpu.memory_space<vmem>> -> memref<1x128x128xf32, #tpu.memory_space<vmem>>
          %dma_start3A_114 = tpu.memref_squeeze %dma_start3A_113 : memref<1x128x128xf32, #tpu.memory_space<vmem>> -> memref<128x128xf32, #tpu.memory_space<vmem>>
          %dma_start3A_115 = arith.constant 0 : i32
          %dma_start3A_116 = tpu.memref_slice %arg8[%add3A_87, %dma_start3A_115] : memref<32x128xi32, #tpu.memory_space<vmem>> -> memref<1x128xi32, #tpu.memory_space<vmem>>
          %dma_start3A_117 = tpu.memref_squeeze %dma_start3A_116 : memref<1x128xi32, #tpu.memory_space<vmem>> -> memref<128xi32, #tpu.memory_space<vmem>>
          %dma_start3A_118 = arith.constant 0 : i32
          %dma_start3A_119 = arith.constant 0 : i32
          %dma_start3A_120 = tpu.memref_slice %arg10[%dma_start3A_118, %dma_start3A_119] : memref<10112x128xf32, #tpu.memory_space<vmem_shared>> -> memref<10112x128xf32, #tpu.memory_space<vmem_shared>>
          tpu.enqueue_indirect_dma source(%dma_start3A_114 : memref<128x128xf32, #tpu.memory_space<vmem>>) target(%dma_start3A_120 : memref<10112x128xf32, #tpu.memory_space<vmem_shared>>) offsets(%dma_start3A_117 : memref<128xi32, #tpu.memory_space<vmem>>) semaphore(%run_scoped3A_110 : memref<!tpu.dma_semaphore, #tpu.memory_space<semaphore_mem>>) {add = true}
          %dma_wait3A_121 = arith.constant 0 : i32
          %dma_wait3A_122 = arith.constant 0 : i32
          %dma_wait3A_123 = tpu.memref_slice %arg9[%run_scoped3A_102, %dma_wait3A_121, %dma_wait3A_122] : memref<2x128x128xf32, #tpu.memory_space<vmem>> -> memref<1x128x128xf32, #tpu.memory_space<vmem>>
          %dma_wait3A_124 = tpu.memref_squeeze %dma_wait3A_123 : memref<1x128x128xf32, #tpu.memory_space<vmem>> -> memref<128x128xf32, #tpu.memory_space<vmem>>
          %dma_wait3A_125 = arith.constant 0 : i32
          %dma_wait3A_126 = tpu.memref_slice %arg8[%add3A_87, %dma_wait3A_125] : memref<32x128xi32, #tpu.memory_space<vmem>> -> memref<1x128xi32, #tpu.memory_space<vmem>>
          %dma_wait3A_127 = tpu.memref_squeeze %dma_wait3A_126 : memref<1x128xi32, #tpu.memory_space<vmem>> -> memref<128xi32, #tpu.memory_space<vmem>>
          %dma_wait3A_128 = arith.constant 0 : i32
          %dma_wait3A_129 = arith.constant 0 : i32
          %dma_wait3A_130 = tpu.memref_slice %arg10[%dma_wait3A_128, %dma_wait3A_129] : memref<10112x128xf32, #tpu.memory_space<vmem_shared>> -> memref<10112x128xf32, #tpu.memory_space<vmem_shared>>
          tpu.wait_indirect_dma semaphore(%run_scoped3A_110 : memref<!tpu.dma_semaphore, #tpu.memory_space<semaphore_mem>>) src(%dma_wait3A_124 : memref<128x128xf32, #tpu.memory_space<vmem>>) dst(%dma_wait3A_130 : memref<10112x128xf32, #tpu.memory_space<vmem_shared>>)
          tpu.yield
        }) : () -> ()
        %add3A_103 = arith.constant 1 : i32
        %add3A_104 = arith.addi %scan3A_62, %add3A_103 : i32
        %lt3A_105 = arith.constant 16 : i32
        %lt3A_106 = arith.cmpi slt, %add3A_104, %lt3A_105 : i32
        %convert_element_type3A_107 = arith.extui %lt3A_106 : i1 to i32
        %cond3A_108 = arith.constant 0 : i32
        %cond3A_109 = arith.cmpi ne, %convert_element_type3A_107, %cond3A_108 : i32
        scf.if %cond3A_109 {
          %add3A_110 = arith.constant 2 : i32
          %add3A_111 = arith.addi %add3A_87, %add3A_110 : i32
          %dma_start3A_112 = arith.constant 1 : i32
          %dma_start3A_113 = arith.constant 1 : i32
          %dma_start3A_114 = arith.constant 0 : i32
          %dma_start3A_115 = arith.constant 0 : i32
          %dma_start3A_116 = tpu.memref_slice %arg9[%dma_start3A_112, %dma_start3A_114, %dma_start3A_115] : memref<2x128x128xf32, #tpu.memory_space<vmem>> -> memref<1x128x128xf32, #tpu.memory_space<vmem>>
          %dma_start3A_117 = tpu.memref_squeeze %dma_start3A_116 : memref<1x128x128xf32, #tpu.memory_space<vmem>> -> memref<128x128xf32, #tpu.memory_space<vmem>>
          %dma_start3A_118 = arith.constant 0 : i32
          %dma_start3A_119 = tpu.memref_slice %arg7[%add3A_111, %dma_start3A_118] : memref<32x128xi32, #tpu.memory_space<vmem>> -> memref<1x128xi32, #tpu.memory_space<vmem>>
          %dma_start3A_120 = tpu.memref_squeeze %dma_start3A_119 : memref<1x128xi32, #tpu.memory_space<vmem>> -> memref<128xi32, #tpu.memory_space<vmem>>
          %dma_start3A_121 = arith.constant 0 : i32
          %dma_start3A_122 = arith.constant 0 : i32
          %dma_start3A_123 = tpu.memref_slice %arg2[%dma_start3A_121, %dma_start3A_122] : memref<10000x128xf32, #tpu.memory_space<hbm>> -> memref<10000x128xf32, #tpu.memory_space<hbm>>
          %dma_start3A_124 = tpu.memref_slice %arg11[%dma_start3A_113] : memref<2x!tpu.dma_semaphore, #tpu.memory_space<semaphore_mem>> -> memref<1x!tpu.dma_semaphore, #tpu.memory_space<semaphore_mem>>
          %dma_start3A_125 = tpu.memref_squeeze %dma_start3A_124 : memref<1x!tpu.dma_semaphore, #tpu.memory_space<semaphore_mem>> -> memref<!tpu.dma_semaphore, #tpu.memory_space<semaphore_mem>>
          tpu.enqueue_indirect_dma source(%dma_start3A_123 : memref<10000x128xf32, #tpu.memory_space<hbm>>) target(%dma_start3A_117 : memref<128x128xf32, #tpu.memory_space<vmem>>) offsets(%dma_start3A_120 : memref<128xi32, #tpu.memory_space<vmem>>) semaphore(%dma_start3A_125 : memref<!tpu.dma_semaphore, #tpu.memory_space<semaphore_mem>>)
        } else {
        }
      }
      %scan3A_61 = arith.constant 16 : i32
    }
    %while3A_19 = arith.constant 1 : i32
    scf.for %while3A_25 = %while3A_17 to %while3A_13 step %while3A_19  : i32 {
      %mul3A_26 = arith.constant 32 : i32
      %mul3A_27 = arith.muli %while3A_25, %mul3A_26 : i32
      %add3A_28 = arith.addi %select_n3A_11, %mul3A_27 : i32
      "tpu.region"() ({
        %run_scoped3A = tpu.sem_alloc : memref<!tpu.dma_semaphore, #tpu.memory_space<semaphore_mem>>
        %dma_start3A_62 = arith.constant 0 : i32
        %dma_start3A_63 = tpu.memref_slice %arg3[%add3A_28, %dma_start3A_62] : memref<2560x128xi32, #tpu.memory_space<hbm>> -> memref<32x128xi32, #tpu.memory_space<hbm>>
        %dma_start3A_64 = arith.constant 0 : i32
        %dma_start3A_65 = tpu.memref_slice %arg3[%add3A_28, %dma_start3A_64] : memref<2560x128xi32, #tpu.memory_space<hbm>> -> memref<32x128xi32, #tpu.memory_space<hbm>>
        tpu.enqueue_dma source(%dma_start3A_65 : memref<32x128xi32, #tpu.memory_space<hbm>>) target(%arg7 : memref<32x128xi32, #tpu.memory_space<vmem>>) target_semaphore(%run_scoped3A : memref<!tpu.dma_semaphore, #tpu.memory_space<semaphore_mem>>)
        %dma_wait3A = arith.constant 0 : i32
        %dma_wait3A_66 = tpu.memref_slice %arg3[%add3A_28, %dma_wait3A] : memref<2560x128xi32, #tpu.memory_space<hbm>> -> memref<32x128xi32, #tpu.memory_space<hbm>>
        %dma_wait3A_67 = arith.constant 0 : i32
        %dma_wait3A_68 = tpu.memref_slice %arg3[%add3A_28, %dma_wait3A_67] : memref<2560x128xi32, #tpu.memory_space<hbm>> -> memref<32x128xi32, #tpu.memory_space<hbm>>
        tpu.wait_dma2 semaphore(%run_scoped3A : memref<!tpu.dma_semaphore, #tpu.memory_space<semaphore_mem>>) src(%dma_wait3A_68 : memref<32x128xi32, #tpu.memory_space<hbm>>) dst(%arg7 : memref<32x128xi32, #tpu.memory_space<vmem>>)
        tpu.yield
      }) : () -> ()
      "tpu.region"() ({
        %run_scoped3A = tpu.sem_alloc : memref<!tpu.dma_semaphore, #tpu.memory_space<semaphore_mem>>
        %dma_start3A_62 = arith.constant 0 : i32
        %dma_start3A_63 = tpu.memref_slice %arg4[%add3A_28, %dma_start3A_62] : memref<2560x128xi32, #tpu.memory_space<hbm>> -> memref<32x128xi32, #tpu.memory_space<hbm>>
        %dma_start3A_64 = arith.constant 0 : i32
        %dma_start3A_65 = tpu.memref_slice %arg4[%add3A_28, %dma_start3A_64] : memref<2560x128xi32, #tpu.memory_space<hbm>> -> memref<32x128xi32, #tpu.memory_space<hbm>>
        tpu.enqueue_dma source(%dma_start3A_65 : memref<32x128xi32, #tpu.memory_space<hbm>>) target(%arg8 : memref<32x128xi32, #tpu.memory_space<vmem>>) target_semaphore(%run_scoped3A : memref<!tpu.dma_semaphore, #tpu.memory_space<semaphore_mem>>)
        %dma_wait3A = arith.constant 0 : i32
        %dma_wait3A_66 = tpu.memref_slice %arg4[%add3A_28, %dma_wait3A] : memref<2560x128xi32, #tpu.memory_space<hbm>> -> memref<32x128xi32, #tpu.memory_space<hbm>>
        %dma_wait3A_67 = arith.constant 0 : i32
        %dma_wait3A_68 = tpu.memref_slice %arg4[%add3A_28, %dma_wait3A_67] : memref<2560x128xi32, #tpu.memory_space<hbm>> -> memref<32x128xi32, #tpu.memory_space<hbm>>
        tpu.wait_dma2 semaphore(%run_scoped3A : memref<!tpu.dma_semaphore, #tpu.memory_space<semaphore_mem>>) src(%dma_wait3A_68 : memref<32x128xi32, #tpu.memory_space<hbm>>) dst(%arg8 : memref<32x128xi32, #tpu.memory_space<vmem>>)
        tpu.yield
      }) : () -> ()
      %dma_start3A = arith.constant 0 : i32
      %dma_start3A_29 = arith.constant 0 : i32
      %dma_start3A_30 = arith.constant 0 : i32
      %dma_start3A_31 = arith.constant 0 : i32
      %dma_start3A_32 = arith.constant 0 : i32
      %dma_start3A_33 = tpu.memref_slice %arg9[%dma_start3A_29, %dma_start3A_31, %dma_start3A_32] : memref<2x128x128xf32, #tpu.memory_space<vmem>> -> memref<1x128x128xf32, #tpu.memory_space<vmem>>
      %dma_start3A_34 = tpu.memref_squeeze %dma_start3A_33 : memref<1x128x128xf32, #tpu.memory_space<vmem>> -> memref<128x128xf32, #tpu.memory_space<vmem>>
      %dma_start3A_35 = arith.constant 0 : i32
      %dma_start3A_36 = tpu.memref_slice %arg7[%dma_start3A, %dma_start3A_35] : memref<32x128xi32, #tpu.memory_space<vmem>> -> memref<1x128xi32, #tpu.memory_space<vmem>>
      %dma_start3A_37 = tpu.memref_squeeze %dma_start3A_36 : memref<1x128xi32, #tpu.memory_space<vmem>> -> memref<128xi32, #tpu.memory_space<vmem>>
      %dma_start3A_38 = arith.constant 0 : i32
      %dma_start3A_39 = arith.constant 0 : i32
      %dma_start3A_40 = tpu.memref_slice %arg2[%dma_start3A_38, %dma_start3A_39] : memref<10000x128xf32, #tpu.memory_space<hbm>> -> memref<10000x128xf32, #tpu.memory_space<hbm>>
      %dma_start3A_41 = tpu.memref_slice %arg11[%dma_start3A_30] : memref<2x!tpu.dma_semaphore, #tpu.memory_space<semaphore_mem>> -> memref<1x!tpu.dma_semaphore, #tpu.memory_space<semaphore_mem>>
      %dma_start3A_42 = tpu.memref_squeeze %dma_start3A_41 : memref<1x!tpu.dma_semaphore, #tpu.memory_space<semaphore_mem>> -> memref<!tpu.dma_semaphore, #tpu.memory_space<semaphore_mem>>
      tpu.enqueue_indirect_dma source(%dma_start3A_40 : memref<10000x128xf32, #tpu.memory_space<hbm>>) target(%dma_start3A_34 : memref<128x128xf32, #tpu.memory_space<vmem>>) offsets(%dma_start3A_37 : memref<128xi32, #tpu.memory_space<vmem>>) semaphore(%dma_start3A_42 : memref<!tpu.dma_semaphore, #tpu.memory_space<semaphore_mem>>)
      %dma_start3A_43 = arith.constant 1 : i32
      %dma_start3A_44 = arith.constant 1 : i32
      %dma_start3A_45 = arith.constant 1 : i32
      %dma_start3A_46 = arith.constant 0 : i32
      %dma_start3A_47 = arith.constant 0 : i32
      %dma_start3A_48 = tpu.memref_slice %arg9[%dma_start3A_44, %dma_start3A_46, %dma_start3A_47] : memref<2x128x128xf32, #tpu.memory_space<vmem>> -> memref<1x128x128xf32, #tpu.memory_space<vmem>>
      %dma_start3A_49 = tpu.memref_squeeze %dma_start3A_48 : memref<1x128x128xf32, #tpu.memory_space<vmem>> -> memref<128x128xf32, #tpu.memory_space<vmem>>
      %dma_start3A_50 = arith.constant 0 : i32
      %dma_start3A_51 = tpu.memref_slice %arg7[%dma_start3A_43, %dma_start3A_50] : memref<32x128xi32, #tpu.memory_space<vmem>> -> memref<1x128xi32, #tpu.memory_space<vmem>>
      %dma_start3A_52 = tpu.memref_squeeze %dma_start3A_51 : memref<1x128xi32, #tpu.memory_space<vmem>> -> memref<128xi32, #tpu.memory_space<vmem>>
      %dma_start3A_53 = arith.constant 0 : i32
      %dma_start3A_54 = arith.constant 0 : i32
      %dma_start3A_55 = tpu.memref_slice %arg2[%dma_start3A_53, %dma_start3A_54] : memref<10000x128xf32, #tpu.memory_space<hbm>> -> memref<10000x128xf32, #tpu.memory_space<hbm>>
      %dma_start3A_56 = tpu.memref_slice %arg11[%dma_start3A_45] : memref<2x!tpu.dma_semaphore, #tpu.memory_space<semaphore_mem>> -> memref<1x!tpu.dma_semaphore, #tpu.memory_space<semaphore_mem>>
      %dma_start3A_57 = tpu.memref_squeeze %dma_start3A_56 : memref<1x!tpu.dma_semaphore, #tpu.memory_space<semaphore_mem>> -> memref<!tpu.dma_semaphore, #tpu.memory_space<semaphore_mem>>
      tpu.enqueue_indirect_dma source(%dma_start3A_55 : memref<10000x128xf32, #tpu.memory_space<hbm>>) target(%dma_start3A_49 : memref<128x128xf32, #tpu.memory_space<vmem>>) offsets(%dma_start3A_52 : memref<128xi32, #tpu.memory_space<vmem>>) semaphore(%dma_start3A_57 : memref<!tpu.dma_semaphore, #tpu.memory_space<semaphore_mem>>)
      %scan3A = arith.constant 0 : i32
      %scan3A_58 = arith.constant 16 : i32
      %scan3A_59 = arith.addi %scan3A, %scan3A_58 : i32
      %scan3A_60 = arith.constant 1 : i32
      scf.for %scan3A_62 = %scan3A to %scan3A_59 step %scan3A_60  : i32 {
        %mul3A_63 = arith.constant 2 : i32
        %mul3A_64 = arith.muli %scan3A_62, %mul3A_63 : i32
        %add3A_65 = arith.constant 0 : i32
        %add3A_66 = arith.addi %mul3A_64, %add3A_65 : i32
        %dma_wait3A = arith.constant 0 : i32
        %dma_wait3A_67 = arith.constant 0 : i32
        %dma_wait3A_68 = arith.constant 0 : i32
        %dma_wait3A_69 = arith.constant 0 : i32
        %dma_wait3A_70 = tpu.memref_slice %arg9[%dma_wait3A, %dma_wait3A_68, %dma_wait3A_69] : memref<2x128x128xf32, #tpu.memory_space<vmem>> -> memref<1x128x128xf32, #tpu.memory_space<vmem>>
        %dma_wait3A_71 = tpu.memref_squeeze %dma_wait3A_70 : memref<1x128x128xf32, #tpu.memory_space<vmem>> -> memref<128x128xf32, #tpu.memory_space<vmem>>
        %dma_wait3A_72 = arith.constant 0 : i32
        %dma_wait3A_73 = tpu.memref_slice %arg7[%add3A_66, %dma_wait3A_72] : memref<32x128xi32, #tpu.memory_space<vmem>> -> memref<1x128xi32, #tpu.memory_space<vmem>>
        %dma_wait3A_74 = tpu.memref_squeeze %dma_wait3A_73 : memref<1x128xi32, #tpu.memory_space<vmem>> -> memref<128xi32, #tpu.memory_space<vmem>>
        %dma_wait3A_75 = arith.constant 0 : i32
        %dma_wait3A_76 = arith.constant 0 : i32
        %dma_wait3A_77 = tpu.memref_slice %arg2[%dma_wait3A_75, %dma_wait3A_76] : memref<10000x128xf32, #tpu.memory_space<hbm>> -> memref<10000x128xf32, #tpu.memory_space<hbm>>
        %dma_wait3A_78 = tpu.memref_slice %arg11[%dma_wait3A_67] : memref<2x!tpu.dma_semaphore, #tpu.memory_space<semaphore_mem>> -> memref<1x!tpu.dma_semaphore, #tpu.memory_space<semaphore_mem>>
        %dma_wait3A_79 = tpu.memref_squeeze %dma_wait3A_78 : memref<1x!tpu.dma_semaphore, #tpu.memory_space<semaphore_mem>> -> memref<!tpu.dma_semaphore, #tpu.memory_space<semaphore_mem>>
        tpu.wait_indirect_dma semaphore(%dma_wait3A_79 : memref<!tpu.dma_semaphore, #tpu.memory_space<semaphore_mem>>) src(%dma_wait3A_77 : memref<10000x128xf32, #tpu.memory_space<hbm>>) dst(%dma_wait3A_71 : memref<128x128xf32, #tpu.memory_space<vmem>>)
        %run_scoped3A = arith.constant 0 : i32
        "tpu.region"() ({
          %run_scoped3A_110 = tpu.sem_alloc : memref<!tpu.dma_semaphore, #tpu.memory_space<semaphore_mem>>
          %dma_start3A_111 = arith.constant 0 : i32
          %dma_start3A_112 = arith.constant 0 : i32
          %dma_start3A_113 = tpu.memref_slice %arg9[%run_scoped3A, %dma_start3A_111, %dma_start3A_112] : memref<2x128x128xf32, #tpu.memory_space<vmem>> -> memref<1x128x128xf32, #tpu.memory_space<vmem>>
          %dma_start3A_114 = tpu.memref_squeeze %dma_start3A_113 : memref<1x128x128xf32, #tpu.memory_space<vmem>> -> memref<128x128xf32, #tpu.memory_space<vmem>>
          %dma_start3A_115 = arith.constant 0 : i32
          %dma_start3A_116 = tpu.memref_slice %arg8[%add3A_66, %dma_start3A_115] : memref<32x128xi32, #tpu.memory_space<vmem>> -> memref<1x128xi32, #tpu.memory_space<vmem>>
          %dma_start3A_117 = tpu.memref_squeeze %dma_start3A_116 : memref<1x128xi32, #tpu.memory_space<vmem>> -> memref<128xi32, #tpu.memory_space<vmem>>
          %dma_start3A_118 = arith.constant 0 : i32
          %dma_start3A_119 = arith.constant 0 : i32
          %dma_start3A_120 = tpu.memref_slice %arg10[%dma_start3A_118, %dma_start3A_119] : memref<10112x128xf32, #tpu.memory_space<vmem_shared>> -> memref<10112x128xf32, #tpu.memory_space<vmem_shared>>
          tpu.enqueue_indirect_dma source(%dma_start3A_114 : memref<128x128xf32, #tpu.memory_space<vmem>>) target(%dma_start3A_120 : memref<10112x128xf32, #tpu.memory_space<vmem_shared>>) offsets(%dma_start3A_117 : memref<128xi32, #tpu.memory_space<vmem>>) semaphore(%run_scoped3A_110 : memref<!tpu.dma_semaphore, #tpu.memory_space<semaphore_mem>>) {add = true}
          %dma_wait3A_121 = arith.constant 0 : i32
          %dma_wait3A_122 = arith.constant 0 : i32
          %dma_wait3A_123 = tpu.memref_slice %arg9[%run_scoped3A, %dma_wait3A_121, %dma_wait3A_122] : memref<2x128x128xf32, #tpu.memory_space<vmem>> -> memref<1x128x128xf32, #tpu.memory_space<vmem>>
          %dma_wait3A_124 = tpu.memref_squeeze %dma_wait3A_123 : memref<1x128x128xf32, #tpu.memory_space<vmem>> -> memref<128x128xf32, #tpu.memory_space<vmem>>
          %dma_wait3A_125 = arith.constant 0 : i32
          %dma_wait3A_126 = tpu.memref_slice %arg8[%add3A_66, %dma_wait3A_125] : memref<32x128xi32, #tpu.memory_space<vmem>> -> memref<1x128xi32, #tpu.memory_space<vmem>>
          %dma_wait3A_127 = tpu.memref_squeeze %dma_wait3A_126 : memref<1x128xi32, #tpu.memory_space<vmem>> -> memref<128xi32, #tpu.memory_space<vmem>>
          %dma_wait3A_128 = arith.constant 0 : i32
          %dma_wait3A_129 = arith.constant 0 : i32
          %dma_wait3A_130 = tpu.memref_slice %arg10[%dma_wait3A_128, %dma_wait3A_129] : memref<10112x128xf32, #tpu.memory_space<vmem_shared>> -> memref<10112x128xf32, #tpu.memory_space<vmem_shared>>
          tpu.wait_indirect_dma semaphore(%run_scoped3A_110 : memref<!tpu.dma_semaphore, #tpu.memory_space<semaphore_mem>>) src(%dma_wait3A_124 : memref<128x128xf32, #tpu.memory_space<vmem>>) dst(%dma_wait3A_130 : memref<10112x128xf32, #tpu.memory_space<vmem_shared>>)
          tpu.yield
        }) : () -> ()
        %add3A_80 = arith.constant 1 : i32
        %add3A_81 = arith.addi %scan3A_62, %add3A_80 : i32
        %lt3A = arith.constant 16 : i32
        %lt3A_82 = arith.cmpi slt, %add3A_81, %lt3A : i32
        %convert_element_type3A = arith.extui %lt3A_82 : i1 to i32
        %cond3A = arith.constant 0 : i32
        %cond3A_83 = arith.cmpi ne, %convert_element_type3A, %cond3A : i32
        scf.if %cond3A_83 {
          %add3A_110 = arith.constant 2 : i32
          %add3A_111 = arith.addi %add3A_66, %add3A_110 : i32
          %dma_start3A_112 = arith.constant 0 : i32
          %dma_start3A_113 = arith.constant 0 : i32
          %dma_start3A_114 = arith.constant 0 : i32
          %dma_start3A_115 = arith.constant 0 : i32
          %dma_start3A_116 = tpu.memref_slice %arg9[%dma_start3A_112, %dma_start3A_114, %dma_start3A_115] : memref<2x128x128xf32, #tpu.memory_space<vmem>> -> memref<1x128x128xf32, #tpu.memory_space<vmem>>
          %dma_start3A_117 = tpu.memref_squeeze %dma_start3A_116 : memref<1x128x128xf32, #tpu.memory_space<vmem>> -> memref<128x128xf32, #tpu.memory_space<vmem>>
          %dma_start3A_118 = arith.constant 0 : i32
          %dma_start3A_119 = tpu.memref_slice %arg7[%add3A_111, %dma_start3A_118] : memref<32x128xi32, #tpu.memory_space<vmem>> -> memref<1x128xi32, #tpu.memory_space<vmem>>
          %dma_start3A_120 = tpu.memref_squeeze %dma_start3A_119 : memref<1x128xi32, #tpu.memory_space<vmem>> -> memref<128xi32, #tpu.memory_space<vmem>>
          %dma_start3A_121 = arith.constant 0 : i32
          %dma_start3A_122 = arith.constant 0 : i32
          %dma_start3A_123 = tpu.memref_slice %arg2[%dma_start3A_121, %dma_start3A_122] : memref<10000x128xf32, #tpu.memory_space<hbm>> -> memref<10000x128xf32, #tpu.memory_space<hbm>>
          %dma_start3A_124 = tpu.memref_slice %arg11[%dma_start3A_113] : memref<2x!tpu.dma_semaphore, #tpu.memory_space<semaphore_mem>> -> memref<1x!tpu.dma_semaphore, #tpu.memory_space<semaphore_mem>>
          %dma_start3A_125 = tpu.memref_squeeze %dma_start3A_124 : memref<1x!tpu.dma_semaphore, #tpu.memory_space<semaphore_mem>> -> memref<!tpu.dma_semaphore, #tpu.memory_space<semaphore_mem>>
          tpu.enqueue_indirect_dma source(%dma_start3A_123 : memref<10000x128xf32, #tpu.memory_space<hbm>>) target(%dma_start3A_117 : memref<128x128xf32, #tpu.memory_space<vmem>>) offsets(%dma_start3A_120 : memref<128xi32, #tpu.memory_space<vmem>>) semaphore(%dma_start3A_125 : memref<!tpu.dma_semaphore, #tpu.memory_space<semaphore_mem>>)
        } else {
        }
        %mul3A_84 = arith.constant 2 : i32
        %mul3A_85 = arith.muli %scan3A_62, %mul3A_84 : i32
        %add3A_86 = arith.constant 1 : i32
        %add3A_87 = arith.addi %mul3A_85, %add3A_86 : i32
        %dma_wait3A_88 = arith.constant 1 : i32
        %dma_wait3A_89 = arith.constant 1 : i32
        %dma_wait3A_90 = arith.constant 0 : i32
        %dma_wait3A_91 = arith.constant 0 : i32
        %dma_wait3A_92 = tpu.memref_slice %arg9[%dma_wait3A_88, %dma_wait3A_90, %dma_wait3A_91] : memref<2x128x128xf32, #tpu.memory_space<vmem>> -> memref<1x128x128xf32, #tpu.memory_space<vmem>>
        %dma_wait3A_93 = tpu.memref_squeeze %dma_wait3A_92 : memref<1x128x128xf32, #tpu.memory_space<vmem>> -> memref<128x128xf32, #tpu.memory_space<vmem>>
        %dma_wait3A_94 = arith.constant 0 : i32
        %dma_wait3A_95 = tpu.memref_slice %arg7[%add3A_87, %dma_wait3A_94] : memref<32x128xi32, #tpu.memory_space<vmem>> -> memref<1x128xi32, #tpu.memory_space<vmem>>
        %dma_wait3A_96 = tpu.memref_squeeze %dma_wait3A_95 : memref<1x128xi32, #tpu.memory_space<vmem>> -> memref<128xi32, #tpu.memory_space<vmem>>
        %dma_wait3A_97 = arith.constant 0 : i32
        %dma_wait3A_98 = arith.constant 0 : i32
        %dma_wait3A_99 = tpu.memref_slice %arg2[%dma_wait3A_97, %dma_wait3A_98] : memref<10000x128xf32, #tpu.memory_space<hbm>> -> memref<10000x128xf32, #tpu.memory_space<hbm>>
        %dma_wait3A_100 = tpu.memref_slice %arg11[%dma_wait3A_89] : memref<2x!tpu.dma_semaphore, #tpu.memory_space<semaphore_mem>> -> memref<1x!tpu.dma_semaphore, #tpu.memory_space<semaphore_mem>>
        %dma_wait3A_101 = tpu.memref_squeeze %dma_wait3A_100 : memref<1x!tpu.dma_semaphore, #tpu.memory_space<semaphore_mem>> -> memref<!tpu.dma_semaphore, #tpu.memory_space<semaphore_mem>>
        tpu.wait_indirect_dma semaphore(%dma_wait3A_101 : memref<!tpu.dma_semaphore, #tpu.memory_space<semaphore_mem>>) src(%dma_wait3A_99 : memref<10000x128xf32, #tpu.memory_space<hbm>>) dst(%dma_wait3A_93 : memref<128x128xf32, #tpu.memory_space<vmem>>)
        %run_scoped3A_102 = arith.constant 1 : i32
        "tpu.region"() ({
          %run_scoped3A_110 = tpu.sem_alloc : memref<!tpu.dma_semaphore, #tpu.memory_space<semaphore_mem>>
          %dma_start3A_111 = arith.constant 0 : i32
          %dma_start3A_112 = arith.constant 0 : i32
          %dma_start3A_113 = tpu.memref_slice %arg9[%run_scoped3A_102, %dma_start3A_111, %dma_start3A_112] : memref<2x128x128xf32, #tpu.memory_space<vmem>> -> memref<1x128x128xf32, #tpu.memory_space<vmem>>
          %dma_start3A_114 = tpu.memref_squeeze %dma_start3A_113 : memref<1x128x128xf32, #tpu.memory_space<vmem>> -> memref<128x128xf32, #tpu.memory_space<vmem>>
          %dma_start3A_115 = arith.constant 0 : i32
          %dma_start3A_116 = tpu.memref_slice %arg8[%add3A_87, %dma_start3A_115] : memref<32x128xi32, #tpu.memory_space<vmem>> -> memref<1x128xi32, #tpu.memory_space<vmem>>
          %dma_start3A_117 = tpu.memref_squeeze %dma_start3A_116 : memref<1x128xi32, #tpu.memory_space<vmem>> -> memref<128xi32, #tpu.memory_space<vmem>>
          %dma_start3A_118 = arith.constant 0 : i32
          %dma_start3A_119 = arith.constant 0 : i32
          %dma_start3A_120 = tpu.memref_slice %arg10[%dma_start3A_118, %dma_start3A_119] : memref<10112x128xf32, #tpu.memory_space<vmem_shared>> -> memref<10112x128xf32, #tpu.memory_space<vmem_shared>>
          tpu.enqueue_indirect_dma source(%dma_start3A_114 : memref<128x128xf32, #tpu.memory_space<vmem>>) target(%dma_start3A_120 : memref<10112x128xf32, #tpu.memory_space<vmem_shared>>) offsets(%dma_start3A_117 : memref<128xi32, #tpu.memory_space<vmem>>) semaphore(%run_scoped3A_110 : memref<!tpu.dma_semaphore, #tpu.memory_space<semaphore_mem>>) {add = true}
          %dma_wait3A_121 = arith.constant 0 : i32
          %dma_wait3A_122 = arith.constant 0 : i32
          %dma_wait3A_123 = tpu.memref_slice %arg9[%run_scoped3A_102, %dma_wait3A_121, %dma_wait3A_122] : memref<2x128x128xf32, #tpu.memory_space<vmem>> -> memref<1x128x128xf32, #tpu.memory_space<vmem>>
          %dma_wait3A_124 = tpu.memref_squeeze %dma_wait3A_123 : memref<1x128x128xf32, #tpu.memory_space<vmem>> -> memref<128x128xf32, #tpu.memory_space<vmem>>
          %dma_wait3A_125 = arith.constant 0 : i32
          %dma_wait3A_126 = tpu.memref_slice %arg8[%add3A_87, %dma_wait3A_125] : memref<32x128xi32, #tpu.memory_space<vmem>> -> memref<1x128xi32, #tpu.memory_space<vmem>>
          %dma_wait3A_127 = tpu.memref_squeeze %dma_wait3A_126 : memref<1x128xi32, #tpu.memory_space<vmem>> -> memref<128xi32, #tpu.memory_space<vmem>>
          %dma_wait3A_128 = arith.constant 0 : i32
          %dma_wait3A_129 = arith.constant 0 : i32
          %dma_wait3A_130 = tpu.memref_slice %arg10[%dma_wait3A_128, %dma_wait3A_129] : memref<10112x128xf32, #tpu.memory_space<vmem_shared>> -> memref<10112x128xf32, #tpu.memory_space<vmem_shared>>
          tpu.wait_indirect_dma semaphore(%run_scoped3A_110 : memref<!tpu.dma_semaphore, #tpu.memory_space<semaphore_mem>>) src(%dma_wait3A_124 : memref<128x128xf32, #tpu.memory_space<vmem>>) dst(%dma_wait3A_130 : memref<10112x128xf32, #tpu.memory_space<vmem_shared>>)
          tpu.yield
        }) : () -> ()
        %add3A_103 = arith.constant 1 : i32
        %add3A_104 = arith.addi %scan3A_62, %add3A_103 : i32
        %lt3A_105 = arith.constant 16 : i32
        %lt3A_106 = arith.cmpi slt, %add3A_104, %lt3A_105 : i32
        %convert_element_type3A_107 = arith.extui %lt3A_106 : i1 to i32
        %cond3A_108 = arith.constant 0 : i32
        %cond3A_109 = arith.cmpi ne, %convert_element_type3A_107, %cond3A_108 : i32
        scf.if %cond3A_109 {
          %add3A_110 = arith.constant 2 : i32
          %add3A_111 = arith.addi %add3A_87, %add3A_110 : i32
          %dma_start3A_112 = arith.constant 1 : i32
          %dma_start3A_113 = arith.constant 1 : i32
          %dma_start3A_114 = arith.constant 0 : i32
          %dma_start3A_115 = arith.constant 0 : i32
          %dma_start3A_116 = tpu.memref_slice %arg9[%dma_start3A_112, %dma_start3A_114, %dma_start3A_115] : memref<2x128x128xf32, #tpu.memory_space<vmem>> -> memref<1x128x128xf32, #tpu.memory_space<vmem>>
          %dma_start3A_117 = tpu.memref_squeeze %dma_start3A_116 : memref<1x128x128xf32, #tpu.memory_space<vmem>> -> memref<128x128xf32, #tpu.memory_space<vmem>>
          %dma_start3A_118 = arith.constant 0 : i32
          %dma_start3A_119 = tpu.memref_slice %arg7[%add3A_111, %dma_start3A_118] : memref<32x128xi32, #tpu.memory_space<vmem>> -> memref<1x128xi32, #tpu.memory_space<vmem>>
          %dma_start3A_120 = tpu.memref_squeeze %dma_start3A_119 : memref<1x128xi32, #tpu.memory_space<vmem>> -> memref<128xi32, #tpu.memory_space<vmem>>
          %dma_start3A_121 = arith.constant 0 : i32
          %dma_start3A_122 = arith.constant 0 : i32
          %dma_start3A_123 = tpu.memref_slice %arg2[%dma_start3A_121, %dma_start3A_122] : memref<10000x128xf32, #tpu.memory_space<hbm>> -> memref<10000x128xf32, #tpu.memory_space<hbm>>
          %dma_start3A_124 = tpu.memref_slice %arg11[%dma_start3A_113] : memref<2x!tpu.dma_semaphore, #tpu.memory_space<semaphore_mem>> -> memref<1x!tpu.dma_semaphore, #tpu.memory_space<semaphore_mem>>
          %dma_start3A_125 = tpu.memref_squeeze %dma_start3A_124 : memref<1x!tpu.dma_semaphore, #tpu.memory_space<semaphore_mem>> -> memref<!tpu.dma_semaphore, #tpu.memory_space<semaphore_mem>>
          tpu.enqueue_indirect_dma source(%dma_start3A_123 : memref<10000x128xf32, #tpu.memory_space<hbm>>) target(%dma_start3A_117 : memref<128x128xf32, #tpu.memory_space<vmem>>) offsets(%dma_start3A_120 : memref<128xi32, #tpu.memory_space<vmem>>) semaphore(%dma_start3A_125 : memref<!tpu.dma_semaphore, #tpu.memory_space<semaphore_mem>>)
        } else {
        }
      }
      %scan3A_61 = arith.constant 16 : i32
    }
    %barrier3A_20 = arith.constant 0 : index
    tpu.barrier barrier_id(%barrier3A_20)
    %mul3A_21 = arith.constant 632 : i32
    %mul3A_22 = arith.muli %arg1, %mul3A_21 : i32
    %mul3A_23 = arith.constant 632 : i32
    %mul3A_24 = arith.muli %arg1, %mul3A_23 : i32
    "tpu.region"() ({
      %run_scoped3A = tpu.sem_alloc : memref<!tpu.dma_semaphore, #tpu.memory_space<semaphore_mem>>
      %dma_start3A = arith.constant 0 : i32
      %dma_start3A_25 = tpu.memref_slice %arg6[%arg0, %mul3A_24, %dma_start3A] : memref<2x10112x128xf32, #tpu.memory_space<hbm>> -> memref<1x632x128xf32, #tpu.memory_space<hbm>>
      %dma_start3A_26 = tpu.memref_squeeze %dma_start3A_25 : memref<1x632x128xf32, #tpu.memory_space<hbm>> -> memref<632x128xf32, #tpu.memory_space<hbm>>
      %dma_start3A_27 = arith.constant 0 : i32
      %dma_start3A_28 = tpu.memref_slice %arg10[%mul3A_22, %dma_start3A_27] : memref<10112x128xf32, #tpu.memory_space<vmem_shared>> -> memref<632x128xf32, #tpu.memory_space<vmem_shared>>
      tpu.enqueue_dma source(%dma_start3A_28 : memref<632x128xf32, #tpu.memory_space<vmem_shared>>) target(%dma_start3A_26 : memref<632x128xf32, #tpu.memory_space<hbm>>) target_semaphore(%run_scoped3A : memref<!tpu.dma_semaphore, #tpu.memory_space<semaphore_mem>>)
      %dma_wait3A = arith.constant 0 : i32
      %dma_wait3A_29 = tpu.memref_slice %arg6[%arg0, %mul3A_24, %dma_wait3A] : memref<2x10112x128xf32, #tpu.memory_space<hbm>> -> memref<1x632x128xf32, #tpu.memory_space<hbm>>
      %dma_wait3A_30 = tpu.memref_squeeze %dma_wait3A_29 : memref<1x632x128xf32, #tpu.memory_space<hbm>> -> memref<632x128xf32, #tpu.memory_space<hbm>>
      %dma_wait3A_31 = arith.constant 0 : i32
      %dma_wait3A_32 = tpu.memref_slice %arg10[%mul3A_22, %dma_wait3A_31] : memref<10112x128xf32, #tpu.memory_space<vmem_shared>> -> memref<632x128xf32, #tpu.memory_space<vmem_shared>>
      tpu.wait_dma2 semaphore(%run_scoped3A : memref<!tpu.dma_semaphore, #tpu.memory_space<semaphore_mem>>) src(%dma_wait3A_32 : memref<632x128xf32, #tpu.memory_space<vmem_shared>>) dst(%dma_wait3A_30 : memref<632x128xf32, #tpu.memory_space<hbm>>)
      tpu.yield
    }) : () -> ()
    return
  }
}

#map = affine_map<(d0, d1) -> (0, 0)>
#map1 = affine_map<(d0, d1) -> (0, 0, 0)>
module attributes {stable_mosaic.version = 14 : i64} {
  func.func @agg_kernel(%arg0: i32, %arg1: i32, %arg2: memref<10000x128xf32, #tpu.memory_space<hbm>>, %arg3: memref<2560x128xi32, #tpu.memory_space<hbm>>, %arg4: memref<2560x128xi32, #tpu.memory_space<hbm>>, %arg5: memref<632x128xf32, #tpu.memory_space<hbm>>, %arg6: memref<2x10112x128xf32, #tpu.memory_space<hbm>>, %arg7: memref<32x128xi32, #tpu.memory_space<vmem>>, %arg8: memref<32x128xi32, #tpu.memory_space<vmem>>, %arg9: memref<2x128x128xf32, #tpu.memory_space<vmem>>, %arg10: memref<10112x128xf32, #tpu.memory_space<vmem_shared>>, %arg11: memref<2x!tpu.dma_semaphore, #tpu.memory_space<semaphore_mem>>) attributes {dimension_semantics = [#tpu.dimension_semantics<core_parallel>, #tpu.dimension_semantics<subcore_parallel>], iteration_bounds = array<i64: 2, 16>, scalar_prefetch = 0 : i64, scratch_operands = 5 : i64, tpu.core_type = #tpu.core_type<sc_vector_subcore>, window_params = [{transform_indices = #map}, {transform_indices = #map}, {transform_indices = #map}, {transform_indices = #map}, {transform_indices = #map1}]} {
    %mul3A = arith.constant 632 : i32
    %mul3A_0 = arith.muli %arg1, %mul3A : i32
    "tpu.region"() ({
      %run_scoped3A = tpu.sem_alloc : memref<!tpu.dma_semaphore, #tpu.memory_space<semaphore_mem>>
      %dma_start3A = arith.constant 0 : i32
      %dma_start3A_25 = tpu.memref_slice %arg10[%mul3A_0, %dma_start3A] : memref<10112x128xf32, #tpu.memory_space<vmem_shared>> -> memref<632x128xf32, #tpu.memory_space<vmem_shared>>
      tpu.enqueue_dma source(%arg5 : memref<632x128xf32, #tpu.memory_space<hbm>>) target(%dma_start3A_25 : memref<632x128xf32, #tpu.memory_space<vmem_shared>>) target_semaphore(%run_scoped3A : memref<!tpu.dma_semaphore, #tpu.memory_space<semaphore_mem>>)
      %dma_wait3A = arith.constant 0 : i32
      %dma_wait3A_26 = tpu.memref_slice %arg10[%mul3A_0, %dma_wait3A] : memref<10112x128xf32, #tpu.memory_space<vmem_shared>> -> memref<632x128xf32, #tpu.memory_space<vmem_shared>>
      tpu.wait_dma2 semaphore(%run_scoped3A : memref<!tpu.dma_semaphore, #tpu.memory_space<semaphore_mem>>) src(%arg5 : memref<632x128xf32, #tpu.memory_space<hbm>>) dst(%dma_wait3A_26 : memref<632x128xf32, #tpu.memory_space<vmem_shared>>)
      tpu.yield
    }) : () -> ()
    %barrier3A = arith.constant 0 : index
    tpu.barrier barrier_id(%barrier3A)
    %eq3A = arith.constant 0 : i32
    %eq3A_1 = arith.cmpi eq, %arg0, %eq3A : i32
    %select_n3A = arith.constant 2 : i32
    %select_n3A_2 = arith.constant 3 : i32
    %select_n3A_3 = arith.select %eq3A_1, %select_n3A_2, %select_n3A : i32
    %eq3A_4 = arith.constant 0 : i32
    %eq3A_5 = arith.cmpi eq, %arg0, %eq3A_4 : i32
    %mul3A_6 = arith.constant 96 : i32
    %mul3A_7 = arith.muli %arg1, %mul3A_6 : i32
    %mul3A_8 = arith.constant 64 : i32
    %mul3A_9 = arith.muli %arg1, %mul3A_8 : i32
    %add3A = arith.constant 1536 : i32
    %add3A_10 = arith.addi %add3A, %mul3A_9 : i32
    %select_n3A_11 = arith.select %eq3A_5, %mul3A_7, %add3A_10 : i32
    %while3A = arith.constant 0 : i32
    %while3A_12 = arith.subi %select_n3A_3, %while3A : i32
    %while3A_13 = arith.addi %while3A, %while3A_12 : i32
    %while3A_14 = arith.constant 1 : i32
    %while3A_15 = arith.divsi %while3A_12, %while3A_14 : i32
    %while3A_16 = arith.muli %while3A_15, %while3A_14 : i32
    %while3A_17 = arith.addi %while3A, %while3A_16 : i32
    %while3A_18 = arith.constant 1 : i32
    scf.for %while3A_25 = %while3A to %while3A_17 step %while3A_18  : i32 {
      %mul3A_26 = arith.constant 32 : i32
      %mul3A_27 = arith.muli %while3A_25, %mul3A_26 : i32
      %add3A_28 = arith.addi %select_n3A_11, %mul3A_27 : i32
      "tpu.region"() ({
        %run_scoped3A = tpu.sem_alloc : memref<!tpu.dma_semaphore, #tpu.memory_space<semaphore_mem>>
        %dma_start3A_62 = arith.constant 0 : i32
        %dma_start3A_63 = tpu.memref_slice %arg3[%add3A_28, %dma_start3A_62] : memref<2560x128xi32, #tpu.memory_space<hbm>> -> memref<32x128xi32, #tpu.memory_space<hbm>>
        %dma_start3A_64 = arith.constant 0 : i32
        %dma_start3A_65 = tpu.memref_slice %arg3[%add3A_28, %dma_start3A_64] : memref<2560x128xi32, #tpu.memory_space<hbm>> -> memref<32x128xi32, #tpu.memory_space<hbm>>
        tpu.enqueue_dma source(%dma_start3A_65 : memref<32x128xi32, #tpu.memory_space<hbm>>) target(%arg7 : memref<32x128xi32, #tpu.memory_space<vmem>>) target_semaphore(%run_scoped3A : memref<!tpu.dma_semaphore, #tpu.memory_space<semaphore_mem>>)
        %dma_wait3A = arith.constant 0 : i32
        %dma_wait3A_66 = tpu.memref_slice %arg3[%add3A_28, %dma_wait3A] : memref<2560x128xi32, #tpu.memory_space<hbm>> -> memref<32x128xi32, #tpu.memory_space<hbm>>
        %dma_wait3A_67 = arith.constant 0 : i32
        %dma_wait3A_68 = tpu.memref_slice %arg3[%add3A_28, %dma_wait3A_67] : memref<2560x128xi32, #tpu.memory_space<hbm>> -> memref<32x128xi32, #tpu.memory_space<hbm>>
        tpu.wait_dma2 semaphore(%run_scoped3A : memref<!tpu.dma_semaphore, #tpu.memory_space<semaphore_mem>>) src(%dma_wait3A_68 : memref<32x128xi32, #tpu.memory_space<hbm>>) dst(%arg7 : memref<32x128xi32, #tpu.memory_space<vmem>>)
        tpu.yield
      }) : () -> ()
      "tpu.region"() ({
        %run_scoped3A = tpu.sem_alloc : memref<!tpu.dma_semaphore, #tpu.memory_space<semaphore_mem>>
        %dma_start3A_62 = arith.constant 0 : i32
        %dma_start3A_63 = tpu.memref_slice %arg4[%add3A_28, %dma_start3A_62] : memref<2560x128xi32, #tpu.memory_space<hbm>> -> memref<32x128xi32, #tpu.memory_space<hbm>>
        %dma_start3A_64 = arith.constant 0 : i32
        %dma_start3A_65 = tpu.memref_slice %arg4[%add3A_28, %dma_start3A_64] : memref<2560x128xi32, #tpu.memory_space<hbm>> -> memref<32x128xi32, #tpu.memory_space<hbm>>
        tpu.enqueue_dma source(%dma_start3A_65 : memref<32x128xi32, #tpu.memory_space<hbm>>) target(%arg8 : memref<32x128xi32, #tpu.memory_space<vmem>>) target_semaphore(%run_scoped3A : memref<!tpu.dma_semaphore, #tpu.memory_space<semaphore_mem>>)
        %dma_wait3A = arith.constant 0 : i32
        %dma_wait3A_66 = tpu.memref_slice %arg4[%add3A_28, %dma_wait3A] : memref<2560x128xi32, #tpu.memory_space<hbm>> -> memref<32x128xi32, #tpu.memory_space<hbm>>
        %dma_wait3A_67 = arith.constant 0 : i32
        %dma_wait3A_68 = tpu.memref_slice %arg4[%add3A_28, %dma_wait3A_67] : memref<2560x128xi32, #tpu.memory_space<hbm>> -> memref<32x128xi32, #tpu.memory_space<hbm>>
        tpu.wait_dma2 semaphore(%run_scoped3A : memref<!tpu.dma_semaphore, #tpu.memory_space<semaphore_mem>>) src(%dma_wait3A_68 : memref<32x128xi32, #tpu.memory_space<hbm>>) dst(%arg8 : memref<32x128xi32, #tpu.memory_space<vmem>>)
        tpu.yield
      }) : () -> ()
      %dma_start3A = arith.constant 0 : i32
      %dma_start3A_29 = arith.constant 0 : i32
      %dma_start3A_30 = arith.constant 0 : i32
      %dma_start3A_31 = arith.constant 0 : i32
      %dma_start3A_32 = arith.constant 0 : i32
      %dma_start3A_33 = tpu.memref_slice %arg9[%dma_start3A_29, %dma_start3A_31, %dma_start3A_32] : memref<2x128x128xf32, #tpu.memory_space<vmem>> -> memref<1x128x128xf32, #tpu.memory_space<vmem>>
      %dma_start3A_34 = tpu.memref_squeeze %dma_start3A_33 : memref<1x128x128xf32, #tpu.memory_space<vmem>> -> memref<128x128xf32, #tpu.memory_space<vmem>>
      %dma_start3A_35 = arith.constant 0 : i32
      %dma_start3A_36 = tpu.memref_slice %arg7[%dma_start3A, %dma_start3A_35] : memref<32x128xi32, #tpu.memory_space<vmem>> -> memref<1x128xi32, #tpu.memory_space<vmem>>
      %dma_start3A_37 = tpu.memref_squeeze %dma_start3A_36 : memref<1x128xi32, #tpu.memory_space<vmem>> -> memref<128xi32, #tpu.memory_space<vmem>>
      %dma_start3A_38 = arith.constant 0 : i32
      %dma_start3A_39 = arith.constant 0 : i32
      %dma_start3A_40 = tpu.memref_slice %arg2[%dma_start3A_38, %dma_start3A_39] : memref<10000x128xf32, #tpu.memory_space<hbm>> -> memref<10000x128xf32, #tpu.memory_space<hbm>>
      %dma_start3A_41 = tpu.memref_slice %arg11[%dma_start3A_30] : memref<2x!tpu.dma_semaphore, #tpu.memory_space<semaphore_mem>> -> memref<1x!tpu.dma_semaphore, #tpu.memory_space<semaphore_mem>>
      %dma_start3A_42 = tpu.memref_squeeze %dma_start3A_41 : memref<1x!tpu.dma_semaphore, #tpu.memory_space<semaphore_mem>> -> memref<!tpu.dma_semaphore, #tpu.memory_space<semaphore_mem>>
      tpu.enqueue_indirect_dma source(%dma_start3A_40 : memref<10000x128xf32, #tpu.memory_space<hbm>>) target(%dma_start3A_34 : memref<128x128xf32, #tpu.memory_space<vmem>>) offsets(%dma_start3A_37 : memref<128xi32, #tpu.memory_space<vmem>>) semaphore(%dma_start3A_42 : memref<!tpu.dma_semaphore, #tpu.memory_space<semaphore_mem>>)
      %dma_start3A_43 = arith.constant 1 : i32
      %dma_start3A_44 = arith.constant 1 : i32
      %dma_start3A_45 = arith.constant 1 : i32
      %dma_start3A_46 = arith.constant 0 : i32
      %dma_start3A_47 = arith.constant 0 : i32
      %dma_start3A_48 = tpu.memref_slice %arg9[%dma_start3A_44, %dma_start3A_46, %dma_start3A_47] : memref<2x128x128xf32, #tpu.memory_space<vmem>> -> memref<1x128x128xf32, #tpu.memory_space<vmem>>
      %dma_start3A_49 = tpu.memref_squeeze %dma_start3A_48 : memref<1x128x128xf32, #tpu.memory_space<vmem>> -> memref<128x128xf32, #tpu.memory_space<vmem>>
      %dma_start3A_50 = arith.constant 0 : i32
      %dma_start3A_51 = tpu.memref_slice %arg7[%dma_start3A_43, %dma_start3A_50] : memref<32x128xi32, #tpu.memory_space<vmem>> -> memref<1x128xi32, #tpu.memory_space<vmem>>
      %dma_start3A_52 = tpu.memref_squeeze %dma_start3A_51 : memref<1x128xi32, #tpu.memory_space<vmem>> -> memref<128xi32, #tpu.memory_space<vmem>>
      %dma_start3A_53 = arith.constant 0 : i32
      %dma_start3A_54 = arith.constant 0 : i32
      %dma_start3A_55 = tpu.memref_slice %arg2[%dma_start3A_53, %dma_start3A_54] : memref<10000x128xf32, #tpu.memory_space<hbm>> -> memref<10000x128xf32, #tpu.memory_space<hbm>>
      %dma_start3A_56 = tpu.memref_slice %arg11[%dma_start3A_45] : memref<2x!tpu.dma_semaphore, #tpu.memory_space<semaphore_mem>> -> memref<1x!tpu.dma_semaphore, #tpu.memory_space<semaphore_mem>>
      %dma_start3A_57 = tpu.memref_squeeze %dma_start3A_56 : memref<1x!tpu.dma_semaphore, #tpu.memory_space<semaphore_mem>> -> memref<!tpu.dma_semaphore, #tpu.memory_space<semaphore_mem>>
      tpu.enqueue_indirect_dma source(%dma_start3A_55 : memref<10000x128xf32, #tpu.memory_space<hbm>>) target(%dma_start3A_49 : memref<128x128xf32, #tpu.memory_space<vmem>>) offsets(%dma_start3A_52 : memref<128xi32, #tpu.memory_space<vmem>>) semaphore(%dma_start3A_57 : memref<!tpu.dma_semaphore, #tpu.memory_space<semaphore_mem>>)
      %scan3A = arith.constant 0 : i32
      %scan3A_58 = arith.constant 16 : i32
      %scan3A_59 = arith.addi %scan3A, %scan3A_58 : i32
      %scan3A_60 = arith.constant 1 : i32
      scf.for %scan3A_62 = %scan3A to %scan3A_59 step %scan3A_60  : i32 {
        %mul3A_63 = arith.constant 2 : i32
        %mul3A_64 = arith.muli %scan3A_62, %mul3A_63 : i32
        %add3A_65 = arith.constant 0 : i32
        %add3A_66 = arith.addi %mul3A_64, %add3A_65 : i32
        %dma_wait3A = arith.constant 0 : i32
        %dma_wait3A_67 = arith.constant 0 : i32
        %dma_wait3A_68 = arith.constant 0 : i32
        %dma_wait3A_69 = arith.constant 0 : i32
        %dma_wait3A_70 = tpu.memref_slice %arg9[%dma_wait3A, %dma_wait3A_68, %dma_wait3A_69] : memref<2x128x128xf32, #tpu.memory_space<vmem>> -> memref<1x128x128xf32, #tpu.memory_space<vmem>>
        %dma_wait3A_71 = tpu.memref_squeeze %dma_wait3A_70 : memref<1x128x128xf32, #tpu.memory_space<vmem>> -> memref<128x128xf32, #tpu.memory_space<vmem>>
        %dma_wait3A_72 = arith.constant 0 : i32
        %dma_wait3A_73 = tpu.memref_slice %arg7[%add3A_66, %dma_wait3A_72] : memref<32x128xi32, #tpu.memory_space<vmem>> -> memref<1x128xi32, #tpu.memory_space<vmem>>
        %dma_wait3A_74 = tpu.memref_squeeze %dma_wait3A_73 : memref<1x128xi32, #tpu.memory_space<vmem>> -> memref<128xi32, #tpu.memory_space<vmem>>
        %dma_wait3A_75 = arith.constant 0 : i32
        %dma_wait3A_76 = arith.constant 0 : i32
        %dma_wait3A_77 = tpu.memref_slice %arg2[%dma_wait3A_75, %dma_wait3A_76] : memref<10000x128xf32, #tpu.memory_space<hbm>> -> memref<10000x128xf32, #tpu.memory_space<hbm>>
        %dma_wait3A_78 = tpu.memref_slice %arg11[%dma_wait3A_67] : memref<2x!tpu.dma_semaphore, #tpu.memory_space<semaphore_mem>> -> memref<1x!tpu.dma_semaphore, #tpu.memory_space<semaphore_mem>>
        %dma_wait3A_79 = tpu.memref_squeeze %dma_wait3A_78 : memref<1x!tpu.dma_semaphore, #tpu.memory_space<semaphore_mem>> -> memref<!tpu.dma_semaphore, #tpu.memory_space<semaphore_mem>>
        tpu.wait_indirect_dma semaphore(%dma_wait3A_79 : memref<!tpu.dma_semaphore, #tpu.memory_space<semaphore_mem>>) src(%dma_wait3A_77 : memref<10000x128xf32, #tpu.memory_space<hbm>>) dst(%dma_wait3A_71 : memref<128x128xf32, #tpu.memory_space<vmem>>)
        %run_scoped3A = arith.constant 0 : i32
        "tpu.region"() ({
          %run_scoped3A_110 = tpu.sem_alloc : memref<!tpu.dma_semaphore, #tpu.memory_space<semaphore_mem>>
          %dma_start3A_111 = arith.constant 0 : i32
          %dma_start3A_112 = arith.constant 0 : i32
          %dma_start3A_113 = tpu.memref_slice %arg9[%run_scoped3A, %dma_start3A_111, %dma_start3A_112] : memref<2x128x128xf32, #tpu.memory_space<vmem>> -> memref<1x128x128xf32, #tpu.memory_space<vmem>>
          %dma_start3A_114 = tpu.memref_squeeze %dma_start3A_113 : memref<1x128x128xf32, #tpu.memory_space<vmem>> -> memref<128x128xf32, #tpu.memory_space<vmem>>
          %dma_start3A_115 = arith.constant 0 : i32
          %dma_start3A_116 = tpu.memref_slice %arg8[%add3A_66, %dma_start3A_115] : memref<32x128xi32, #tpu.memory_space<vmem>> -> memref<1x128xi32, #tpu.memory_space<vmem>>
          %dma_start3A_117 = tpu.memref_squeeze %dma_start3A_116 : memref<1x128xi32, #tpu.memory_space<vmem>> -> memref<128xi32, #tpu.memory_space<vmem>>
          %dma_start3A_118 = arith.constant 0 : i32
          %dma_start3A_119 = arith.constant 0 : i32
          %dma_start3A_120 = tpu.memref_slice %arg10[%dma_start3A_118, %dma_start3A_119] : memref<10112x128xf32, #tpu.memory_space<vmem_shared>> -> memref<10112x128xf32, #tpu.memory_space<vmem_shared>>
          tpu.enqueue_indirect_dma source(%dma_start3A_114 : memref<128x128xf32, #tpu.memory_space<vmem>>) target(%dma_start3A_120 : memref<10112x128xf32, #tpu.memory_space<vmem_shared>>) offsets(%dma_start3A_117 : memref<128xi32, #tpu.memory_space<vmem>>) semaphore(%run_scoped3A_110 : memref<!tpu.dma_semaphore, #tpu.memory_space<semaphore_mem>>) {add = true}
          %dma_wait3A_121 = arith.constant 0 : i32
          %dma_wait3A_122 = arith.constant 0 : i32
          %dma_wait3A_123 = tpu.memref_slice %arg9[%run_scoped3A, %dma_wait3A_121, %dma_wait3A_122] : memref<2x128x128xf32, #tpu.memory_space<vmem>> -> memref<1x128x128xf32, #tpu.memory_space<vmem>>
          %dma_wait3A_124 = tpu.memref_squeeze %dma_wait3A_123 : memref<1x128x128xf32, #tpu.memory_space<vmem>> -> memref<128x128xf32, #tpu.memory_space<vmem>>
          %dma_wait3A_125 = arith.constant 0 : i32
          %dma_wait3A_126 = tpu.memref_slice %arg8[%add3A_66, %dma_wait3A_125] : memref<32x128xi32, #tpu.memory_space<vmem>> -> memref<1x128xi32, #tpu.memory_space<vmem>>
          %dma_wait3A_127 = tpu.memref_squeeze %dma_wait3A_126 : memref<1x128xi32, #tpu.memory_space<vmem>> -> memref<128xi32, #tpu.memory_space<vmem>>
          %dma_wait3A_128 = arith.constant 0 : i32
          %dma_wait3A_129 = arith.constant 0 : i32
          %dma_wait3A_130 = tpu.memref_slice %arg10[%dma_wait3A_128, %dma_wait3A_129] : memref<10112x128xf32, #tpu.memory_space<vmem_shared>> -> memref<10112x128xf32, #tpu.memory_space<vmem_shared>>
          tpu.wait_indirect_dma semaphore(%run_scoped3A_110 : memref<!tpu.dma_semaphore, #tpu.memory_space<semaphore_mem>>) src(%dma_wait3A_124 : memref<128x128xf32, #tpu.memory_space<vmem>>) dst(%dma_wait3A_130 : memref<10112x128xf32, #tpu.memory_space<vmem_shared>>)
          tpu.yield
        }) : () -> ()
        %add3A_80 = arith.constant 1 : i32
        %add3A_81 = arith.addi %scan3A_62, %add3A_80 : i32
        %lt3A = arith.constant 16 : i32
        %lt3A_82 = arith.cmpi slt, %add3A_81, %lt3A : i32
        %convert_element_type3A = arith.extui %lt3A_82 : i1 to i32
        %cond3A = arith.constant 0 : i32
        %cond3A_83 = arith.cmpi ne, %convert_element_type3A, %cond3A : i32
        scf.if %cond3A_83 {
          %add3A_110 = arith.constant 2 : i32
          %add3A_111 = arith.addi %add3A_66, %add3A_110 : i32
          %dma_start3A_112 = arith.constant 0 : i32
          %dma_start3A_113 = arith.constant 0 : i32
          %dma_start3A_114 = arith.constant 0 : i32
          %dma_start3A_115 = arith.constant 0 : i32
          %dma_start3A_116 = tpu.memref_slice %arg9[%dma_start3A_112, %dma_start3A_114, %dma_start3A_115] : memref<2x128x128xf32, #tpu.memory_space<vmem>> -> memref<1x128x128xf32, #tpu.memory_space<vmem>>
          %dma_start3A_117 = tpu.memref_squeeze %dma_start3A_116 : memref<1x128x128xf32, #tpu.memory_space<vmem>> -> memref<128x128xf32, #tpu.memory_space<vmem>>
          %dma_start3A_118 = arith.constant 0 : i32
          %dma_start3A_119 = tpu.memref_slice %arg7[%add3A_111, %dma_start3A_118] : memref<32x128xi32, #tpu.memory_space<vmem>> -> memref<1x128xi32, #tpu.memory_space<vmem>>
          %dma_start3A_120 = tpu.memref_squeeze %dma_start3A_119 : memref<1x128xi32, #tpu.memory_space<vmem>> -> memref<128xi32, #tpu.memory_space<vmem>>
          %dma_start3A_121 = arith.constant 0 : i32
          %dma_start3A_122 = arith.constant 0 : i32
          %dma_start3A_123 = tpu.memref_slice %arg2[%dma_start3A_121, %dma_start3A_122] : memref<10000x128xf32, #tpu.memory_space<hbm>> -> memref<10000x128xf32, #tpu.memory_space<hbm>>
          %dma_start3A_124 = tpu.memref_slice %arg11[%dma_start3A_113] : memref<2x!tpu.dma_semaphore, #tpu.memory_space<semaphore_mem>> -> memref<1x!tpu.dma_semaphore, #tpu.memory_space<semaphore_mem>>
          %dma_start3A_125 = tpu.memref_squeeze %dma_start3A_124 : memref<1x!tpu.dma_semaphore, #tpu.memory_space<semaphore_mem>> -> memref<!tpu.dma_semaphore, #tpu.memory_space<semaphore_mem>>
          tpu.enqueue_indirect_dma source(%dma_start3A_123 : memref<10000x128xf32, #tpu.memory_space<hbm>>) target(%dma_start3A_117 : memref<128x128xf32, #tpu.memory_space<vmem>>) offsets(%dma_start3A_120 : memref<128xi32, #tpu.memory_space<vmem>>) semaphore(%dma_start3A_125 : memref<!tpu.dma_semaphore, #tpu.memory_space<semaphore_mem>>)
        } else {
        }
        %mul3A_84 = arith.constant 2 : i32
        %mul3A_85 = arith.muli %scan3A_62, %mul3A_84 : i32
        %add3A_86 = arith.constant 1 : i32
        %add3A_87 = arith.addi %mul3A_85, %add3A_86 : i32
        %dma_wait3A_88 = arith.constant 1 : i32
        %dma_wait3A_89 = arith.constant 1 : i32
        %dma_wait3A_90 = arith.constant 0 : i32
        %dma_wait3A_91 = arith.constant 0 : i32
        %dma_wait3A_92 = tpu.memref_slice %arg9[%dma_wait3A_88, %dma_wait3A_90, %dma_wait3A_91] : memref<2x128x128xf32, #tpu.memory_space<vmem>> -> memref<1x128x128xf32, #tpu.memory_space<vmem>>
        %dma_wait3A_93 = tpu.memref_squeeze %dma_wait3A_92 : memref<1x128x128xf32, #tpu.memory_space<vmem>> -> memref<128x128xf32, #tpu.memory_space<vmem>>
        %dma_wait3A_94 = arith.constant 0 : i32
        %dma_wait3A_95 = tpu.memref_slice %arg7[%add3A_87, %dma_wait3A_94] : memref<32x128xi32, #tpu.memory_space<vmem>> -> memref<1x128xi32, #tpu.memory_space<vmem>>
        %dma_wait3A_96 = tpu.memref_squeeze %dma_wait3A_95 : memref<1x128xi32, #tpu.memory_space<vmem>> -> memref<128xi32, #tpu.memory_space<vmem>>
        %dma_wait3A_97 = arith.constant 0 : i32
        %dma_wait3A_98 = arith.constant 0 : i32
        %dma_wait3A_99 = tpu.memref_slice %arg2[%dma_wait3A_97, %dma_wait3A_98] : memref<10000x128xf32, #tpu.memory_space<hbm>> -> memref<10000x128xf32, #tpu.memory_space<hbm>>
        %dma_wait3A_100 = tpu.memref_slice %arg11[%dma_wait3A_89] : memref<2x!tpu.dma_semaphore, #tpu.memory_space<semaphore_mem>> -> memref<1x!tpu.dma_semaphore, #tpu.memory_space<semaphore_mem>>
        %dma_wait3A_101 = tpu.memref_squeeze %dma_wait3A_100 : memref<1x!tpu.dma_semaphore, #tpu.memory_space<semaphore_mem>> -> memref<!tpu.dma_semaphore, #tpu.memory_space<semaphore_mem>>
        tpu.wait_indirect_dma semaphore(%dma_wait3A_101 : memref<!tpu.dma_semaphore, #tpu.memory_space<semaphore_mem>>) src(%dma_wait3A_99 : memref<10000x128xf32, #tpu.memory_space<hbm>>) dst(%dma_wait3A_93 : memref<128x128xf32, #tpu.memory_space<vmem>>)
        %run_scoped3A_102 = arith.constant 1 : i32
        "tpu.region"() ({
          %run_scoped3A_110 = tpu.sem_alloc : memref<!tpu.dma_semaphore, #tpu.memory_space<semaphore_mem>>
          %dma_start3A_111 = arith.constant 0 : i32
          %dma_start3A_112 = arith.constant 0 : i32
          %dma_start3A_113 = tpu.memref_slice %arg9[%run_scoped3A_102, %dma_start3A_111, %dma_start3A_112] : memref<2x128x128xf32, #tpu.memory_space<vmem>> -> memref<1x128x128xf32, #tpu.memory_space<vmem>>
          %dma_start3A_114 = tpu.memref_squeeze %dma_start3A_113 : memref<1x128x128xf32, #tpu.memory_space<vmem>> -> memref<128x128xf32, #tpu.memory_space<vmem>>
          %dma_start3A_115 = arith.constant 0 : i32
          %dma_start3A_116 = tpu.memref_slice %arg8[%add3A_87, %dma_start3A_115] : memref<32x128xi32, #tpu.memory_space<vmem>> -> memref<1x128xi32, #tpu.memory_space<vmem>>
          %dma_start3A_117 = tpu.memref_squeeze %dma_start3A_116 : memref<1x128xi32, #tpu.memory_space<vmem>> -> memref<128xi32, #tpu.memory_space<vmem>>
          %dma_start3A_118 = arith.constant 0 : i32
          %dma_start3A_119 = arith.constant 0 : i32
          %dma_start3A_120 = tpu.memref_slice %arg10[%dma_start3A_118, %dma_start3A_119] : memref<10112x128xf32, #tpu.memory_space<vmem_shared>> -> memref<10112x128xf32, #tpu.memory_space<vmem_shared>>
          tpu.enqueue_indirect_dma source(%dma_start3A_114 : memref<128x128xf32, #tpu.memory_space<vmem>>) target(%dma_start3A_120 : memref<10112x128xf32, #tpu.memory_space<vmem_shared>>) offsets(%dma_start3A_117 : memref<128xi32, #tpu.memory_space<vmem>>) semaphore(%run_scoped3A_110 : memref<!tpu.dma_semaphore, #tpu.memory_space<semaphore_mem>>) {add = true}
          %dma_wait3A_121 = arith.constant 0 : i32
          %dma_wait3A_122 = arith.constant 0 : i32
          %dma_wait3A_123 = tpu.memref_slice %arg9[%run_scoped3A_102, %dma_wait3A_121, %dma_wait3A_122] : memref<2x128x128xf32, #tpu.memory_space<vmem>> -> memref<1x128x128xf32, #tpu.memory_space<vmem>>
          %dma_wait3A_124 = tpu.memref_squeeze %dma_wait3A_123 : memref<1x128x128xf32, #tpu.memory_space<vmem>> -> memref<128x128xf32, #tpu.memory_space<vmem>>
          %dma_wait3A_125 = arith.constant 0 : i32
          %dma_wait3A_126 = tpu.memref_slice %arg8[%add3A_87, %dma_wait3A_125] : memref<32x128xi32, #tpu.memory_space<vmem>> -> memref<1x128xi32, #tpu.memory_space<vmem>>
          %dma_wait3A_127 = tpu.memref_squeeze %dma_wait3A_126 : memref<1x128xi32, #tpu.memory_space<vmem>> -> memref<128xi32, #tpu.memory_space<vmem>>
          %dma_wait3A_128 = arith.constant 0 : i32
          %dma_wait3A_129 = arith.constant 0 : i32
          %dma_wait3A_130 = tpu.memref_slice %arg10[%dma_wait3A_128, %dma_wait3A_129] : memref<10112x128xf32, #tpu.memory_space<vmem_shared>> -> memref<10112x128xf32, #tpu.memory_space<vmem_shared>>
          tpu.wait_indirect_dma semaphore(%run_scoped3A_110 : memref<!tpu.dma_semaphore, #tpu.memory_space<semaphore_mem>>) src(%dma_wait3A_124 : memref<128x128xf32, #tpu.memory_space<vmem>>) dst(%dma_wait3A_130 : memref<10112x128xf32, #tpu.memory_space<vmem_shared>>)
          tpu.yield
        }) : () -> ()
        %add3A_103 = arith.constant 1 : i32
        %add3A_104 = arith.addi %scan3A_62, %add3A_103 : i32
        %lt3A_105 = arith.constant 16 : i32
        %lt3A_106 = arith.cmpi slt, %add3A_104, %lt3A_105 : i32
        %convert_element_type3A_107 = arith.extui %lt3A_106 : i1 to i32
        %cond3A_108 = arith.constant 0 : i32
        %cond3A_109 = arith.cmpi ne, %convert_element_type3A_107, %cond3A_108 : i32
        scf.if %cond3A_109 {
          %add3A_110 = arith.constant 2 : i32
          %add3A_111 = arith.addi %add3A_87, %add3A_110 : i32
          %dma_start3A_112 = arith.constant 1 : i32
          %dma_start3A_113 = arith.constant 1 : i32
          %dma_start3A_114 = arith.constant 0 : i32
          %dma_start3A_115 = arith.constant 0 : i32
          %dma_start3A_116 = tpu.memref_slice %arg9[%dma_start3A_112, %dma_start3A_114, %dma_start3A_115] : memref<2x128x128xf32, #tpu.memory_space<vmem>> -> memref<1x128x128xf32, #tpu.memory_space<vmem>>
          %dma_start3A_117 = tpu.memref_squeeze %dma_start3A_116 : memref<1x128x128xf32, #tpu.memory_space<vmem>> -> memref<128x128xf32, #tpu.memory_space<vmem>>
          %dma_start3A_118 = arith.constant 0 : i32
          %dma_start3A_119 = tpu.memref_slice %arg7[%add3A_111, %dma_start3A_118] : memref<32x128xi32, #tpu.memory_space<vmem>> -> memref<1x128xi32, #tpu.memory_space<vmem>>
          %dma_start3A_120 = tpu.memref_squeeze %dma_start3A_119 : memref<1x128xi32, #tpu.memory_space<vmem>> -> memref<128xi32, #tpu.memory_space<vmem>>
          %dma_start3A_121 = arith.constant 0 : i32
          %dma_start3A_122 = arith.constant 0 : i32
          %dma_start3A_123 = tpu.memref_slice %arg2[%dma_start3A_121, %dma_start3A_122] : memref<10000x128xf32, #tpu.memory_space<hbm>> -> memref<10000x128xf32, #tpu.memory_space<hbm>>
          %dma_start3A_124 = tpu.memref_slice %arg11[%dma_start3A_113] : memref<2x!tpu.dma_semaphore, #tpu.memory_space<semaphore_mem>> -> memref<1x!tpu.dma_semaphore, #tpu.memory_space<semaphore_mem>>
          %dma_start3A_125 = tpu.memref_squeeze %dma_start3A_124 : memref<1x!tpu.dma_semaphore, #tpu.memory_space<semaphore_mem>> -> memref<!tpu.dma_semaphore, #tpu.memory_space<semaphore_mem>>
          tpu.enqueue_indirect_dma source(%dma_start3A_123 : memref<10000x128xf32, #tpu.memory_space<hbm>>) target(%dma_start3A_117 : memref<128x128xf32, #tpu.memory_space<vmem>>) offsets(%dma_start3A_120 : memref<128xi32, #tpu.memory_space<vmem>>) semaphore(%dma_start3A_125 : memref<!tpu.dma_semaphore, #tpu.memory_space<semaphore_mem>>)
        } else {
        }
      }
      %scan3A_61 = arith.constant 16 : i32
    }
    %while3A_19 = arith.constant 1 : i32
    scf.for %while3A_25 = %while3A_17 to %while3A_13 step %while3A_19  : i32 {
      %mul3A_26 = arith.constant 32 : i32
      %mul3A_27 = arith.muli %while3A_25, %mul3A_26 : i32
      %add3A_28 = arith.addi %select_n3A_11, %mul3A_27 : i32
      "tpu.region"() ({
        %run_scoped3A = tpu.sem_alloc : memref<!tpu.dma_semaphore, #tpu.memory_space<semaphore_mem>>
        %dma_start3A_62 = arith.constant 0 : i32
        %dma_start3A_63 = tpu.memref_slice %arg3[%add3A_28, %dma_start3A_62] : memref<2560x128xi32, #tpu.memory_space<hbm>> -> memref<32x128xi32, #tpu.memory_space<hbm>>
        %dma_start3A_64 = arith.constant 0 : i32
        %dma_start3A_65 = tpu.memref_slice %arg3[%add3A_28, %dma_start3A_64] : memref<2560x128xi32, #tpu.memory_space<hbm>> -> memref<32x128xi32, #tpu.memory_space<hbm>>
        tpu.enqueue_dma source(%dma_start3A_65 : memref<32x128xi32, #tpu.memory_space<hbm>>) target(%arg7 : memref<32x128xi32, #tpu.memory_space<vmem>>) target_semaphore(%run_scoped3A : memref<!tpu.dma_semaphore, #tpu.memory_space<semaphore_mem>>)
        %dma_wait3A = arith.constant 0 : i32
        %dma_wait3A_66 = tpu.memref_slice %arg3[%add3A_28, %dma_wait3A] : memref<2560x128xi32, #tpu.memory_space<hbm>> -> memref<32x128xi32, #tpu.memory_space<hbm>>
        %dma_wait3A_67 = arith.constant 0 : i32
        %dma_wait3A_68 = tpu.memref_slice %arg3[%add3A_28, %dma_wait3A_67] : memref<2560x128xi32, #tpu.memory_space<hbm>> -> memref<32x128xi32, #tpu.memory_space<hbm>>
        tpu.wait_dma2 semaphore(%run_scoped3A : memref<!tpu.dma_semaphore, #tpu.memory_space<semaphore_mem>>) src(%dma_wait3A_68 : memref<32x128xi32, #tpu.memory_space<hbm>>) dst(%arg7 : memref<32x128xi32, #tpu.memory_space<vmem>>)
        tpu.yield
      }) : () -> ()
      "tpu.region"() ({
        %run_scoped3A = tpu.sem_alloc : memref<!tpu.dma_semaphore, #tpu.memory_space<semaphore_mem>>
        %dma_start3A_62 = arith.constant 0 : i32
        %dma_start3A_63 = tpu.memref_slice %arg4[%add3A_28, %dma_start3A_62] : memref<2560x128xi32, #tpu.memory_space<hbm>> -> memref<32x128xi32, #tpu.memory_space<hbm>>
        %dma_start3A_64 = arith.constant 0 : i32
        %dma_start3A_65 = tpu.memref_slice %arg4[%add3A_28, %dma_start3A_64] : memref<2560x128xi32, #tpu.memory_space<hbm>> -> memref<32x128xi32, #tpu.memory_space<hbm>>
        tpu.enqueue_dma source(%dma_start3A_65 : memref<32x128xi32, #tpu.memory_space<hbm>>) target(%arg8 : memref<32x128xi32, #tpu.memory_space<vmem>>) target_semaphore(%run_scoped3A : memref<!tpu.dma_semaphore, #tpu.memory_space<semaphore_mem>>)
        %dma_wait3A = arith.constant 0 : i32
        %dma_wait3A_66 = tpu.memref_slice %arg4[%add3A_28, %dma_wait3A] : memref<2560x128xi32, #tpu.memory_space<hbm>> -> memref<32x128xi32, #tpu.memory_space<hbm>>
        %dma_wait3A_67 = arith.constant 0 : i32
        %dma_wait3A_68 = tpu.memref_slice %arg4[%add3A_28, %dma_wait3A_67] : memref<2560x128xi32, #tpu.memory_space<hbm>> -> memref<32x128xi32, #tpu.memory_space<hbm>>
        tpu.wait_dma2 semaphore(%run_scoped3A : memref<!tpu.dma_semaphore, #tpu.memory_space<semaphore_mem>>) src(%dma_wait3A_68 : memref<32x128xi32, #tpu.memory_space<hbm>>) dst(%arg8 : memref<32x128xi32, #tpu.memory_space<vmem>>)
        tpu.yield
      }) : () -> ()
      %dma_start3A = arith.constant 0 : i32
      %dma_start3A_29 = arith.constant 0 : i32
      %dma_start3A_30 = arith.constant 0 : i32
      %dma_start3A_31 = arith.constant 0 : i32
      %dma_start3A_32 = arith.constant 0 : i32
      %dma_start3A_33 = tpu.memref_slice %arg9[%dma_start3A_29, %dma_start3A_31, %dma_start3A_32] : memref<2x128x128xf32, #tpu.memory_space<vmem>> -> memref<1x128x128xf32, #tpu.memory_space<vmem>>
      %dma_start3A_34 = tpu.memref_squeeze %dma_start3A_33 : memref<1x128x128xf32, #tpu.memory_space<vmem>> -> memref<128x128xf32, #tpu.memory_space<vmem>>
      %dma_start3A_35 = arith.constant 0 : i32
      %dma_start3A_36 = tpu.memref_slice %arg7[%dma_start3A, %dma_start3A_35] : memref<32x128xi32, #tpu.memory_space<vmem>> -> memref<1x128xi32, #tpu.memory_space<vmem>>
      %dma_start3A_37 = tpu.memref_squeeze %dma_start3A_36 : memref<1x128xi32, #tpu.memory_space<vmem>> -> memref<128xi32, #tpu.memory_space<vmem>>
      %dma_start3A_38 = arith.constant 0 : i32
      %dma_start3A_39 = arith.constant 0 : i32
      %dma_start3A_40 = tpu.memref_slice %arg2[%dma_start3A_38, %dma_start3A_39] : memref<10000x128xf32, #tpu.memory_space<hbm>> -> memref<10000x128xf32, #tpu.memory_space<hbm>>
      %dma_start3A_41 = tpu.memref_slice %arg11[%dma_start3A_30] : memref<2x!tpu.dma_semaphore, #tpu.memory_space<semaphore_mem>> -> memref<1x!tpu.dma_semaphore, #tpu.memory_space<semaphore_mem>>
      %dma_start3A_42 = tpu.memref_squeeze %dma_start3A_41 : memref<1x!tpu.dma_semaphore, #tpu.memory_space<semaphore_mem>> -> memref<!tpu.dma_semaphore, #tpu.memory_space<semaphore_mem>>
      tpu.enqueue_indirect_dma source(%dma_start3A_40 : memref<10000x128xf32, #tpu.memory_space<hbm>>) target(%dma_start3A_34 : memref<128x128xf32, #tpu.memory_space<vmem>>) offsets(%dma_start3A_37 : memref<128xi32, #tpu.memory_space<vmem>>) semaphore(%dma_start3A_42 : memref<!tpu.dma_semaphore, #tpu.memory_space<semaphore_mem>>)
      %dma_start3A_43 = arith.constant 1 : i32
      %dma_start3A_44 = arith.constant 1 : i32
      %dma_start3A_45 = arith.constant 1 : i32
      %dma_start3A_46 = arith.constant 0 : i32
      %dma_start3A_47 = arith.constant 0 : i32
      %dma_start3A_48 = tpu.memref_slice %arg9[%dma_start3A_44, %dma_start3A_46, %dma_start3A_47] : memref<2x128x128xf32, #tpu.memory_space<vmem>> -> memref<1x128x128xf32, #tpu.memory_space<vmem>>
      %dma_start3A_49 = tpu.memref_squeeze %dma_start3A_48 : memref<1x128x128xf32, #tpu.memory_space<vmem>> -> memref<128x128xf32, #tpu.memory_space<vmem>>
      %dma_start3A_50 = arith.constant 0 : i32
      %dma_start3A_51 = tpu.memref_slice %arg7[%dma_start3A_43, %dma_start3A_50] : memref<32x128xi32, #tpu.memory_space<vmem>> -> memref<1x128xi32, #tpu.memory_space<vmem>>
      %dma_start3A_52 = tpu.memref_squeeze %dma_start3A_51 : memref<1x128xi32, #tpu.memory_space<vmem>> -> memref<128xi32, #tpu.memory_space<vmem>>
      %dma_start3A_53 = arith.constant 0 : i32
      %dma_start3A_54 = arith.constant 0 : i32
      %dma_start3A_55 = tpu.memref_slice %arg2[%dma_start3A_53, %dma_start3A_54] : memref<10000x128xf32, #tpu.memory_space<hbm>> -> memref<10000x128xf32, #tpu.memory_space<hbm>>
      %dma_start3A_56 = tpu.memref_slice %arg11[%dma_start3A_45] : memref<2x!tpu.dma_semaphore, #tpu.memory_space<semaphore_mem>> -> memref<1x!tpu.dma_semaphore, #tpu.memory_space<semaphore_mem>>
      %dma_start3A_57 = tpu.memref_squeeze %dma_start3A_56 : memref<1x!tpu.dma_semaphore, #tpu.memory_space<semaphore_mem>> -> memref<!tpu.dma_semaphore, #tpu.memory_space<semaphore_mem>>
      tpu.enqueue_indirect_dma source(%dma_start3A_55 : memref<10000x128xf32, #tpu.memory_space<hbm>>) target(%dma_start3A_49 : memref<128x128xf32, #tpu.memory_space<vmem>>) offsets(%dma_start3A_52 : memref<128xi32, #tpu.memory_space<vmem>>) semaphore(%dma_start3A_57 : memref<!tpu.dma_semaphore, #tpu.memory_space<semaphore_mem>>)
      %scan3A = arith.constant 0 : i32
      %scan3A_58 = arith.constant 16 : i32
      %scan3A_59 = arith.addi %scan3A, %scan3A_58 : i32
      %scan3A_60 = arith.constant 1 : i32
      scf.for %scan3A_62 = %scan3A to %scan3A_59 step %scan3A_60  : i32 {
        %mul3A_63 = arith.constant 2 : i32
        %mul3A_64 = arith.muli %scan3A_62, %mul3A_63 : i32
        %add3A_65 = arith.constant 0 : i32
        %add3A_66 = arith.addi %mul3A_64, %add3A_65 : i32
        %dma_wait3A = arith.constant 0 : i32
        %dma_wait3A_67 = arith.constant 0 : i32
        %dma_wait3A_68 = arith.constant 0 : i32
        %dma_wait3A_69 = arith.constant 0 : i32
        %dma_wait3A_70 = tpu.memref_slice %arg9[%dma_wait3A, %dma_wait3A_68, %dma_wait3A_69] : memref<2x128x128xf32, #tpu.memory_space<vmem>> -> memref<1x128x128xf32, #tpu.memory_space<vmem>>
        %dma_wait3A_71 = tpu.memref_squeeze %dma_wait3A_70 : memref<1x128x128xf32, #tpu.memory_space<vmem>> -> memref<128x128xf32, #tpu.memory_space<vmem>>
        %dma_wait3A_72 = arith.constant 0 : i32
        %dma_wait3A_73 = tpu.memref_slice %arg7[%add3A_66, %dma_wait3A_72] : memref<32x128xi32, #tpu.memory_space<vmem>> -> memref<1x128xi32, #tpu.memory_space<vmem>>
        %dma_wait3A_74 = tpu.memref_squeeze %dma_wait3A_73 : memref<1x128xi32, #tpu.memory_space<vmem>> -> memref<128xi32, #tpu.memory_space<vmem>>
        %dma_wait3A_75 = arith.constant 0 : i32
        %dma_wait3A_76 = arith.constant 0 : i32
        %dma_wait3A_77 = tpu.memref_slice %arg2[%dma_wait3A_75, %dma_wait3A_76] : memref<10000x128xf32, #tpu.memory_space<hbm>> -> memref<10000x128xf32, #tpu.memory_space<hbm>>
        %dma_wait3A_78 = tpu.memref_slice %arg11[%dma_wait3A_67] : memref<2x!tpu.dma_semaphore, #tpu.memory_space<semaphore_mem>> -> memref<1x!tpu.dma_semaphore, #tpu.memory_space<semaphore_mem>>
        %dma_wait3A_79 = tpu.memref_squeeze %dma_wait3A_78 : memref<1x!tpu.dma_semaphore, #tpu.memory_space<semaphore_mem>> -> memref<!tpu.dma_semaphore, #tpu.memory_space<semaphore_mem>>
        tpu.wait_indirect_dma semaphore(%dma_wait3A_79 : memref<!tpu.dma_semaphore, #tpu.memory_space<semaphore_mem>>) src(%dma_wait3A_77 : memref<10000x128xf32, #tpu.memory_space<hbm>>) dst(%dma_wait3A_71 : memref<128x128xf32, #tpu.memory_space<vmem>>)
        %run_scoped3A = arith.constant 0 : i32
        "tpu.region"() ({
          %run_scoped3A_110 = tpu.sem_alloc : memref<!tpu.dma_semaphore, #tpu.memory_space<semaphore_mem>>
          %dma_start3A_111 = arith.constant 0 : i32
          %dma_start3A_112 = arith.constant 0 : i32
          %dma_start3A_113 = tpu.memref_slice %arg9[%run_scoped3A, %dma_start3A_111, %dma_start3A_112] : memref<2x128x128xf32, #tpu.memory_space<vmem>> -> memref<1x128x128xf32, #tpu.memory_space<vmem>>
          %dma_start3A_114 = tpu.memref_squeeze %dma_start3A_113 : memref<1x128x128xf32, #tpu.memory_space<vmem>> -> memref<128x128xf32, #tpu.memory_space<vmem>>
          %dma_start3A_115 = arith.constant 0 : i32
          %dma_start3A_116 = tpu.memref_slice %arg8[%add3A_66, %dma_start3A_115] : memref<32x128xi32, #tpu.memory_space<vmem>> -> memref<1x128xi32, #tpu.memory_space<vmem>>
          %dma_start3A_117 = tpu.memref_squeeze %dma_start3A_116 : memref<1x128xi32, #tpu.memory_space<vmem>> -> memref<128xi32, #tpu.memory_space<vmem>>
          %dma_start3A_118 = arith.constant 0 : i32
          %dma_start3A_119 = arith.constant 0 : i32
          %dma_start3A_120 = tpu.memref_slice %arg10[%dma_start3A_118, %dma_start3A_119] : memref<10112x128xf32, #tpu.memory_space<vmem_shared>> -> memref<10112x128xf32, #tpu.memory_space<vmem_shared>>
          tpu.enqueue_indirect_dma source(%dma_start3A_114 : memref<128x128xf32, #tpu.memory_space<vmem>>) target(%dma_start3A_120 : memref<10112x128xf32, #tpu.memory_space<vmem_shared>>) offsets(%dma_start3A_117 : memref<128xi32, #tpu.memory_space<vmem>>) semaphore(%run_scoped3A_110 : memref<!tpu.dma_semaphore, #tpu.memory_space<semaphore_mem>>) {add = true}
          %dma_wait3A_121 = arith.constant 0 : i32
          %dma_wait3A_122 = arith.constant 0 : i32
          %dma_wait3A_123 = tpu.memref_slice %arg9[%run_scoped3A, %dma_wait3A_121, %dma_wait3A_122] : memref<2x128x128xf32, #tpu.memory_space<vmem>> -> memref<1x128x128xf32, #tpu.memory_space<vmem>>
          %dma_wait3A_124 = tpu.memref_squeeze %dma_wait3A_123 : memref<1x128x128xf32, #tpu.memory_space<vmem>> -> memref<128x128xf32, #tpu.memory_space<vmem>>
          %dma_wait3A_125 = arith.constant 0 : i32
          %dma_wait3A_126 = tpu.memref_slice %arg8[%add3A_66, %dma_wait3A_125] : memref<32x128xi32, #tpu.memory_space<vmem>> -> memref<1x128xi32, #tpu.memory_space<vmem>>
          %dma_wait3A_127 = tpu.memref_squeeze %dma_wait3A_126 : memref<1x128xi32, #tpu.memory_space<vmem>> -> memref<128xi32, #tpu.memory_space<vmem>>
          %dma_wait3A_128 = arith.constant 0 : i32
          %dma_wait3A_129 = arith.constant 0 : i32
          %dma_wait3A_130 = tpu.memref_slice %arg10[%dma_wait3A_128, %dma_wait3A_129] : memref<10112x128xf32, #tpu.memory_space<vmem_shared>> -> memref<10112x128xf32, #tpu.memory_space<vmem_shared>>
          tpu.wait_indirect_dma semaphore(%run_scoped3A_110 : memref<!tpu.dma_semaphore, #tpu.memory_space<semaphore_mem>>) src(%dma_wait3A_124 : memref<128x128xf32, #tpu.memory_space<vmem>>) dst(%dma_wait3A_130 : memref<10112x128xf32, #tpu.memory_space<vmem_shared>>)
          tpu.yield
        }) : () -> ()
        %add3A_80 = arith.constant 1 : i32
        %add3A_81 = arith.addi %scan3A_62, %add3A_80 : i32
        %lt3A = arith.constant 16 : i32
        %lt3A_82 = arith.cmpi slt, %add3A_81, %lt3A : i32
        %convert_element_type3A = arith.extui %lt3A_82 : i1 to i32
        %cond3A = arith.constant 0 : i32
        %cond3A_83 = arith.cmpi ne, %convert_element_type3A, %cond3A : i32
        scf.if %cond3A_83 {
          %add3A_110 = arith.constant 2 : i32
          %add3A_111 = arith.addi %add3A_66, %add3A_110 : i32
          %dma_start3A_112 = arith.constant 0 : i32
          %dma_start3A_113 = arith.constant 0 : i32
          %dma_start3A_114 = arith.constant 0 : i32
          %dma_start3A_115 = arith.constant 0 : i32
          %dma_start3A_116 = tpu.memref_slice %arg9[%dma_start3A_112, %dma_start3A_114, %dma_start3A_115] : memref<2x128x128xf32, #tpu.memory_space<vmem>> -> memref<1x128x128xf32, #tpu.memory_space<vmem>>
          %dma_start3A_117 = tpu.memref_squeeze %dma_start3A_116 : memref<1x128x128xf32, #tpu.memory_space<vmem>> -> memref<128x128xf32, #tpu.memory_space<vmem>>
          %dma_start3A_118 = arith.constant 0 : i32
          %dma_start3A_119 = tpu.memref_slice %arg7[%add3A_111, %dma_start3A_118] : memref<32x128xi32, #tpu.memory_space<vmem>> -> memref<1x128xi32, #tpu.memory_space<vmem>>
          %dma_start3A_120 = tpu.memref_squeeze %dma_start3A_119 : memref<1x128xi32, #tpu.memory_space<vmem>> -> memref<128xi32, #tpu.memory_space<vmem>>
          %dma_start3A_121 = arith.constant 0 : i32
          %dma_start3A_122 = arith.constant 0 : i32
          %dma_start3A_123 = tpu.memref_slice %arg2[%dma_start3A_121, %dma_start3A_122] : memref<10000x128xf32, #tpu.memory_space<hbm>> -> memref<10000x128xf32, #tpu.memory_space<hbm>>
          %dma_start3A_124 = tpu.memref_slice %arg11[%dma_start3A_113] : memref<2x!tpu.dma_semaphore, #tpu.memory_space<semaphore_mem>> -> memref<1x!tpu.dma_semaphore, #tpu.memory_space<semaphore_mem>>
          %dma_start3A_125 = tpu.memref_squeeze %dma_start3A_124 : memref<1x!tpu.dma_semaphore, #tpu.memory_space<semaphore_mem>> -> memref<!tpu.dma_semaphore, #tpu.memory_space<semaphore_mem>>
          tpu.enqueue_indirect_dma source(%dma_start3A_123 : memref<10000x128xf32, #tpu.memory_space<hbm>>) target(%dma_start3A_117 : memref<128x128xf32, #tpu.memory_space<vmem>>) offsets(%dma_start3A_120 : memref<128xi32, #tpu.memory_space<vmem>>) semaphore(%dma_start3A_125 : memref<!tpu.dma_semaphore, #tpu.memory_space<semaphore_mem>>)
        } else {
        }
        %mul3A_84 = arith.constant 2 : i32
        %mul3A_85 = arith.muli %scan3A_62, %mul3A_84 : i32
        %add3A_86 = arith.constant 1 : i32
        %add3A_87 = arith.addi %mul3A_85, %add3A_86 : i32
        %dma_wait3A_88 = arith.constant 1 : i32
        %dma_wait3A_89 = arith.constant 1 : i32
        %dma_wait3A_90 = arith.constant 0 : i32
        %dma_wait3A_91 = arith.constant 0 : i32
        %dma_wait3A_92 = tpu.memref_slice %arg9[%dma_wait3A_88, %dma_wait3A_90, %dma_wait3A_91] : memref<2x128x128xf32, #tpu.memory_space<vmem>> -> memref<1x128x128xf32, #tpu.memory_space<vmem>>
        %dma_wait3A_93 = tpu.memref_squeeze %dma_wait3A_92 : memref<1x128x128xf32, #tpu.memory_space<vmem>> -> memref<128x128xf32, #tpu.memory_space<vmem>>
        %dma_wait3A_94 = arith.constant 0 : i32
        %dma_wait3A_95 = tpu.memref_slice %arg7[%add3A_87, %dma_wait3A_94] : memref<32x128xi32, #tpu.memory_space<vmem>> -> memref<1x128xi32, #tpu.memory_space<vmem>>
        %dma_wait3A_96 = tpu.memref_squeeze %dma_wait3A_95 : memref<1x128xi32, #tpu.memory_space<vmem>> -> memref<128xi32, #tpu.memory_space<vmem>>
        %dma_wait3A_97 = arith.constant 0 : i32
        %dma_wait3A_98 = arith.constant 0 : i32
        %dma_wait3A_99 = tpu.memref_slice %arg2[%dma_wait3A_97, %dma_wait3A_98] : memref<10000x128xf32, #tpu.memory_space<hbm>> -> memref<10000x128xf32, #tpu.memory_space<hbm>>
        %dma_wait3A_100 = tpu.memref_slice %arg11[%dma_wait3A_89] : memref<2x!tpu.dma_semaphore, #tpu.memory_space<semaphore_mem>> -> memref<1x!tpu.dma_semaphore, #tpu.memory_space<semaphore_mem>>
        %dma_wait3A_101 = tpu.memref_squeeze %dma_wait3A_100 : memref<1x!tpu.dma_semaphore, #tpu.memory_space<semaphore_mem>> -> memref<!tpu.dma_semaphore, #tpu.memory_space<semaphore_mem>>
        tpu.wait_indirect_dma semaphore(%dma_wait3A_101 : memref<!tpu.dma_semaphore, #tpu.memory_space<semaphore_mem>>) src(%dma_wait3A_99 : memref<10000x128xf32, #tpu.memory_space<hbm>>) dst(%dma_wait3A_93 : memref<128x128xf32, #tpu.memory_space<vmem>>)
        %run_scoped3A_102 = arith.constant 1 : i32
        "tpu.region"() ({
          %run_scoped3A_110 = tpu.sem_alloc : memref<!tpu.dma_semaphore, #tpu.memory_space<semaphore_mem>>
          %dma_start3A_111 = arith.constant 0 : i32
          %dma_start3A_112 = arith.constant 0 : i32
          %dma_start3A_113 = tpu.memref_slice %arg9[%run_scoped3A_102, %dma_start3A_111, %dma_start3A_112] : memref<2x128x128xf32, #tpu.memory_space<vmem>> -> memref<1x128x128xf32, #tpu.memory_space<vmem>>
          %dma_start3A_114 = tpu.memref_squeeze %dma_start3A_113 : memref<1x128x128xf32, #tpu.memory_space<vmem>> -> memref<128x128xf32, #tpu.memory_space<vmem>>
          %dma_start3A_115 = arith.constant 0 : i32
          %dma_start3A_116 = tpu.memref_slice %arg8[%add3A_87, %dma_start3A_115] : memref<32x128xi32, #tpu.memory_space<vmem>> -> memref<1x128xi32, #tpu.memory_space<vmem>>
          %dma_start3A_117 = tpu.memref_squeeze %dma_start3A_116 : memref<1x128xi32, #tpu.memory_space<vmem>> -> memref<128xi32, #tpu.memory_space<vmem>>
          %dma_start3A_118 = arith.constant 0 : i32
          %dma_start3A_119 = arith.constant 0 : i32
          %dma_start3A_120 = tpu.memref_slice %arg10[%dma_start3A_118, %dma_start3A_119] : memref<10112x128xf32, #tpu.memory_space<vmem_shared>> -> memref<10112x128xf32, #tpu.memory_space<vmem_shared>>
          tpu.enqueue_indirect_dma source(%dma_start3A_114 : memref<128x128xf32, #tpu.memory_space<vmem>>) target(%dma_start3A_120 : memref<10112x128xf32, #tpu.memory_space<vmem_shared>>) offsets(%dma_start3A_117 : memref<128xi32, #tpu.memory_space<vmem>>) semaphore(%run_scoped3A_110 : memref<!tpu.dma_semaphore, #tpu.memory_space<semaphore_mem>>) {add = true}
          %dma_wait3A_121 = arith.constant 0 : i32
          %dma_wait3A_122 = arith.constant 0 : i32
          %dma_wait3A_123 = tpu.memref_slice %arg9[%run_scoped3A_102, %dma_wait3A_121, %dma_wait3A_122] : memref<2x128x128xf32, #tpu.memory_space<vmem>> -> memref<1x128x128xf32, #tpu.memory_space<vmem>>
          %dma_wait3A_124 = tpu.memref_squeeze %dma_wait3A_123 : memref<1x128x128xf32, #tpu.memory_space<vmem>> -> memref<128x128xf32, #tpu.memory_space<vmem>>
          %dma_wait3A_125 = arith.constant 0 : i32
          %dma_wait3A_126 = tpu.memref_slice %arg8[%add3A_87, %dma_wait3A_125] : memref<32x128xi32, #tpu.memory_space<vmem>> -> memref<1x128xi32, #tpu.memory_space<vmem>>
          %dma_wait3A_127 = tpu.memref_squeeze %dma_wait3A_126 : memref<1x128xi32, #tpu.memory_space<vmem>> -> memref<128xi32, #tpu.memory_space<vmem>>
          %dma_wait3A_128 = arith.constant 0 : i32
          %dma_wait3A_129 = arith.constant 0 : i32
          %dma_wait3A_130 = tpu.memref_slice %arg10[%dma_wait3A_128, %dma_wait3A_129] : memref<10112x128xf32, #tpu.memory_space<vmem_shared>> -> memref<10112x128xf32, #tpu.memory_space<vmem_shared>>
          tpu.wait_indirect_dma semaphore(%run_scoped3A_110 : memref<!tpu.dma_semaphore, #tpu.memory_space<semaphore_mem>>) src(%dma_wait3A_124 : memref<128x128xf32, #tpu.memory_space<vmem>>) dst(%dma_wait3A_130 : memref<10112x128xf32, #tpu.memory_space<vmem_shared>>)
          tpu.yield
        }) : () -> ()
        %add3A_103 = arith.constant 1 : i32
        %add3A_104 = arith.addi %scan3A_62, %add3A_103 : i32
        %lt3A_105 = arith.constant 16 : i32
        %lt3A_106 = arith.cmpi slt, %add3A_104, %lt3A_105 : i32
        %convert_element_type3A_107 = arith.extui %lt3A_106 : i1 to i32
        %cond3A_108 = arith.constant 0 : i32
        %cond3A_109 = arith.cmpi ne, %convert_element_type3A_107, %cond3A_108 : i32
        scf.if %cond3A_109 {
          %add3A_110 = arith.constant 2 : i32
          %add3A_111 = arith.addi %add3A_87, %add3A_110 : i32
          %dma_start3A_112 = arith.constant 1 : i32
          %dma_start3A_113 = arith.constant 1 : i32
          %dma_start3A_114 = arith.constant 0 : i32
          %dma_start3A_115 = arith.constant 0 : i32
          %dma_start3A_116 = tpu.memref_slice %arg9[%dma_start3A_112, %dma_start3A_114, %dma_start3A_115] : memref<2x128x128xf32, #tpu.memory_space<vmem>> -> memref<1x128x128xf32, #tpu.memory_space<vmem>>
          %dma_start3A_117 = tpu.memref_squeeze %dma_start3A_116 : memref<1x128x128xf32, #tpu.memory_space<vmem>> -> memref<128x128xf32, #tpu.memory_space<vmem>>
          %dma_start3A_118 = arith.constant 0 : i32
          %dma_start3A_119 = tpu.memref_slice %arg7[%add3A_111, %dma_start3A_118] : memref<32x128xi32, #tpu.memory_space<vmem>> -> memref<1x128xi32, #tpu.memory_space<vmem>>
          %dma_start3A_120 = tpu.memref_squeeze %dma_start3A_119 : memref<1x128xi32, #tpu.memory_space<vmem>> -> memref<128xi32, #tpu.memory_space<vmem>>
          %dma_start3A_121 = arith.constant 0 : i32
          %dma_start3A_122 = arith.constant 0 : i32
          %dma_start3A_123 = tpu.memref_slice %arg2[%dma_start3A_121, %dma_start3A_122] : memref<10000x128xf32, #tpu.memory_space<hbm>> -> memref<10000x128xf32, #tpu.memory_space<hbm>>
          %dma_start3A_124 = tpu.memref_slice %arg11[%dma_start3A_113] : memref<2x!tpu.dma_semaphore, #tpu.memory_space<semaphore_mem>> -> memref<1x!tpu.dma_semaphore, #tpu.memory_space<semaphore_mem>>
          %dma_start3A_125 = tpu.memref_squeeze %dma_start3A_124 : memref<1x!tpu.dma_semaphore, #tpu.memory_space<semaphore_mem>> -> memref<!tpu.dma_semaphore, #tpu.memory_space<semaphore_mem>>
          tpu.enqueue_indirect_dma source(%dma_start3A_123 : memref<10000x128xf32, #tpu.memory_space<hbm>>) target(%dma_start3A_117 : memref<128x128xf32, #tpu.memory_space<vmem>>) offsets(%dma_start3A_120 : memref<128xi32, #tpu.memory_space<vmem>>) semaphore(%dma_start3A_125 : memref<!tpu.dma_semaphore, #tpu.memory_space<semaphore_mem>>)
        } else {
        }
      }
      %scan3A_61 = arith.constant 16 : i32
    }
    %barrier3A_20 = arith.constant 0 : index
    tpu.barrier barrier_id(%barrier3A_20)
    %mul3A_21 = arith.constant 632 : i32
    %mul3A_22 = arith.muli %arg1, %mul3A_21 : i32
    %mul3A_23 = arith.constant 632 : i32
    %mul3A_24 = arith.muli %arg1, %mul3A_23 : i32
    "tpu.region"() ({
      %run_scoped3A = tpu.sem_alloc : memref<!tpu.dma_semaphore, #tpu.memory_space<semaphore_mem>>
      %dma_start3A = arith.constant 0 : i32
      %dma_start3A_25 = tpu.memref_slice %arg6[%arg0, %mul3A_24, %dma_start3A] : memref<2x10112x128xf32, #tpu.memory_space<hbm>> -> memref<1x632x128xf32, #tpu.memory_space<hbm>>
      %dma_start3A_26 = tpu.memref_squeeze %dma_start3A_25 : memref<1x632x128xf32, #tpu.memory_space<hbm>> -> memref<632x128xf32, #tpu.memory_space<hbm>>
      %dma_start3A_27 = arith.constant 0 : i32
      %dma_start3A_28 = tpu.memref_slice %arg10[%mul3A_22, %dma_start3A_27] : memref<10112x128xf32, #tpu.memory_space<vmem_shared>> -> memref<632x128xf32, #tpu.memory_space<vmem_shared>>
      tpu.enqueue_dma source(%dma_start3A_28 : memref<632x128xf32, #tpu.memory_space<vmem_shared>>) target(%dma_start3A_26 : memref<632x128xf32, #tpu.memory_space<hbm>>) target_semaphore(%run_scoped3A : memref<!tpu.dma_semaphore, #tpu.memory_space<semaphore_mem>>)
      %dma_wait3A = arith.constant 0 : i32
      %dma_wait3A_29 = tpu.memref_slice %arg6[%arg0, %mul3A_24, %dma_wait3A] : memref<2x10112x128xf32, #tpu.memory_space<hbm>> -> memref<1x632x128xf32, #tpu.memory_space<hbm>>
      %dma_wait3A_30 = tpu.memref_squeeze %dma_wait3A_29 : memref<1x632x128xf32, #tpu.memory_space<hbm>> -> memref<632x128xf32, #tpu.memory_space<hbm>>
      %dma_wait3A_31 = arith.constant 0 : i32
      %dma_wait3A_32 = tpu.memref_slice %arg10[%mul3A_22, %dma_wait3A_31] : memref<10112x128xf32, #tpu.memory_space<vmem_shared>> -> memref<632x128xf32, #tpu.memory_space<vmem_shared>>
      tpu.wait_dma2 semaphore(%run_scoped3A : memref<!tpu.dma_semaphore, #tpu.memory_space<semaphore_mem>>) src(%dma_wait3A_32 : memref<632x128xf32, #tpu.memory_space<vmem_shared>>) dst(%dma_wait3A_30 : memref<632x128xf32, #tpu.memory_space<hbm>>)
      tpu.yield
    }) : () -> ()
    return
  }
}

module attributes {stable_mosaic.version = 14 : i64} {
  func.func @_dinv_body(%arg0: memref<32x10112xf32, #tpu.memory_space<vmem>>, %arg1: memref<1x10112xf32, #tpu.memory_space<vmem>>) attributes {dimension_semantics = [], scalar_prefetch = 0 : i64, scratch_operands = 0 : i64, tpu.core_type = #tpu.core_type<tc>} {
    %get3A = arith.constant 0 : index
    %get3A_0 = arith.constant 0 : index
    %get3A_1 = vector.load %arg0[%get3A, %get3A_0] : memref<32x10112xf32, #tpu.memory_space<vmem>>, vector<32x10112xf32>
    %reduce_sum3A = arith.constant dense<0.000000e+00> : vector<10112xf32>
    %reduce_sum3A_2 = vector.multi_reduction <add>, %get3A_1, %reduce_sum3A [0] : vector<32x10112xf32> to vector<10112xf32>
    %broadcast_in_dim3A = vector.shape_cast %reduce_sum3A_2 : vector<10112xf32> to vector<1x10112xf32>
    %add3A = arith.constant 1.000000e+00 : f32
    %add3A_3 = vector.broadcast %add3A : f32 to vector<1x10112xf32>
    %add3A_4 = arith.addf %broadcast_in_dim3A, %add3A_3 : vector<1x10112xf32>
    %rsqrt3A = math.rsqrt %add3A_4 : vector<1x10112xf32>
    %swap3A = arith.constant 0 : index
    %swap3A_5 = arith.constant 0 : index
    %swap3A_6 = vector.load %arg1[%swap3A, %swap3A_5] : memref<1x10112xf32, #tpu.memory_space<vmem>>, vector<1x10112xf32>
    tpu.vector_store %arg1[%swap3A, %swap3A_5], %rsqrt3A {strides = array<i32>} : memref<1x10112xf32, #tpu.memory_space<vmem>>, vector<1x10112xf32>,
    return
  }
}

module attributes {stable_mosaic.version = 14 : i64} {
  func.func @_mm_body(%arg0: memref<10000x128xf32, #tpu.memory_space<vmem>>, %arg1: memref<128x128xf32, #tpu.memory_space<vmem>>, %arg2: memref<10000x1xf32, #tpu.memory_space<vmem>>, %arg3: memref<10000x128xf32, #tpu.memory_space<vmem>>) attributes {dimension_semantics = [], scalar_prefetch = 0 : i64, scratch_operands = 0 : i64, tpu.core_type = #tpu.core_type<tc>} {
    %get3A = arith.constant 0 : index
    %get3A_0 = arith.constant 0 : index
    %get3A_1 = vector.load %arg0[%get3A, %get3A_0] : memref<10000x128xf32, #tpu.memory_space<vmem>>, vector<10000x128xf32>
    %get3A_2 = arith.constant 0 : index
    %get3A_3 = arith.constant 0 : index
    %get3A_4 = vector.load %arg1[%get3A_2, %get3A_3] : memref<128x128xf32, #tpu.memory_space<vmem>>, vector<128x128xf32>
    %dot_general3A = arith.constant dense<0.000000e+00> : vector<10000x128xf32>
    %dot_general3A_5 = tpu.matmul %get3A_1, %get3A_4, %dot_general3A {dimension_numbers = #tpu.dot_dimension_numbers<[1], [0], [0], [1], [0, 0, 1, 1], [], []>, transpose_lhs_hint = false} : vector<10000x128xf32>, vector<128x128xf32>, vector<10000x128xf32> -> vector<10000x128xf32>
    %get3A_6 = arith.constant 0 : index
    %get3A_7 = arith.constant 0 : index
    %get3A_8 = vector.load %arg2[%get3A_6, %get3A_7] : memref<10000x1xf32, #tpu.memory_space<vmem>>, vector<10000x1xf32>
    %mul3A = vector.broadcast %get3A_8 : vector<10000x1xf32> to vector<10000x128xf32>
    %mul3A_9 = arith.mulf %dot_general3A_5, %mul3A : vector<10000x128xf32>
    %swap3A = arith.constant 0 : index
    %swap3A_10 = arith.constant 0 : index
    %swap3A_11 = vector.load %arg3[%swap3A, %swap3A_10] : memref<10000x128xf32, #tpu.memory_space<vmem>>, vector<10000x128xf32>
    tpu.vector_store %arg3[%swap3A, %swap3A_10], %mul3A_9 {strides = array<i32>} : memref<10000x128xf32, #tpu.memory_space<vmem>>, vector<10000x128xf32>,
    return
  }
}

module attributes {stable_mosaic.version = 14 : i64} {
  func.func @_epilogue_body(%arg0: memref<10000x128xf32, #tpu.memory_space<vmem>>, %arg1: memref<10000x128xf32, #tpu.memory_space<vmem>>, %arg2: memref<10000x128xf32, #tpu.memory_space<vmem>>, %arg3: memref<10000x1xf32, #tpu.memory_space<vmem>>, %arg4: memref<1x128xf32, #tpu.memory_space<vmem>>, %arg5: memref<1x128xf32, #tpu.memory_space<vmem>>, %arg6: memref<1x128xf32, #tpu.memory_space<vmem>>, %arg7: memref<10000x128xf32, #tpu.memory_space<vmem>>) attributes {dimension_semantics = [], scalar_prefetch = 0 : i64, scratch_operands = 0 : i64, tpu.core_type = #tpu.core_type<tc>} {
    %get3A = arith.constant 0 : index
    %get3A_0 = arith.constant 0 : index
    %get3A_1 = vector.load %arg0[%get3A, %get3A_0] : memref<10000x128xf32, #tpu.memory_space<vmem>>, vector<10000x128xf32>
    %get3A_2 = arith.constant 0 : index
    %get3A_3 = arith.constant 0 : index
    %get3A_4 = vector.load %arg1[%get3A_2, %get3A_3] : memref<10000x128xf32, #tpu.memory_space<vmem>>, vector<10000x128xf32>
    %add3A = arith.addf %get3A_1, %get3A_4 : vector<10000x128xf32>
    %get3A_5 = arith.constant 0 : index
    %get3A_6 = arith.constant 0 : index
    %get3A_7 = vector.load %arg2[%get3A_5, %get3A_6] : memref<10000x128xf32, #tpu.memory_space<vmem>>, vector<10000x128xf32>
    %add3A_8 = arith.addf %add3A, %get3A_7 : vector<10000x128xf32>
    %get3A_9 = arith.constant 0 : index
    %get3A_10 = arith.constant 0 : index
    %get3A_11 = vector.load %arg3[%get3A_9, %get3A_10] : memref<10000x1xf32, #tpu.memory_space<vmem>>, vector<10000x1xf32>
    %mul3A = vector.broadcast %get3A_11 : vector<10000x1xf32> to vector<10000x128xf32>
    %mul3A_12 = arith.mulf %add3A_8, %mul3A : vector<10000x128xf32>
    %get3A_13 = arith.constant 0 : index
    %get3A_14 = arith.constant 0 : index
    %get3A_15 = vector.load %arg4[%get3A_13, %get3A_14] : memref<1x128xf32, #tpu.memory_space<vmem>>, vector<1x128xf32>
    %add3A_16 = vector.broadcast %get3A_15 : vector<1x128xf32> to vector<10000x128xf32>
    %add3A_17 = arith.addf %mul3A_12, %add3A_16 : vector<10000x128xf32>
    %reduce_sum3A = arith.constant dense<0.000000e+00> : vector<128xf32>
    %reduce_sum3A_18 = vector.multi_reduction <add>, %add3A_17, %reduce_sum3A [0] : vector<10000x128xf32> to vector<128xf32>
    %broadcast_in_dim3A = vector.shape_cast %reduce_sum3A_18 : vector<128xf32> to vector<1x128xf32>
    %div3A = arith.constant 1.000000e+04 : f32
    %div3A_19 = vector.broadcast %div3A : f32 to vector<1x128xf32>
    %div3A_20 = arith.divf %broadcast_in_dim3A, %div3A_19 : vector<1x128xf32>
    %sub3A = vector.broadcast %div3A_20 : vector<1x128xf32> to vector<10000x128xf32>
    %sub3A_21 = arith.subf %add3A_17, %sub3A : vector<10000x128xf32>
    %integer_pow3A = arith.mulf %sub3A_21, %sub3A_21 : vector<10000x128xf32>
    %reduce_sum3A_22 = arith.constant dense<0.000000e+00> : vector<128xf32>
    %reduce_sum3A_23 = vector.multi_reduction <add>, %integer_pow3A, %reduce_sum3A_22 [0] : vector<10000x128xf32> to vector<128xf32>
    %broadcast_in_dim3A_24 = vector.shape_cast %reduce_sum3A_23 : vector<128xf32> to vector<1x128xf32>
    %div3A_25 = arith.constant 1.000000e+04 : f32
    %div3A_26 = vector.broadcast %div3A_25 : f32 to vector<1x128xf32>
    %div3A_27 = arith.divf %broadcast_in_dim3A_24, %div3A_26 : vector<1x128xf32>
    %get3A_28 = arith.constant 0 : index
    %get3A_29 = arith.constant 0 : index
    %get3A_30 = vector.load %arg5[%get3A_28, %get3A_29] : memref<1x128xf32, #tpu.memory_space<vmem>>, vector<1x128xf32>
    %sub3A_31 = vector.broadcast %div3A_20 : vector<1x128xf32> to vector<10000x128xf32>
    %sub3A_32 = arith.subf %add3A_17, %sub3A_31 : vector<10000x128xf32>
    %mul3A_33 = vector.broadcast %get3A_30 : vector<1x128xf32> to vector<10000x128xf32>
    %mul3A_34 = arith.mulf %mul3A_33, %sub3A_32 : vector<10000x128xf32>
    %add3A_35 = arith.constant 9.99999974E-6 : f32
    %add3A_36 = vector.broadcast %add3A_35 : f32 to vector<1x128xf32>
    %add3A_37 = arith.addf %div3A_27, %add3A_36 : vector<1x128xf32>
    %rsqrt3A = math.rsqrt %add3A_37 : vector<1x128xf32>
    %mul3A_38 = vector.broadcast %rsqrt3A : vector<1x128xf32> to vector<10000x128xf32>
    %mul3A_39 = arith.mulf %mul3A_34, %mul3A_38 : vector<10000x128xf32>
    %get3A_40 = arith.constant 0 : index
    %get3A_41 = arith.constant 0 : index
    %get3A_42 = vector.load %arg6[%get3A_40, %get3A_41] : memref<1x128xf32, #tpu.memory_space<vmem>>, vector<1x128xf32>
    %add3A_43 = vector.broadcast %get3A_42 : vector<1x128xf32> to vector<10000x128xf32>
    %add3A_44 = arith.addf %mul3A_39, %add3A_43 : vector<10000x128xf32>
    %max3A = arith.constant 0.000000e+00 : f32
    %max3A_45 = vector.broadcast %max3A : f32 to vector<10000x128xf32>
    %max3A_46 = arith.maximumf %add3A_44, %max3A_45 : vector<10000x128xf32>
    %swap3A = arith.constant 0 : index
    %swap3A_47 = arith.constant 0 : index
    %swap3A_48 = vector.load %arg7[%swap3A, %swap3A_47] : memref<10000x128xf32, #tpu.memory_space<vmem>>, vector<10000x128xf32>
    tpu.vector_store %arg7[%swap3A, %swap3A_47], %max3A_46 {strides = array<i32>} : memref<10000x128xf32, #tpu.memory_space<vmem>>, vector<10000x128xf32>,
    return
  }
}

module attributes {stable_mosaic.version = 14 : i64} {
  func.func @_epilogue_body(%arg0: memref<10000x128xf32, #tpu.memory_space<vmem>>, %arg1: memref<10000x128xf32, #tpu.memory_space<vmem>>, %arg2: memref<10000x128xf32, #tpu.memory_space<vmem>>, %arg3: memref<10000x1xf32, #tpu.memory_space<vmem>>, %arg4: memref<1x128xf32, #tpu.memory_space<vmem>>, %arg5: memref<1x128xf32, #tpu.memory_space<vmem>>, %arg6: memref<1x128xf32, #tpu.memory_space<vmem>>, %arg7: memref<10000x128xf32, #tpu.memory_space<vmem>>) attributes {dimension_semantics = [], scalar_prefetch = 0 : i64, scratch_operands = 0 : i64, tpu.core_type = #tpu.core_type<tc>} {
    %get3A = arith.constant 0 : index
    %get3A_0 = arith.constant 0 : index
    %get3A_1 = vector.load %arg0[%get3A, %get3A_0] : memref<10000x128xf32, #tpu.memory_space<vmem>>, vector<10000x128xf32>
    %get3A_2 = arith.constant 0 : index
    %get3A_3 = arith.constant 0 : index
    %get3A_4 = vector.load %arg1[%get3A_2, %get3A_3] : memref<10000x128xf32, #tpu.memory_space<vmem>>, vector<10000x128xf32>
    %add3A = arith.addf %get3A_1, %get3A_4 : vector<10000x128xf32>
    %get3A_5 = arith.constant 0 : index
    %get3A_6 = arith.constant 0 : index
    %get3A_7 = vector.load %arg2[%get3A_5, %get3A_6] : memref<10000x128xf32, #tpu.memory_space<vmem>>, vector<10000x128xf32>
    %add3A_8 = arith.addf %add3A, %get3A_7 : vector<10000x128xf32>
    %get3A_9 = arith.constant 0 : index
    %get3A_10 = arith.constant 0 : index
    %get3A_11 = vector.load %arg3[%get3A_9, %get3A_10] : memref<10000x1xf32, #tpu.memory_space<vmem>>, vector<10000x1xf32>
    %mul3A = vector.broadcast %get3A_11 : vector<10000x1xf32> to vector<10000x128xf32>
    %mul3A_12 = arith.mulf %add3A_8, %mul3A : vector<10000x128xf32>
    %get3A_13 = arith.constant 0 : index
    %get3A_14 = arith.constant 0 : index
    %get3A_15 = vector.load %arg4[%get3A_13, %get3A_14] : memref<1x128xf32, #tpu.memory_space<vmem>>, vector<1x128xf32>
    %add3A_16 = vector.broadcast %get3A_15 : vector<1x128xf32> to vector<10000x128xf32>
    %add3A_17 = arith.addf %mul3A_12, %add3A_16 : vector<10000x128xf32>
    %reduce_sum3A = arith.constant dense<0.000000e+00> : vector<128xf32>
    %reduce_sum3A_18 = vector.multi_reduction <add>, %add3A_17, %reduce_sum3A [0] : vector<10000x128xf32> to vector<128xf32>
    %broadcast_in_dim3A = vector.shape_cast %reduce_sum3A_18 : vector<128xf32> to vector<1x128xf32>
    %div3A = arith.constant 1.000000e+04 : f32
    %div3A_19 = vector.broadcast %div3A : f32 to vector<1x128xf32>
    %div3A_20 = arith.divf %broadcast_in_dim3A, %div3A_19 : vector<1x128xf32>
    %sub3A = vector.broadcast %div3A_20 : vector<1x128xf32> to vector<10000x128xf32>
    %sub3A_21 = arith.subf %add3A_17, %sub3A : vector<10000x128xf32>
    %integer_pow3A = arith.mulf %sub3A_21, %sub3A_21 : vector<10000x128xf32>
    %reduce_sum3A_22 = arith.constant dense<0.000000e+00> : vector<128xf32>
    %reduce_sum3A_23 = vector.multi_reduction <add>, %integer_pow3A, %reduce_sum3A_22 [0] : vector<10000x128xf32> to vector<128xf32>
    %broadcast_in_dim3A_24 = vector.shape_cast %reduce_sum3A_23 : vector<128xf32> to vector<1x128xf32>
    %div3A_25 = arith.constant 1.000000e+04 : f32
    %div3A_26 = vector.broadcast %div3A_25 : f32 to vector<1x128xf32>
    %div3A_27 = arith.divf %broadcast_in_dim3A_24, %div3A_26 : vector<1x128xf32>
    %get3A_28 = arith.constant 0 : index
    %get3A_29 = arith.constant 0 : index
    %get3A_30 = vector.load %arg5[%get3A_28, %get3A_29] : memref<1x128xf32, #tpu.memory_space<vmem>>, vector<1x128xf32>
    %sub3A_31 = vector.broadcast %div3A_20 : vector<1x128xf32> to vector<10000x128xf32>
    %sub3A_32 = arith.subf %add3A_17, %sub3A_31 : vector<10000x128xf32>
    %mul3A_33 = vector.broadcast %get3A_30 : vector<1x128xf32> to vector<10000x128xf32>
    %mul3A_34 = arith.mulf %mul3A_33, %sub3A_32 : vector<10000x128xf32>
    %add3A_35 = arith.constant 9.99999974E-6 : f32
    %add3A_36 = vector.broadcast %add3A_35 : f32 to vector<1x128xf32>
    %add3A_37 = arith.addf %div3A_27, %add3A_36 : vector<1x128xf32>
    %rsqrt3A = math.rsqrt %add3A_37 : vector<1x128xf32>
    %mul3A_38 = vector.broadcast %rsqrt3A : vector<1x128xf32> to vector<10000x128xf32>
    %mul3A_39 = arith.mulf %mul3A_34, %mul3A_38 : vector<10000x128xf32>
    %get3A_40 = arith.constant 0 : index
    %get3A_41 = arith.constant 0 : index
    %get3A_42 = vector.load %arg6[%get3A_40, %get3A_41] : memref<1x128xf32, #tpu.memory_space<vmem>>, vector<1x128xf32>
    %add3A_43 = vector.broadcast %get3A_42 : vector<1x128xf32> to vector<10000x128xf32>
    %add3A_44 = arith.addf %mul3A_39, %add3A_43 : vector<10000x128xf32>
    %max3A = arith.constant 0.000000e+00 : f32
    %max3A_45 = vector.broadcast %max3A : f32 to vector<10000x128xf32>
    %max3A_46 = arith.maximumf %add3A_44, %max3A_45 : vector<10000x128xf32>
    %swap3A = arith.constant 0 : index
    %swap3A_47 = arith.constant 0 : index
    %swap3A_48 = vector.load %arg7[%swap3A, %swap3A_47] : memref<10000x128xf32, #tpu.memory_space<vmem>>, vector<10000x128xf32>
    tpu.vector_store %arg7[%swap3A, %swap3A_47], %max3A_46 {strides = array<i32>} : memref<10000x128xf32, #tpu.memory_space<vmem>>, vector<10000x128xf32>,
    return
  }
}

</mosaic_0001>

<sc_bundles>
// kernel: kernel.13.cloned.1.call-start
scs
__scs_entry_jumppad:
0x0: {  	(pc) =	sbr.rel $0x88, $3  }
0x1: {  	(tag) =	ssettag $0x0;
	lr =	simm.s32 $0x1  }
0x2: {  	[smem:$0x3F93] =	sst lr;
	_ =	strace $0xD0000000  }
0x3: {  	_ = 	snop  }
0x4: {  	_ = 	snop  }
0x5: {  	_ = 	snop  }
0x6: {  	_ = 	snop  }
0x7: {  	_ = 	snop  }
__scs_overlays_trampoline_lowered:
0x8: {  	[smem:$0x3FA2] =	sst s0  }
0x9: {  	[smem:$0x3FA3] =	sst s1  }
0xa: {  	[smem:$0x3FA4] =	sst s2  }
0xb: {  	[smem:$0x3FA5] =	sst s3  }
0xc: {  	[smem:$0x3FA6] =	sst s4  }
0xd: {  	[smem:$0x3FA7] =	sst s5  }
0xe: {  	[smem:$0x3FA8] =	sst s6  }
0xf: {  	[smem:$0x3FA9] =	sst s7  }
0x10: {  	[smem:$0x3FAA] =	sst s8  }
0x11: {  	[smem:$0x3FAB] =	sst s9;
	s0 =	simm.s32 @!p0 $0x0  }
0x12: {  	s1 =	sld [smem:$0x3F91];
	s0 =	simm.s32 @p0 $0x1  }
0x13: {  	[smem:$0x3FAC] =	sst s0;
	s0 =	simm.s32 @!p1 $0x0  }
0x14: {  	s2 =	sld [smem:$0x3F90];
	s0 =	simm.s32 @p1 $0x1  }
0x15: {  	[smem:$0x3FAD] =	sst s0;
	s0 =	simm.s32 @!p2 $0x0  }
0x16: {  	s3 =	sld [smem:$0x3FDB];
	s0 =	simm.s32 @p2 $0x1  }
0x17: {  	s4 =	simm.s32 $0x1BF5;
	[smem:$0x3FAF] =	sst s0  }
0x18: {  	s0 =	sld [smem:$0x3F92];
	_ =	swait.ge [sflag:s4], $0x0  }
0x19: {  	s7 =	sld [smem:$0x3F93]  }
0x1a: {  	s8 =	sadd.s32 $0xFFFFE003, lr  }
0x1b: {  	s9 =	sadd.s32 $0xFFFFFEF7, lr;
	s5 =	simm.s32 $0xFFFFFFFF;
	p2 =	slt.u32 s8, $0xFFFFF086  }
0x1c: {  	p1 =	slt.u32 s9, $0xF7A;
	s5 =	simm.s32 @!p2 $0x0  }
0x1d: {  	s5 =	simm.s32 @p1 $0x1;
	p0 =	seq.s32 s7, s2  }
0x1e: {  	s7 =	smul.u32 @!p0 $0xF7A, s2;
	p2 =	seq.s32 @!p0 s5, $0x0  }
0x1f: {  	s9 =	smul.u32 $0xF7A, s1;
	s8 =	simm.s32 @!p0 $0x1BF5;
	p2 =	por !p2, p0  }
0x20: {  	[sflag:s8] =	ssyncset.s32 @!p0 $0xFFFFF086;
	s6 =	sadd.s32 @!p0 s3, s7;
	s7 =	simm.s32 @!p0 $0x108  }
0x21: {  	s3 =	sadd.s32 s3, s9;
	s6 =	sadd.s32 @!p0 $0x88, s6;
	s7 =	simm.s32 @p2 $0x1082  }
0x22: {  	[simem:s7], [sflag:s8] =	dma.local @!p0 [hbm:s6], $0xF7A  }
0x23: {  	s9 =	sor.u32 $0xD0000000, s2;
	s6 =	simm.s32 $0x108;
	_ =	swait.ge @!p0 [sflag:s8], $0x0  }
0x24: {  	s3 =	sadd.s32 $0x88, s3;
	s6 =	simm.s32 @!p1 $0x1082;
	[sflag:s4] =	ssyncset.s32 $0xFFFFF086  }
0x25: {  	[simem:s6], [sflag:s4] =	dma.local [hbm:s3], $0xF7A  }
0x26: {  	[smem:$0x3F93] =	sst s1;
	(tag) =	ssettag s2;
	_ =	strace s9  }
0x27: {  	s1 =	sld [smem:$0x3FA3]  }
0x28: {  	s2 =	sld [smem:$0x3FA4]  }
0x29: {  	s4 =	sld [smem:$0x3FA6]  }
0x2a: {  	p0 =	seq.s32 s5, $0x0;
	s5 =	sld [smem:$0x3FA7]  }
0x2b: {  	s6 =	sld [smem:$0x3FA8]  }
0x2c: {  	s7 =	sld [smem:$0x3FA9]  }
0x2d: {  	s3 =	simm.s32 $0x108;
	s8 =	sld [smem:$0x3FAA]  }
0x2e: {  	s3 =	simm.s32 @!p0 $0x1082;
	s9 =	sld [smem:$0x3FAB]  }
0x2f: {  	lr =	sadd.s32 s0, s3;
	s0 =	sld [smem:$0x3FA2]  }
0x30: {  	s3 =	sld [smem:$0x3FA5]  }
0x31: {  	[smem:$0x3FAE] =	sst s10  }
0x32: {  	s10 =	sld [smem:$0x3FAC];
	_ =	sdelay $0x3  }
0x33: {  	p0 =	seq.s32 s10, $0x1;
	s10 =	sld [smem:$0x3FAE];
	_ =	sdelay $0x3  }
0x34: {  	[smem:$0x3FAE] =	sst s10  }
0x35: {  	s10 =	sld [smem:$0x3FAD];
	_ =	sdelay $0x3  }
0x36: {  	p1 =	seq.s32 s10, $0x1;
	s10 =	sld [smem:$0x3FAE];
	_ =	sdelay $0x3  }
0x37: {  	[smem:$0x3FAE] =	sst s10  }
0x38: {  	s10 =	sld [smem:$0x3FAF]  }
0x39: {  	_ = 	snop;
	(pc) =	sbr.ind lr, $3  }
0x3a: {  	_ = 	snop  }
0x3b: {  	_ = 	snop  }
0x3c: {  	p2 =	seq.s32 s10, $0x1;
	s10 =	sld [smem:$0x3FAE]  }
0x3d: {  	_ =	shalt  }
0x3e: {  	_ =	shalt  }
0x3f: {  	_ =	shalt  }
0x40: {  	_ =	shalt  }
0x41: {  	_ =	shalt  }
0x42: {  	_ =	shalt  }
0x43: {  	_ =	shalt  }
0x44: {  	_ =	shalt  }
0x45: {  	_ =	shalt  }
0x46: {  	_ =	shalt  }
0x47: {  	_ =	shalt  }
0x48: {  	_ =	shalt  }
0x49: {  	_ =	shalt  }
0x4a: {  	_ =	shalt  }
0x4b: {  	_ =	shalt  }
0x4c: {  	_ =	shalt  }
0x4d: {  	_ =	shalt  }
0x4e: {  	_ =	shalt  }
0x4f: {  	_ =	shalt  }
0x50: {  	_ =	shalt  }
0x51: {  	_ =	shalt  }
0x52: {  	_ =	shalt  }
0x53: {  	_ =	shalt  }
0x54: {  	_ =	shalt  }
0x55: {  	_ =	shalt  }
0x56: {  	_ =	shalt  }
0x57: {  	_ =	shalt  }
0x58: {  	_ =	shalt  }
0x59: {  	_ =	shalt  }
0x5a: {  	_ =	shalt  }
0x5b: {  	_ =	shalt  }
0x5c: {  	_ =	shalt  }
0x5d: {  	_ =	shalt  }
0x5e: {  	_ =	shalt  }
0x5f: {  	_ =	shalt  }
0x60: {  	_ =	shalt  }
0x61: {  	_ =	shalt  }
0x62: {  	_ =	shalt  }
0x63: {  	_ =	shalt  }
0x64: {  	_ =	shalt  }
0x65: {  	_ =	shalt  }
0x66: {  	_ =	shalt  }
0x67: {  	_ =	shalt  }
0x68: {  	_ =	shalt  }
0x69: {  	_ =	shalt  }
0x6a: {  	_ =	shalt  }
0x6b: {  	_ =	shalt  }
0x6c: {  	_ =	shalt  }
0x6d: {  	_ =	shalt  }
0x6e: {  	_ =	shalt  }
0x6f: {  	_ =	shalt  }
0x70: {  	_ =	shalt  }
0x71: {  	_ =	shalt  }
0x72: {  	_ =	shalt  }
0x73: {  	_ =	shalt  }
0x74: {  	_ =	shalt  }
0x75: {  	_ =	shalt  }
0x76: {  	_ =	shalt  }
0x77: {  	_ =	shalt  }
0x78: {  	_ =	shalt  }
0x79: {  	_ =	shalt  }
0x7a: {  	_ =	shalt  }
0x7b: {  	_ =	shalt  }
0x7c: {  	_ =	shalt  }
0x7d: {  	_ =	shalt  }
0x7e: {  	_ =	shalt  }
0x7f: {  	_ =	shalt  }
0x80: {  	_ =	shalt  }
0x81: {  	_ =	shalt  }
0x82: {  	_ =	shalt  }
0x83: {  	_ =	shalt  }
0x84: {  	_ =	shalt  }
0x85: {  	_ =	shalt  }
0x86: {  	_ =	shalt  }
0x87: {  	_ =	shalt  }
.Lfunc_end0:
.L_simem_size_0:
called_computation_lowered:
.L_overlay_start_0:
0x88: {  	s2 =	sld [smem:$0x3FD9]  }
0x89: {  	s3 =	sld [smem:$0x3FFE];
	_ =	sdelay $0x1  }
0x8a: {  	s1 =	srdreg.scid  }
0x8b: {  	s0 =	sand.u32 $0x1, s1  }
0x8c: {  	s17 =	sshll.u32 s0, $0xA;
	s2 =	sadd.s32 s3, s2  }
0x8d: {  	s2 =	sadd.s32 s2, s17  }
0x8e: {  	[smem:$0x3FBA] =	sst s2  }
0x8f: {  	_ = 	snop  }
0x90: {  	s2 =	sld [smem:$0x3FD0];
	(tm) =	ssettm $0x1  }
0x91: {  	s18 =	sld [smem:$0x3FFB];
	_ =	sdelay $0x3  }
0x92: {  	_ =	strace s18  }
0x93: {  	s3 =	sld [smem:$0x3FFC];
	_ =	sdelay $0x3  }
0x94: {  	_ =	strace s3  }
0x95: {  	s3 =	sld [smem:$0x3FFD];
	_ =	sdelay $0x3  }
0x96: {  	_ =	strace s3  }
0x97: {  	_ =	strace $0x8FFFFFFF  }
0x98: {  	s19 =	sld [smem:$0x3FDB];
	_ =	sdelay $0x1  }
0x99: {  	s4 =	simm.s32 $_scs_section_size  }
0x9a: {  	s5 =	simm.s32 $_size__tile_overlayer_lowered;
	s6 =	simm.s32 $_tile_overlayer_lowered  }
0x9b: {  	s22 =	simm.s32 $0x1BFF;
	s21 =	sshll.u32 s6, $0x1;
	s3 =	sadd.s32 s4, s19  }
0x9c: {  	s7 =	simm.s32 $0x0;
	s20 =	sshll.u32 s5, $0x1;
	s5 =	sadd.s32 s21, s3  }
0x9d: {  	[timem:s7], [sflag:s22] =	dma.local [hbm:s5], s20  }
0x9e: {  	_ =	swait.ge [sflag:s22], s20  }
0x9f: {  	s4 =	ssub.s32 $0x0, s20;
	[sflag:s22] =	ssyncset.done $0x0  }
0xa0: {  	[sflag:s22] =	ssyncadd.s32 s4;
	_ =	sdelay $0x1  }
0xa1: {  	s23 =	simm.s32 $0x1B8B  }
0xa2: {  	_ =	swait.ge [sflag:s23], $0x1  }
0xa3: {  	[sflag:s23] =	ssyncset.done $0x0  }
0xa4: {  	s25 =	simm.s32 $0x1B8E;
	s24 =	sld [smem:$0x3FFE];
	[sflag:s23] =	ssyncadd.s32 $0xFFFFFFFF  }
0xa5: {  	s26 =	simm.s32 $execute0_lowered;
	[smem:$0x3FD2] =	sst s25  }
0xa6: {  	s5 =	sshll.u32 s26, $0x1;
	_ =	strace $0x80000046;
	[dreg:$0x1] =	wrdreg $0xFFFFFFFF  }
0xa7: {  	s28 =	simm.s32 $_size_execute0_lowered;
	s3 =	sadd.s32 s3, s5;
	[dreg:$0x0] =	wrdreg $0x0  }
0xa8: {  	s5 =	sshll.u32 s28, $0x1;
	[dreg:$0x2] =	wrdreg s3  }
0xa9: {  	[dreg:$0x3] =	wrdreg s5  }
0xaa: {  	[dreg:$0x4] =	wrdreg $0xC0  }
0xab: {  	_ =	task [dreg:s7], $0x5FFFF  }
0xac: {  	[dreg:$0x1] =	wrdreg $0xFFFFFFFF  }
0xad: {  	[dreg:$0x0] =	wrdreg $0x60  }
0xae: {  	[dreg:$0x2] =	wrdreg s2  }
0xaf: {  	[dreg:$0x3] =	wrdreg s24  }
0xb0: {  	[dreg:$0x4] =	wrdreg $0x9  }
0xb1: {  	_ =	task.clear_ibuf [dreg:s7], $0x5FFFF;
	_ =	strace $0x90000046  }
0xb2: {  	s29 =	simm.s32 $0x9;
	_ =	strace $0x80000048  }
0xb3: {  	_ =	swait.ge [sflag:s29], $0x1  }
0xb4: {  	[sflag:s29] =	ssyncadd.s32 $0xFFFFFFFF  }
0xb5: {  	_ =	strace $0x90000048  }
0xb6: {  	_ =	sfence  }
0xb7: {  	s30 =	sld [smem:$0x0];
	_ =	sdelay $0x2  }
0xb8: {  	s31 =	sshll.u32 s1, $0xD;
	s1 =	sshrl.u32 s1, $0x2  }
0xb9: {  	s3 =	sand.u32 $0x4000, s31;
	s1 =	sadd.s32 s1, s30  }
0xba: {  	s0 =	sor.u32 s3, s0;
	s1 =	sshll.u32 s1, $0x11  }
0xbb: {  	s0 =	sor.u32 s1, s0  }
0xbc: {  	s0 =	sadd.s32 $0x8F2B, s0  }
0xbd: {  	[sflag:s0] =	ssyncadd.remote.s32 $0x1  }
0xbe: {  	_ =	sfence.sel $0xFFFF  }
0xbf: {  	[dreg:$0x0] =	wrdreg $0xFFFFFFFF;
	(pc) =	sbr.abs _section_cstart, $3  }
0xc0: {  	[dreg:$0x1] =	wrdreg $0xFFFFFFFF  }
0xc1: {  	_ =	task.clear_ibuf [dreg:s7], $0x2FFFF;
	_ =	strace $0x9FFFFFFF  }
0xc2: {  	(tm) =	ssettm $0x7FFFFFFF  }
0xc3: {  	_ =	shalt  }
tec
execute0_lowered:
.L_overlay_start_1:
0x0: {  	(tag) =	ssettag $0x1  }
0x1: {  	s0 =	srdreg.scid  }
0x2: {  	s3 =	sand.u32 $0x1, s0  }
0x3: {  	s0 =	stileid.u32;
	s1 =	sshll.u32 s3, $0x4  }
0x4: {  	s5 =	rddreg [dreg:$0x0];
	s4 =	sor.u32 s0, s1  }
0x5: {  	s6 =	rddreg [dreg:$0x1];
	s2 =	simm.s32 $0x0;
	s1 =	sshrl.u32 s4, $0x3  }
0x6: {  	s9 =	simm.s32 $0x400;
	s8 =	sshll.u32 s0, $0x7;
	s7 =	smul.u32 $0x13C00, s1  }
0x7: {  	s10 =	simm.s32 $0x0;
	s3 =	ssub.s32 $0x2, s3;
	s8 =	sand.u32 $0x380, s8  }
0x8: {  	[smem:$0x7FF] =	sst s2;
	s31 =	sshrl.u32 s3, $0x1;
	s7 =	sor.u32 s8, s7  }
0x9: {  	s4 =	smul.u32 $0x500, s4;
	s1 =	rddreg [dreg:$0x2];
	s7 =	sshrl.u32 s7, $0x3  }
0xa: {  	_ =	strace $0x80000047;
	s8 =	simm.s32 $0x80;
	s6 =	sadd.s32 s7, s6  }
0xb: {  	s7 =	ssub.s32 s3, s31;
	s3 =	sadd.s32 s5, s4;
	s4 =	sadd.s32 $0xFC00, s6  }
0xc: {  	v0 =	vimm.f32 $0.0e+00;
	v1 =	vimm.f32 $1.000000000e+00;
	s5 =	smax.u32 s7, $0x1;
	s6 =	simm.s32 $0x1;
	s7 =	simm.s32 $0x2800  }
.LBB2_1:
0xd: {  	[tilespmem:s2], [sflag:$0x1] =	stream.linear.gather [hbm4b:s3+s2], $0x2800, $0x38;
	[tilespmem:$0x4F80] =	vst v63  }
0xe: {  	_ =	swait.ge [sflag:s6], $0x2800  }
0xf: {  	[sflag:s6] =	ssyncset.done $0x0  }
0x10: {  	s11 =	simm.s32 $0x0;
	[sflag:s6] =	ssyncadd.s32 $0xFFFFD800  }
.LBB2_2:
0x11: {  	p0 =	sne.s32 s11, $0x9DC0  }
.Ltmp0:
0x12: {  	_ = 	snop;
	(pc) =	sbr.rel @p0 .LBB2_2-.Ltmp0, $3  }
0x13: {  	_ =	sdelay $0x1  }
0x14: {  	s12 =	sshra.s32 s11, $0x2  }
0x15: {  	s11 =	sadd.s32 $0x40, s11;
	[tilespmem:s12+$0x2800] =	vst v0  }
0x16: {  	s12 =	simm.s32 $0x0;
	s11 =	simm.s32 $0x40  }
.LBB2_4:
0x17: {  	p0 =	sne.s32 s11, $0x9FC0;
	v2 =	vld [tilespmem:s12+$0x0];
	_ =	sdelay $0x3  }
.Ltmp1:
0x18: {  	(pc) =	sbr.rel @p0 .LBB2_4-.Ltmp1, $2  }
0x19: {  	_ =	sdelay $0x2  }
0x1a: {  	s12 =	sshra.s32 s11, $0x2;
	s11 =	sadd.s32 $0x40, s11;
	[tilespmem:v2+s7+$0x0] =	vst.idx.add.f32.msk $0xffff, v1  }
0x1b: {  	v2 =	vld [tilespmem:s12+$0x0];
	_ =	sdelay $0x5  }
0x1c: {  	s10 =	sadd.s32 $0x1, s10  }
0x1d: {  	p0 =	sne.s32 s10, s5  }
.Ltmp2:
0x1e: {  	[tilespmem:v2+s7+$0x0] =	vst.idx.add.f32.msk $0xffff, v1;
	(pc) =	sbr.rel @p0 .LBB2_1-.Ltmp2, $4  }
0x1f: {  	[hbm4b:s4+s8] =	stream.strided.scatter [tilespmem:s7], [sflag:$0x1], $0x2780, s9, s8, $0x38;
	[tilespmem:$0x4F80] =	vst v63  }
0x20: {  	_ =	swait.ge [sflag:s6], $0x2780  }
0x21: {  	[sflag:s6] =	ssyncset.done $0x0  }
0x22: {  	[sflag:s6] =	ssyncadd.s32 $0xFFFFD880  }
0x23: {  	_ =	sfence.sel $0x180000  }
0x24: {  	[bflag:$0x0] =	sbarrier.arrive $0xFFFF  }
0x25: {  	p0 =	sne.s32 s0, $0x0;
	_ =	strace $0x90000047  }
0x26: {  	s0 =	sadd.s32 @!p0 $0x100000, s1;
	[bflag:$0x2] =	sbarrier.arrive $0xFFFF  }
0x27: {  	[sflag:s0] =	ssyncadd.tile.s32 @!p0 $0x1;
	_ =	shalt  }
.Lfunc_end2:
_tile_overlayer_lowered:
.L_overlay_start_2:
0x28: {  	(tag) =	ssettag $0x2  }
0x29: {  	s0 =	rddreg [dreg:$0x0];
	s2 =	stileid.u32  }
0x2a: {  	s1 =	rddreg [dreg:$0x1];
	p0 =	sne.s32 s2, $0x0  }
0x2b: {  	s3 =	rddreg [dreg:$0x2];
	[bflag:$0x3] =	sbarrier.arrive $0xFFFF;
	s2 =	simm.s32 @!p0 $0x1C01  }
0x2c: {  	[timem:s3], [sflag:s2] =	dma.local @!p0 [hbm:s0], s1  }
0x2d: {  	s0 =	simm.s32 @!p0 $0x1  }
0x2e: {  	_ =	swait.ge @!p0 [sflag:s0], s1  }
0x2f: {  	s1 =	ssub.s32 @!p0 $0x0, s1;
	[sflag:s0] =	ssyncset.done @!p0 $0x0  }
0x30: {  	[sflag:s0] =	ssyncadd.s32 @!p0 s1  }
0x31: {  	[bflag:$0x3] =	sbarrier.arrive $0xFFFF  }
0x32: {  	_ =	shalt  }

// kernel: kernel.16.cloned.1.call-start
scs
__scs_entry_jumppad:
0x0: {  	(pc) =	sbr.rel $0x88, $3  }
0x1: {  	(tag) =	ssettag $0x0;
	lr =	simm.s32 $0x1  }
0x2: {  	[smem:$0x3F93] =	sst lr;
	_ =	strace $0xD0000000  }
0x3: {  	_ = 	snop  }
0x4: {  	_ = 	snop  }
0x5: {  	_ = 	snop  }
0x6: {  	_ = 	snop  }
0x7: {  	_ = 	snop  }
__scs_overlays_trampoline_lowered:
0x8: {  	[smem:$0x3FA2] =	sst s0  }
0x9: {  	[smem:$0x3FA3] =	sst s1  }
0xa: {  	[smem:$0x3FA4] =	sst s2  }
0xb: {  	[smem:$0x3FA5] =	sst s3  }
0xc: {  	[smem:$0x3FA6] =	sst s4  }
0xd: {  	[smem:$0x3FA7] =	sst s5  }
0xe: {  	[smem:$0x3FA8] =	sst s6  }
0xf: {  	[smem:$0x3FA9] =	sst s7  }
0x10: {  	[smem:$0x3FAA] =	sst s8  }
0x11: {  	[smem:$0x3FAB] =	sst s9;
	s0 =	simm.s32 @!p0 $0x0  }
0x12: {  	s1 =	sld [smem:$0x3F91];
	s0 =	simm.s32 @p0 $0x1  }
0x13: {  	[smem:$0x3FAC] =	sst s0;
	s0 =	simm.s32 @!p1 $0x0  }
0x14: {  	s2 =	sld [smem:$0x3F90];
	s0 =	simm.s32 @p1 $0x1  }
0x15: {  	[smem:$0x3FAD] =	sst s0;
	s0 =	simm.s32 @!p2 $0x0  }
0x16: {  	s3 =	sld [smem:$0x3FDB];
	s0 =	simm.s32 @p2 $0x1  }
0x17: {  	s4 =	simm.s32 $0x1BF5;
	[smem:$0x3FAF] =	sst s0  }
0x18: {  	s0 =	sld [smem:$0x3F92];
	_ =	swait.ge [sflag:s4], $0x0  }
0x19: {  	s7 =	sld [smem:$0x3F93]  }
0x1a: {  	s8 =	sadd.s32 $0xFFFFE003, lr  }
0x1b: {  	s9 =	sadd.s32 $0xFFFFFEF7, lr;
	s5 =	simm.s32 $0xFFFFFFFF;
	p2 =	slt.u32 s8, $0xFFFFF086  }
0x1c: {  	p1 =	slt.u32 s9, $0xF7A;
	s5 =	simm.s32 @!p2 $0x0  }
0x1d: {  	s5 =	simm.s32 @p1 $0x1;
	p0 =	seq.s32 s7, s2  }
0x1e: {  	s7 =	smul.u32 @!p0 $0xF7A, s2;
	p2 =	seq.s32 @!p0 s5, $0x0  }
0x1f: {  	s9 =	smul.u32 $0xF7A, s1;
	s8 =	simm.s32 @!p0 $0x1BF5;
	p2 =	por !p2, p0  }
0x20: {  	[sflag:s8] =	ssyncset.s32 @!p0 $0xFFFFF086;
	s6 =	sadd.s32 @!p0 s3, s7;
	s7 =	simm.s32 @!p0 $0x108  }
0x21: {  	s3 =	sadd.s32 s3, s9;
	s6 =	sadd.s32 @!p0 $0x88, s6;
	s7 =	simm.s32 @p2 $0x1082  }
0x22: {  	[simem:s7], [sflag:s8] =	dma.local @!p0 [hbm:s6], $0xF7A  }
0x23: {  	s9 =	sor.u32 $0xD0000000, s2;
	s6 =	simm.s32 $0x108;
	_ =	swait.ge @!p0 [sflag:s8], $0x0  }
0x24: {  	s3 =	sadd.s32 $0x88, s3;
	s6 =	simm.s32 @!p1 $0x1082;
	[sflag:s4] =	ssyncset.s32 $0xFFFFF086  }
0x25: {  	[simem:s6], [sflag:s4] =	dma.local [hbm:s3], $0xF7A  }
0x26: {  	[smem:$0x3F93] =	sst s1;
	(tag) =	ssettag s2;
	_ =	strace s9  }
0x27: {  	s1 =	sld [smem:$0x3FA3]  }
0x28: {  	s2 =	sld [smem:$0x3FA4]  }
0x29: {  	s4 =	sld [smem:$0x3FA6]  }
0x2a: {  	p0 =	seq.s32 s5, $0x0;
	s5 =	sld [smem:$0x3FA7]  }
0x2b: {  	s6 =	sld [smem:$0x3FA8]  }
0x2c: {  	s7 =	sld [smem:$0x3FA9]  }
0x2d: {  	s3 =	simm.s32 $0x108;
	s8 =	sld [smem:$0x3FAA]  }
0x2e: {  	s3 =	simm.s32 @!p0 $0x1082;
	s9 =	sld [smem:$0x3FAB]  }
0x2f: {  	lr =	sadd.s32 s0, s3;
	s0 =	sld [smem:$0x3FA2]  }
0x30: {  	s3 =	sld [smem:$0x3FA5]  }
0x31: {  	[smem:$0x3FAE] =	sst s10  }
0x32: {  	s10 =	sld [smem:$0x3FAC];
	_ =	sdelay $0x3  }
0x33: {  	p0 =	seq.s32 s10, $0x1;
	s10 =	sld [smem:$0x3FAE];
	_ =	sdelay $0x3  }
0x34: {  	[smem:$0x3FAE] =	sst s10  }
0x35: {  	s10 =	sld [smem:$0x3FAD];
	_ =	sdelay $0x3  }
0x36: {  	p1 =	seq.s32 s10, $0x1;
	s10 =	sld [smem:$0x3FAE];
	_ =	sdelay $0x3  }
0x37: {  	[smem:$0x3FAE] =	sst s10  }
0x38: {  	s10 =	sld [smem:$0x3FAF]  }
0x39: {  	_ = 	snop;
	(pc) =	sbr.ind lr, $3  }
0x3a: {  	_ = 	snop  }
0x3b: {  	_ = 	snop  }
0x3c: {  	p2 =	seq.s32 s10, $0x1;
	s10 =	sld [smem:$0x3FAE]  }
0x3d: {  	_ =	shalt  }
0x3e: {  	_ =	shalt  }
0x3f: {  	_ =	shalt  }
0x40: {  	_ =	shalt  }
0x41: {  	_ =	shalt  }
0x42: {  	_ =	shalt  }
0x43: {  	_ =	shalt  }
0x44: {  	_ =	shalt  }
0x45: {  	_ =	shalt  }
0x46: {  	_ =	shalt  }
0x47: {  	_ =	shalt  }
0x48: {  	_ =	shalt  }
0x49: {  	_ =	shalt  }
0x4a: {  	_ =	shalt  }
0x4b: {  	_ =	shalt  }
0x4c: {  	_ =	shalt  }
0x4d: {  	_ =	shalt  }
0x4e: {  	_ =	shalt  }
0x4f: {  	_ =	shalt  }
0x50: {  	_ =	shalt  }
0x51: {  	_ =	shalt  }
0x52: {  	_ =	shalt  }
0x53: {  	_ =	shalt  }
0x54: {  	_ =	shalt  }
0x55: {  	_ =	shalt  }
0x56: {  	_ =	shalt  }
0x57: {  	_ =	shalt  }
0x58: {  	_ =	shalt  }
0x59: {  	_ =	shalt  }
0x5a: {  	_ =	shalt  }
0x5b: {  	_ =	shalt  }
0x5c: {  	_ =	shalt  }
0x5d: {  	_ =	shalt  }
0x5e: {  	_ =	shalt  }
0x5f: {  	_ =	shalt  }
0x60: {  	_ =	shalt  }
0x61: {  	_ =	shalt  }
0x62: {  	_ =	shalt  }
0x63: {  	_ =	shalt  }
0x64: {  	_ =	shalt  }
0x65: {  	_ =	shalt  }
0x66: {  	_ =	shalt  }
0x67: {  	_ =	shalt  }
0x68: {  	_ =	shalt  }
0x69: {  	_ =	shalt  }
0x6a: {  	_ =	shalt  }
0x6b: {  	_ =	shalt  }
0x6c: {  	_ =	shalt  }
0x6d: {  	_ =	shalt  }
0x6e: {  	_ =	shalt  }
0x6f: {  	_ =	shalt  }
0x70: {  	_ =	shalt  }
0x71: {  	_ =	shalt  }
0x72: {  	_ =	shalt  }
0x73: {  	_ =	shalt  }
0x74: {  	_ =	shalt  }
0x75: {  	_ =	shalt  }
0x76: {  	_ =	shalt  }
0x77: {  	_ =	shalt  }
0x78: {  	_ =	shalt  }
0x79: {  	_ =	shalt  }
0x7a: {  	_ =	shalt  }
0x7b: {  	_ =	shalt  }
0x7c: {  	_ =	shalt  }
0x7d: {  	_ =	shalt  }
0x7e: {  	_ =	shalt  }
0x7f: {  	_ =	shalt  }
0x80: {  	_ =	shalt  }
0x81: {  	_ =	shalt  }
0x82: {  	_ =	shalt  }
0x83: {  	_ =	shalt  }
0x84: {  	_ =	shalt  }
0x85: {  	_ =	shalt  }
0x86: {  	_ =	shalt  }
0x87: {  	_ =	shalt  }
.Lfunc_end0:
.L_simem_size_0:
called_computation.1_lowered:
.L_overlay_start_0:
0x88: {  	s2 =	sld [smem:$0x3FD9]  }
0x89: {  	s3 =	sld [smem:$0x3FFE];
	_ =	sdelay $0x1  }
0x8a: {  	s1 =	srdreg.scid  }
0x8b: {  	s0 =	sand.u32 $0x1, s1  }
0x8c: {  	s17 =	sshll.u32 s0, $0xA;
	s2 =	sadd.s32 s3, s2  }
0x8d: {  	s2 =	sadd.s32 s2, s17  }
0x8e: {  	[smem:$0x3FBA] =	sst s2  }
0x8f: {  	_ = 	snop  }
0x90: {  	s2 =	sld [smem:$0x3FD0];
	(tm) =	ssettm $0x1  }
0x91: {  	s18 =	sld [smem:$0x3FFB];
	_ =	sdelay $0x3  }
0x92: {  	_ =	strace s18  }
0x93: {  	s3 =	sld [smem:$0x3FFC];
	_ =	sdelay $0x3  }
0x94: {  	_ =	strace s3  }
0x95: {  	s3 =	sld [smem:$0x3FFD];
	_ =	sdelay $0x3  }
0x96: {  	_ =	strace s3  }
0x97: {  	_ =	strace $0x8FFFFFFF  }
0x98: {  	s19 =	sld [smem:$0x3FDB];
	_ =	sdelay $0x1  }
0x99: {  	s4 =	simm.s32 $_scs_section_size  }
0x9a: {  	s5 =	simm.s32 $_size__tile_overlayer_lowered;
	s6 =	simm.s32 $_tile_overlayer_lowered  }
0x9b: {  	s22 =	simm.s32 $0x1BFF;
	s21 =	sshll.u32 s6, $0x1;
	s3 =	sadd.s32 s4, s19  }
0x9c: {  	s7 =	simm.s32 $0x0;
	s20 =	sshll.u32 s5, $0x1;
	s5 =	sadd.s32 s21, s3  }
0x9d: {  	[timem:s7], [sflag:s22] =	dma.local [hbm:s5], s20  }
0x9e: {  	_ =	swait.ge [sflag:s22], s20  }
0x9f: {  	s4 =	ssub.s32 $0x0, s20;
	[sflag:s22] =	ssyncset.done $0x0  }
0xa0: {  	[sflag:s22] =	ssyncadd.s32 s4;
	_ =	sdelay $0x1  }
0xa1: {  	s23 =	simm.s32 $0x1B8B  }
0xa2: {  	_ =	swait.ge [sflag:s23], $0x1  }
0xa3: {  	[sflag:s23] =	ssyncset.done $0x0  }
0xa4: {  	s25 =	simm.s32 $0x1B8E;
	s24 =	sld [smem:$0x3FFE];
	[sflag:s23] =	ssyncadd.s32 $0xFFFFFFFF  }
0xa5: {  	s26 =	simm.s32 $execute0_lowered;
	[smem:$0x3FD2] =	sst s25  }
0xa6: {  	s5 =	sshll.u32 s26, $0x1;
	_ =	strace $0x80000049;
	[dreg:$0x1] =	wrdreg $0xFFFFFFFF  }
0xa7: {  	s28 =	simm.s32 $_size_execute0_lowered;
	s3 =	sadd.s32 s3, s5;
	[dreg:$0x0] =	wrdreg $0x0  }
0xa8: {  	s5 =	sshll.u32 s28, $0x1;
	[dreg:$0x2] =	wrdreg s3  }
0xa9: {  	[dreg:$0x3] =	wrdreg s5  }
0xaa: {  	[dreg:$0x4] =	wrdreg $0xC0  }
0xab: {  	_ =	task [dreg:s7], $0x5FFFF  }
0xac: {  	[dreg:$0x1] =	wrdreg $0xFFFFFFFF  }
0xad: {  	[dreg:$0x0] =	wrdreg $0x60  }
0xae: {  	[dreg:$0x2] =	wrdreg s2  }
0xaf: {  	[dreg:$0x3] =	wrdreg s24  }
0xb0: {  	[dreg:$0x4] =	wrdreg $0xA0000  }
0xb1: {  	[dreg:$0x5] =	wrdreg $0x9  }
0xb2: {  	_ =	task.clear_ibuf [dreg:s7], $0x6FFFF;
	_ =	strace $0x90000049  }
0xb3: {  	s29 =	simm.s32 $0x9;
	_ =	strace $0x8000004B  }
0xb4: {  	_ =	swait.ge [sflag:s29], $0x1  }
0xb5: {  	[sflag:s29] =	ssyncadd.s32 $0xFFFFFFFF  }
0xb6: {  	_ =	strace $0x9000004B  }
0xb7: {  	_ =	sfence  }
0xb8: {  	s30 =	sld [smem:$0x0];
	_ =	sdelay $0x2  }
0xb9: {  	s31 =	sshll.u32 s1, $0xD;
	s1 =	sshrl.u32 s1, $0x2  }
0xba: {  	s3 =	sand.u32 $0x4000, s31;
	s1 =	sadd.s32 s1, s30  }
0xbb: {  	s0 =	sor.u32 s3, s0;
	s1 =	sshll.u32 s1, $0x11  }
0xbc: {  	s0 =	sor.u32 s1, s0  }
0xbd: {  	s0 =	sadd.s32 $0x8F2B, s0  }
0xbe: {  	[sflag:s0] =	ssyncadd.remote.s32 $0x1  }
0xbf: {  	_ =	sfence.sel $0xFFFF  }
0xc0: {  	[dreg:$0x0] =	wrdreg $0xFFFFFFFF;
	(pc) =	sbr.abs _section_cstart, $3  }
0xc1: {  	[dreg:$0x1] =	wrdreg $0xFFFFFFFF  }
0xc2: {  	_ =	task.clear_ibuf [dreg:s7], $0x2FFFF;
	_ =	strace $0x9FFFFFFF  }
0xc3: {  	(tm) =	ssettm $0x7FFFFFFF  }
tec
execute0_lowered:
.L_overlay_start_1:
0x0: {  	(tag) =	ssettag $0x1  }
0x1: {  	s0 =	rddreg [dreg:$0x0]  }
0x2: {  	s9 =	rddreg [dreg:$0x1]  }
0x3: {  	s1 =	srdreg.scid;
	s3 =	rddreg [dreg:$0x2]  }
0x4: {  	s2 =	stileid.u32;
	s5 =	simm.s32 $0x0;
	s16 =	simm.s32 $0x80  }
0x5: {  	s17 =	simm.s32 $0x2000;
	s18 =	simm.s32 $0x6000;
	s19 =	simm.s32 $0x1  }
0x6: {  	s20 =	simm.s32 $0x2;
	s21 =	simm.s32 $0x1F00;
	s7 =	smul.u32 $0x13C00, s2  }
0x7: {  	s4 =	sand.u32 $0x1, s1;
	s1 =	rddreg [dreg:$0x3];
	s29 =	smul.u32 $0x4F000, s2  }
0x8: {  	s22 =	simm.s32 $0x1F80;
	[smem:$0x7FF] =	sst s5;
	s13 =	smul.u32 $0x60, s2  }
0x9: {  	s12 =	sshll.u32 s2, $0x6;
	s6 =	smul.u32 $0x13C000, s4;
	_ =	strace $0x8000004A  }
0xa: {  	s30 =	ssub.s32 $0x2, s4;
	p0 =	seq.s32 s4, $0x0;
	s15 =	sadd.s32 $0x600, s12  }
0xb: {  	s14 =	sshrl.u32 s30, $0x1;
	s15 =	smov.u32 @p0 s13;
	s8 =	sadd.s32 s7, s6  }
0xc: {  	s6 =	sadd.s32 $0x19A00, s9;
	s7 =	sadd.s32 $0x5C00, s9;
	s10 =	sshrl.u32 s8, $0x3  }
0xd: {  	s14 =	ssub.s32 s30, s14;
	s8 =	sadd.s32 $0xFC00, s9;
	s11 =	sadd.s32 s10, s9  }
0xe: {  	s9 =	sshrl.u32 s29, $0x2;
	s10 =	sshll.u32 s15, $0x7;
	s15 =	simm.s32 $0x1000  }
0xf: {  	s31 =	sadd.s32 s9, s3;
	s9 =	sor.u32 $0x1C03, s12;
	s11 =	sadd.s32 $0x4AC00, s11  }
0x10: {  	s12 =	smax.u32 s14, $0x1;
	s14 =	simm.s32 $0x3;
	s13 =	sshrl.u32 s31, $0x3  }
.LBB2_1:
0x11: {  	[spmem:s13], [sflag:s9] =	dma.local [hbm:s8], $0x2780  }
0x12: {  	_ =	swait.ge [sflag:s14], $0x2780  }
0x13: {  	[sflag:s14] =	ssyncset.done $0x0  }
0x14: {  	[sflag:s14] =	ssyncadd.s32 $0xFFFFD880  }
0x15: {  	s23 =	simm.s32 $0x0;
	[bflag:$0x0] =	sbarrier.arrive $0xFFFF  }
.LBB2_2:
0x16: {  	s24 =	sshll.u32 s23, $0xC  }
0x17: {  	s24 =	sadd.s32 s10, s24  }
0x18: {  	s24 =	sshrl.u32 s24, $0x3  }
0x19: {  	s26 =	simm.s32 $0x0;
	s25 =	sadd.s32 s6, s24  }
0x1a: {  	[tilespmem:s26], [sflag:$0x3] =	stream.linear.gather [hbm4b:s25+s26], $0x1000, $0x38;
	[tilespmem:$0x1DC00] =	vst v63  }
0x1b: {  	_ =	swait.ge [sflag:s14], $0x1000  }
0x1c: {  	[sflag:s14] =	ssyncset.done $0x0  }
0x1d: {  	s24 =	sadd.s32 s7, s24;
	[sflag:s14] =	ssyncadd.s32 $0xFFFFF000  }
0x1e: {  	[tilespmem:s15], [sflag:$0x3] =	stream.linear.gather [hbm4b:s24+s26], $0x1000, $0x38;
	[tilespmem:$0x1DC00] =	vst v63  }
0x1f: {  	_ =	swait.ge [sflag:s14], $0x1000  }
0x20: {  	[sflag:s14] =	ssyncset.done $0x0  }
0x21: {  	[sflag:s14] =	ssyncadd.s32 $0xFFFFF000  }
0x22: {  	[tilespmem:s17], [sflag:$0x1] =	stream.indirect.gather [hbm4b:s0+s16], $0x80, s26, s16, $0xb8;
	[tilespmem:$0x1DC00] =	vst v63  }
0x23: {  	_ = 	snop  }
0x24: {  	[tilespmem:s18], [sflag:$0x2] =	stream.indirect.gather [hbm4b:s0+s16], $0x80, s16, s16, $0xb8;
	[tilespmem:$0x1DC00] =	vst v63  }
0x25: {  	_ =	swait.ge [sflag:s19], $0x4000  }
0x26: {  	[sflag:s19] =	ssyncset.done $0x0  }
0x27: {  	s29 =	simm.s32 $0x1000;
	[sflag:s19] =	ssyncadd.s32 $0xFFFFC000  }
0x28: {  	[spmem:s3] =	stream.indirect.scatter.add.f32 [tilespmem:s17], [sflag:$0x3], $0x80, s29, s16, $0xb8;
	[tilespmem:$0x1DC00] =	vst v63  }
0x29: {  	_ =	swait.ge [sflag:s14], $0x4000  }
0x2a: {  	[sflag:s14] =	ssyncset.done $0x0  }
0x2b: {  	s30 =	simm.s32 $0x100;
	[sflag:s14] =	ssyncadd.s32 $0xFFFFC000  }
0x2c: {  	[tilespmem:s17], [sflag:$0x1] =	stream.indirect.gather [hbm4b:s0+s16], $0x80, s30, s16, $0xb8;
	[tilespmem:$0x1DC00] =	vst v63  }
0x2d: {  	_ =	swait.ge [sflag:s20], $0x4000  }
0x2e: {  	[sflag:s20] =	ssyncset.done $0x0  }
0x2f: {  	s31 =	simm.s32 $0x1080;
	[sflag:s20] =	ssyncadd.s32 $0xFFFFC000  }
0x30: {  	[spmem:s3] =	stream.indirect.scatter.add.f32 [tilespmem:s18], [sflag:$0x3], $0x80, s31, s16, $0xb8;
	[tilespmem:$0x1DC00] =	vst v63  }
0x31: {  	_ =	swait.ge [sflag:s14], $0x4000  }
0x32: {  	[sflag:s14] =	ssyncset.done $0x0  }
0x33: {  	s25 =	simm.s32 $0x180;
	s24 =	simm.s32 $0x400;
	[sflag:s14] =	ssyncadd.s32 $0xFFFFC000  }
.LBB2_3:
0x34: {  	[tilespmem:s18], [sflag:$0x2] =	stream.indirect.gather [hbm4b:s0+s16], $0x80, s25, s16, $0xb8;
	[tilespmem:$0x1DC00] =	vst v63  }
0x35: {  	s25 =	smov.u32 s24  }
0x36: {  	p0 =	sne.s32 s24, $0x3800;
	s24 =	sadd.s32 $0x400, s24;
	_ =	swait.ge [sflag:s19], $0x4000  }
0x37: {  	s25 =	sshra.s32 s25, $0x2;
	[sflag:s19] =	ssyncset.done $0x0  }
0x38: {  	s26 =	sadd.s32 $0x1000, s25;
	[sflag:s19] =	ssyncadd.s32 $0xFFFFC000  }
0x39: {  	[spmem:s3] =	stream.indirect.scatter.add.f32 [tilespmem:s17], [sflag:$0x3], $0x80, s26, s16, $0xb8;
	[tilespmem:$0x1DC00] =	vst v63  }
0x3a: {  	_ =	swait.ge [sflag:s14], $0x4000  }
0x3b: {  	[sflag:s14] =	ssyncset.done $0x0  }
0x3c: {  	s26 =	sadd.s32 $0x100, s25;
	[sflag:s14] =	ssyncadd.s32 $0xFFFFC000  }
0x3d: {  	[tilespmem:s17], [sflag:$0x1] =	stream.indirect.gather [hbm4b:s0+s16], $0x80, s26, s16, $0xb8;
	[tilespmem:$0x1DC00] =	vst v63  }
0x3e: {  	_ =	swait.ge [sflag:s20], $0x4000  }
0x3f: {  	[sflag:s20] =	ssyncset.done $0x0  }
.Ltmp0:
0x40: {  	s26 =	sadd.s32 $0x1080, s25;
	[sflag:s20] =	ssyncadd.s32 $0xFFFFC000;
	(pc) =	sbr.rel @p0 .LBB2_3-.Ltmp0, $4  }
0x41: {  	[spmem:s3] =	stream.indirect.scatter.add.f32 [tilespmem:s18], [sflag:$0x3], $0x80, s26, s16, $0xb8;
	[tilespmem:$0x1DC00] =	vst v63  }
0x42: {  	_ =	swait.ge [sflag:s14], $0x4000  }
0x43: {  	[sflag:s14] =	ssyncset.done $0x0  }
0x44: {  	s25 =	sadd.s32 $0x180, s25;
	[sflag:s14] =	ssyncadd.s32 $0xFFFFC000  }
0x45: {  	[tilespmem:s18], [sflag:$0x2] =	stream.indirect.gather [hbm4b:s0+s16], $0x80, s25, s16, $0xb8;
	[tilespmem:$0x1DC00] =	vst v63  }
0x46: {  	_ =	swait.ge [sflag:s19], $0x4000  }
0x47: {  	[sflag:s19] =	ssyncset.done $0x0  }
0x48: {  	[sflag:s19] =	ssyncadd.s32 $0xFFFFC000  }
0x49: {  	[spmem:s3] =	stream.indirect.scatter.add.f32 [tilespmem:s17], [sflag:$0x3], $0x80, s21, s16, $0xb8;
	[tilespmem:$0x1DC00] =	vst v63  }
0x4a: {  	_ =	swait.ge [sflag:s14], $0x4000  }
0x4b: {  	[sflag:s14] =	ssyncset.done $0x0  }
0x4c: {  	s23 =	sadd.s32 $0x1, s23;
	[sflag:s14] =	ssyncadd.s32 $0xFFFFC000  }
0x4d: {  	s24 =	sxor.u32 s23, s4;
	_ =	swait.ge [sflag:s20], $0x4000  }
0x4e: {  	p0 =	sne.s32 s24, $0x3;
	[sflag:s20] =	ssyncset.done $0x0  }
.Ltmp1:
0x4f: {  	[sflag:s20] =	ssyncadd.s32 $0xFFFFC000;
	(pc) =	sbr.rel @p0 .LBB2_2-.Ltmp1, $4  }
0x50: {  	[spmem:s3] =	stream.indirect.scatter.add.f32 [tilespmem:s18], [sflag:$0x3], $0x80, s22, s16, $0xb8;
	[tilespmem:$0x1DC00] =	vst v63  }
0x51: {  	_ =	swait.ge [sflag:s14], $0x4000  }
0x52: {  	[sflag:s14] =	ssyncset.done $0x0  }
0x53: {  	[sflag:s14] =	ssyncadd.s32 $0xFFFFC000  }
0x54: {  	s5 =	sadd.s32 $0x1, s5  }
0x55: {  	p0 =	sne.s32 s5, s12  }
.Ltmp2:
0x56: {  	[bflag:$0x0] =	sbarrier.arrive $0xFFFF;
	(pc) =	sbr.rel @p0 .LBB2_1-.Ltmp2, $4  }
0x57: {  	[hbm:s11], [sflag:s9] =	dma.local [spmem:s13], $0x2780  }
0x58: {  	_ =	swait.ge [sflag:s14], $0x2780  }
0x59: {  	[sflag:s14] =	ssyncset.done $0x0  }
0x5a: {  	[sflag:s14] =	ssyncadd.s32 $0xFFFFD880  }
0x5b: {  	_ =	sfence.sel $0x180000  }
0x5c: {  	[bflag:$0x0] =	sbarrier.arrive $0xFFFF  }
0x5d: {  	p0 =	sne.s32 s2, $0x0;
	_ =	strace $0x9000004A  }
0x5e: {  	s0 =	sadd.s32 @!p0 $0x100000, s1;
	[bflag:$0x2] =	sbarrier.arrive $0xFFFF  }
0x5f: {  	[sflag:s0] =	ssyncadd.tile.s32 @!p0 $0x1;
	_ =	shalt  }
.Lfunc_end2:
_tile_overlayer_lowered:
.L_overlay_start_2:
0x60: {  	(tag) =	ssettag $0x2  }
0x61: {  	s0 =	rddreg [dreg:$0x0];
	s2 =	stileid.u32  }
0x62: {  	s1 =	rddreg [dreg:$0x1];
	p0 =	sne.s32 s2, $0x0  }
0x63: {  	s3 =	rddreg [dreg:$0x2];
	[bflag:$0x3] =	sbarrier.arrive $0xFFFF;
	s2 =	simm.s32 @!p0 $0x1C03  }
0x64: {  	[timem:s3], [sflag:s2] =	dma.local @!p0 [hbm:s0], s1  }
0x65: {  	s0 =	simm.s32 @!p0 $0x3  }
0x66: {  	_ =	swait.ge @!p0 [sflag:s0], s1  }
0x67: {  	s1 =	ssub.s32 @!p0 $0x0, s1;
	[sflag:s0] =	ssyncset.done @!p0 $0x0  }
0x68: {  	[sflag:s0] =	ssyncadd.s32 @!p0 s1  }
0x69: {  	[bflag:$0x3] =	sbarrier.arrive $0xFFFF  }
0x6a: {  	_ =	shalt  }

// kernel: kernel.19.cloned.1.call-start
scs
__scs_entry_jumppad:
0x0: {  	(pc) =	sbr.rel $0x88, $3  }
0x1: {  	(tag) =	ssettag $0x0;
	lr =	simm.s32 $0x1  }
0x2: {  	[smem:$0x3F93] =	sst lr;
	_ =	strace $0xD0000000  }
0x3: {  	_ = 	snop  }
0x4: {  	_ = 	snop  }
0x5: {  	_ = 	snop  }
0x6: {  	_ = 	snop  }
0x7: {  	_ = 	snop  }
__scs_overlays_trampoline_lowered:
0x8: {  	[smem:$0x3FA2] =	sst s0  }
0x9: {  	[smem:$0x3FA3] =	sst s1  }
0xa: {  	[smem:$0x3FA4] =	sst s2  }
0xb: {  	[smem:$0x3FA5] =	sst s3  }
0xc: {  	[smem:$0x3FA6] =	sst s4  }
0xd: {  	[smem:$0x3FA7] =	sst s5  }
0xe: {  	[smem:$0x3FA8] =	sst s6  }
0xf: {  	[smem:$0x3FA9] =	sst s7  }
0x10: {  	[smem:$0x3FAA] =	sst s8  }
0x11: {  	[smem:$0x3FAB] =	sst s9;
	s0 =	simm.s32 @!p0 $0x0  }
0x12: {  	s1 =	sld [smem:$0x3F91];
	s0 =	simm.s32 @p0 $0x1  }
0x13: {  	[smem:$0x3FAC] =	sst s0;
	s0 =	simm.s32 @!p1 $0x0  }
0x14: {  	s2 =	sld [smem:$0x3F90];
	s0 =	simm.s32 @p1 $0x1  }
0x15: {  	[smem:$0x3FAD] =	sst s0;
	s0 =	simm.s32 @!p2 $0x0  }
0x16: {  	s3 =	sld [smem:$0x3FDB];
	s0 =	simm.s32 @p2 $0x1  }
0x17: {  	s4 =	simm.s32 $0x1BF5;
	[smem:$0x3FAF] =	sst s0  }
0x18: {  	s0 =	sld [smem:$0x3F92];
	_ =	swait.ge [sflag:s4], $0x0  }
0x19: {  	s7 =	sld [smem:$0x3F93]  }
0x1a: {  	s8 =	sadd.s32 $0xFFFFE003, lr  }
0x1b: {  	s9 =	sadd.s32 $0xFFFFFEF7, lr;
	s5 =	simm.s32 $0xFFFFFFFF;
	p2 =	slt.u32 s8, $0xFFFFF086  }
0x1c: {  	p1 =	slt.u32 s9, $0xF7A;
	s5 =	simm.s32 @!p2 $0x0  }
0x1d: {  	s5 =	simm.s32 @p1 $0x1;
	p0 =	seq.s32 s7, s2  }
0x1e: {  	s7 =	smul.u32 @!p0 $0xF7A, s2;
	p2 =	seq.s32 @!p0 s5, $0x0  }
0x1f: {  	s9 =	smul.u32 $0xF7A, s1;
	s8 =	simm.s32 @!p0 $0x1BF5;
	p2 =	por !p2, p0  }
0x20: {  	[sflag:s8] =	ssyncset.s32 @!p0 $0xFFFFF086;
	s6 =	sadd.s32 @!p0 s3, s7;
	s7 =	simm.s32 @!p0 $0x108  }
0x21: {  	s3 =	sadd.s32 s3, s9;
	s6 =	sadd.s32 @!p0 $0x88, s6;
	s7 =	simm.s32 @p2 $0x1082  }
0x22: {  	[simem:s7], [sflag:s8] =	dma.local @!p0 [hbm:s6], $0xF7A  }
0x23: {  	s9 =	sor.u32 $0xD0000000, s2;
	s6 =	simm.s32 $0x108;
	_ =	swait.ge @!p0 [sflag:s8], $0x0  }
0x24: {  	s3 =	sadd.s32 $0x88, s3;
	s6 =	simm.s32 @!p1 $0x1082;
	[sflag:s4] =	ssyncset.s32 $0xFFFFF086  }
0x25: {  	[simem:s6], [sflag:s4] =	dma.local [hbm:s3], $0xF7A  }
0x26: {  	[smem:$0x3F93] =	sst s1;
	(tag) =	ssettag s2;
	_ =	strace s9  }
0x27: {  	s1 =	sld [smem:$0x3FA3]  }
0x28: {  	s2 =	sld [smem:$0x3FA4]  }
0x29: {  	s4 =	sld [smem:$0x3FA6]  }
0x2a: {  	p0 =	seq.s32 s5, $0x0;
	s5 =	sld [smem:$0x3FA7]  }
0x2b: {  	s6 =	sld [smem:$0x3FA8]  }
0x2c: {  	s7 =	sld [smem:$0x3FA9]  }
0x2d: {  	s3 =	simm.s32 $0x108;
	s8 =	sld [smem:$0x3FAA]  }
0x2e: {  	s3 =	simm.s32 @!p0 $0x1082;
	s9 =	sld [smem:$0x3FAB]  }
0x2f: {  	lr =	sadd.s32 s0, s3;
	s0 =	sld [smem:$0x3FA2]  }
0x30: {  	s3 =	sld [smem:$0x3FA5]  }
0x31: {  	[smem:$0x3FAE] =	sst s10  }
0x32: {  	s10 =	sld [smem:$0x3FAC];
	_ =	sdelay $0x3  }
0x33: {  	p0 =	seq.s32 s10, $0x1;
	s10 =	sld [smem:$0x3FAE];
	_ =	sdelay $0x3  }
0x34: {  	[smem:$0x3FAE] =	sst s10  }
0x35: {  	s10 =	sld [smem:$0x3FAD];
	_ =	sdelay $0x3  }
0x36: {  	p1 =	seq.s32 s10, $0x1;
	s10 =	sld [smem:$0x3FAE];
	_ =	sdelay $0x3  }
0x37: {  	[smem:$0x3FAE] =	sst s10  }
0x38: {  	s10 =	sld [smem:$0x3FAF]  }
0x39: {  	_ = 	snop;
	(pc) =	sbr.ind lr, $3  }
0x3a: {  	_ = 	snop  }
0x3b: {  	_ = 	snop  }
0x3c: {  	p2 =	seq.s32 s10, $0x1;
	s10 =	sld [smem:$0x3FAE]  }
0x3d: {  	_ =	shalt  }
0x3e: {  	_ =	shalt  }
0x3f: {  	_ =	shalt  }
0x40: {  	_ =	shalt  }
0x41: {  	_ =	shalt  }
0x42: {  	_ =	shalt  }
0x43: {  	_ =	shalt  }
0x44: {  	_ =	shalt  }
0x45: {  	_ =	shalt  }
0x46: {  	_ =	shalt  }
0x47: {  	_ =	shalt  }
0x48: {  	_ =	shalt  }
0x49: {  	_ =	shalt  }
0x4a: {  	_ =	shalt  }
0x4b: {  	_ =	shalt  }
0x4c: {  	_ =	shalt  }
0x4d: {  	_ =	shalt  }
0x4e: {  	_ =	shalt  }
0x4f: {  	_ =	shalt  }
0x50: {  	_ =	shalt  }
0x51: {  	_ =	shalt  }
0x52: {  	_ =	shalt  }
0x53: {  	_ =	shalt  }
0x54: {  	_ =	shalt  }
0x55: {  	_ =	shalt  }
0x56: {  	_ =	shalt  }
0x57: {  	_ =	shalt  }
0x58: {  	_ =	shalt  }
0x59: {  	_ =	shalt  }
0x5a: {  	_ =	shalt  }
0x5b: {  	_ =	shalt  }
0x5c: {  	_ =	shalt  }
0x5d: {  	_ =	shalt  }
0x5e: {  	_ =	shalt  }
0x5f: {  	_ =	shalt  }
0x60: {  	_ =	shalt  }
0x61: {  	_ =	shalt  }
0x62: {  	_ =	shalt  }
0x63: {  	_ =	shalt  }
0x64: {  	_ =	shalt  }
0x65: {  	_ =	shalt  }
0x66: {  	_ =	shalt  }
0x67: {  	_ =	shalt  }
0x68: {  	_ =	shalt  }
0x69: {  	_ =	shalt  }
0x6a: {  	_ =	shalt  }
0x6b: {  	_ =	shalt  }
0x6c: {  	_ =	shalt  }
0x6d: {  	_ =	shalt  }
0x6e: {  	_ =	shalt  }
0x6f: {  	_ =	shalt  }
0x70: {  	_ =	shalt  }
0x71: {  	_ =	shalt  }
0x72: {  	_ =	shalt  }
0x73: {  	_ =	shalt  }
0x74: {  	_ =	shalt  }
0x75: {  	_ =	shalt  }
0x76: {  	_ =	shalt  }
0x77: {  	_ =	shalt  }
0x78: {  	_ =	shalt  }
0x79: {  	_ =	shalt  }
0x7a: {  	_ =	shalt  }
0x7b: {  	_ =	shalt  }
0x7c: {  	_ =	shalt  }
0x7d: {  	_ =	shalt  }
0x7e: {  	_ =	shalt  }
0x7f: {  	_ =	shalt  }
0x80: {  	_ =	shalt  }
0x81: {  	_ =	shalt  }
0x82: {  	_ =	shalt  }
0x83: {  	_ =	shalt  }
0x84: {  	_ =	shalt  }
0x85: {  	_ =	shalt  }
0x86: {  	_ =	shalt  }
0x87: {  	_ =	shalt  }
.Lfunc_end0:
.L_simem_size_0:
called_computation.2_lowered:
.L_overlay_start_0:
0x88: {  	s2 =	sld [smem:$0x3FD9]  }
0x89: {  	s3 =	sld [smem:$0x3FFE];
	_ =	sdelay $0x1  }
0x8a: {  	s1 =	srdreg.scid  }
0x8b: {  	s0 =	sand.u32 $0x1, s1  }
0x8c: {  	s17 =	sshll.u32 s0, $0xA;
	s2 =	sadd.s32 s3, s2  }
0x8d: {  	s2 =	sadd.s32 s2, s17  }
0x8e: {  	[smem:$0x3FBA] =	sst s2  }
0x8f: {  	_ = 	snop  }
0x90: {  	s2 =	sld [smem:$0x3FD0];
	(tm) =	ssettm $0x1  }
0x91: {  	s18 =	sld [smem:$0x3FFB];
	_ =	sdelay $0x3  }
0x92: {  	_ =	strace s18  }
0x93: {  	s3 =	sld [smem:$0x3FFC];
	_ =	sdelay $0x3  }
0x94: {  	_ =	strace s3  }
0x95: {  	s3 =	sld [smem:$0x3FFD];
	_ =	sdelay $0x3  }
0x96: {  	_ =	strace s3  }
0x97: {  	_ =	strace $0x8FFFFFFF  }
0x98: {  	s19 =	sld [smem:$0x3FDB];
	_ =	sdelay $0x1  }
0x99: {  	s4 =	simm.s32 $_scs_section_size  }
0x9a: {  	s5 =	simm.s32 $_size__tile_overlayer_lowered;
	s6 =	simm.s32 $_tile_overlayer_lowered  }
0x9b: {  	s22 =	simm.s32 $0x1BFF;
	s21 =	sshll.u32 s6, $0x1;
	s3 =	sadd.s32 s4, s19  }
0x9c: {  	s7 =	simm.s32 $0x0;
	s20 =	sshll.u32 s5, $0x1;
	s5 =	sadd.s32 s21, s3  }
0x9d: {  	[timem:s7], [sflag:s22] =	dma.local [hbm:s5], s20  }
0x9e: {  	_ =	swait.ge [sflag:s22], s20  }
0x9f: {  	s4 =	ssub.s32 $0x0, s20;
	[sflag:s22] =	ssyncset.done $0x0  }
0xa0: {  	[sflag:s22] =	ssyncadd.s32 s4;
	_ =	sdelay $0x1  }
0xa1: {  	s23 =	simm.s32 $0x1B8B  }
0xa2: {  	_ =	swait.ge [sflag:s23], $0x1  }
0xa3: {  	[sflag:s23] =	ssyncset.done $0x0  }
0xa4: {  	s25 =	simm.s32 $0x1B8E;
	s24 =	sld [smem:$0x3FFE];
	[sflag:s23] =	ssyncadd.s32 $0xFFFFFFFF  }
0xa5: {  	s26 =	simm.s32 $execute0_lowered;
	[smem:$0x3FD2] =	sst s25  }
0xa6: {  	s5 =	sshll.u32 s26, $0x1;
	_ =	strace $0x8000004C;
	[dreg:$0x1] =	wrdreg $0xFFFFFFFF  }
0xa7: {  	s28 =	simm.s32 $_size_execute0_lowered;
	s3 =	sadd.s32 s3, s5;
	[dreg:$0x0] =	wrdreg $0x0  }
0xa8: {  	s5 =	sshll.u32 s28, $0x1;
	[dreg:$0x2] =	wrdreg s3  }
0xa9: {  	[dreg:$0x3] =	wrdreg s5  }
0xaa: {  	[dreg:$0x4] =	wrdreg $0xC0  }
0xab: {  	_ =	task [dreg:s7], $0x5FFFF  }
0xac: {  	[dreg:$0x1] =	wrdreg $0xFFFFFFFF  }
0xad: {  	[dreg:$0x0] =	wrdreg $0x60  }
0xae: {  	[dreg:$0x2] =	wrdreg s2  }
0xaf: {  	[dreg:$0x3] =	wrdreg s24  }
0xb0: {  	[dreg:$0x4] =	wrdreg $0xA0000  }
0xb1: {  	[dreg:$0x5] =	wrdreg $0x9  }
0xb2: {  	_ =	task.clear_ibuf [dreg:s7], $0x6FFFF;
	_ =	strace $0x9000004C  }
0xb3: {  	s29 =	simm.s32 $0x9;
	_ =	strace $0x8000004E  }
0xb4: {  	_ =	swait.ge [sflag:s29], $0x1  }
0xb5: {  	[sflag:s29] =	ssyncadd.s32 $0xFFFFFFFF  }
0xb6: {  	_ =	strace $0x9000004E  }
0xb7: {  	_ =	sfence  }
0xb8: {  	s30 =	sld [smem:$0x0];
	_ =	sdelay $0x2  }
0xb9: {  	s31 =	sshll.u32 s1, $0xD;
	s1 =	sshrl.u32 s1, $0x2  }
0xba: {  	s3 =	sand.u32 $0x4000, s31;
	s1 =	sadd.s32 s1, s30  }
0xbb: {  	s0 =	sor.u32 s3, s0;
	s1 =	sshll.u32 s1, $0x11  }
0xbc: {  	s0 =	sor.u32 s1, s0  }
0xbd: {  	s0 =	sadd.s32 $0x8F2B, s0  }
0xbe: {  	[sflag:s0] =	ssyncadd.remote.s32 $0x1  }
0xbf: {  	_ =	sfence.sel $0xFFFF  }
0xc0: {  	[dreg:$0x0] =	wrdreg $0xFFFFFFFF;
	(pc) =	sbr.abs _section_cstart, $3  }
0xc1: {  	[dreg:$0x1] =	wrdreg $0xFFFFFFFF  }
0xc2: {  	_ =	task.clear_ibuf [dreg:s7], $0x2FFFF;
	_ =	strace $0x9FFFFFFF  }
0xc3: {  	(tm) =	ssettm $0x7FFFFFFF  }
tec
execute0_lowered:
.L_overlay_start_1:
0x0: {  	(tag) =	ssettag $0x1  }
0x1: {  	s0 =	rddreg [dreg:$0x0]  }
0x2: {  	s9 =	rddreg [dreg:$0x1]  }
0x3: {  	s1 =	srdreg.scid;
	s3 =	rddreg [dreg:$0x2]  }
0x4: {  	s2 =	stileid.u32;
	s5 =	simm.s32 $0x0;
	s16 =	simm.s32 $0x80  }
0x5: {  	s17 =	simm.s32 $0x2000;
	s18 =	simm.s32 $0x6000;
	s19 =	simm.s32 $0x1  }
0x6: {  	s20 =	simm.s32 $0x2;
	s21 =	simm.s32 $0x1F00;
	s7 =	smul.u32 $0x13C00, s2  }
0x7: {  	s4 =	sand.u32 $0x1, s1;
	s1 =	rddreg [dreg:$0x3];
	s29 =	smul.u32 $0x4F000, s2  }
0x8: {  	s22 =	simm.s32 $0x1F80;
	[smem:$0x7FF] =	sst s5;
	s13 =	smul.u32 $0x60, s2  }
0x9: {  	s12 =	sshll.u32 s2, $0x6;
	s6 =	smul.u32 $0x13C000, s4;
	_ =	strace $0x8000004D  }
0xa: {  	s30 =	ssub.s32 $0x2, s4;
	p0 =	seq.s32 s4, $0x0;
	s15 =	sadd.s32 $0x600, s12  }
0xb: {  	s14 =	sshrl.u32 s30, $0x1;
	s15 =	smov.u32 @p0 s13;
	s8 =	sadd.s32 s7, s6  }
0xc: {  	s6 =	sadd.s32 $0x19A00, s9;
	s7 =	sadd.s32 $0x5C00, s9;
	s10 =	sshrl.u32 s8, $0x3  }
0xd: {  	s14 =	ssub.s32 s30, s14;
	s8 =	sadd.s32 $0xFC00, s9;
	s11 =	sadd.s32 s10, s9  }
0xe: {  	s9 =	sshrl.u32 s29, $0x2;
	s10 =	sshll.u32 s15, $0x7;
	s15 =	simm.s32 $0x1000  }
0xf: {  	s31 =	sadd.s32 s9, s3;
	s9 =	sor.u32 $0x1C03, s12;
	s11 =	sadd.s32 $0x4AC00, s11  }
0x10: {  	s12 =	smax.u32 s14, $0x1;
	s14 =	simm.s32 $0x3;
	s13 =	sshrl.u32 s31, $0x3  }
.LBB2_1:
0x11: {  	[spmem:s13], [sflag:s9] =	dma.local [hbm:s8], $0x2780  }
0x12: {  	_ =	swait.ge [sflag:s14], $0x2780  }
0x13: {  	[sflag:s14] =	ssyncset.done $0x0  }
0x14: {  	[sflag:s14] =	ssyncadd.s32 $0xFFFFD880  }
0x15: {  	s23 =	simm.s32 $0x0;
	[bflag:$0x0] =	sbarrier.arrive $0xFFFF  }
.LBB2_2:
0x16: {  	s24 =	sshll.u32 s23, $0xC  }
0x17: {  	s24 =	sadd.s32 s10, s24  }
0x18: {  	s24 =	sshrl.u32 s24, $0x3  }
0x19: {  	s26 =	simm.s32 $0x0;
	s25 =	sadd.s32 s6, s24  }
0x1a: {  	[tilespmem:s26], [sflag:$0x3] =	stream.linear.gather [hbm4b:s25+s26], $0x1000, $0x38;
	[tilespmem:$0x1DC00] =	vst v63  }
0x1b: {  	_ =	swait.ge [sflag:s14], $0x1000  }
0x1c: {  	[sflag:s14] =	ssyncset.done $0x0  }
0x1d: {  	s24 =	sadd.s32 s7, s24;
	[sflag:s14] =	ssyncadd.s32 $0xFFFFF000  }
0x1e: {  	[tilespmem:s15], [sflag:$0x3] =	stream.linear.gather [hbm4b:s24+s26], $0x1000, $0x38;
	[tilespmem:$0x1DC00] =	vst v63  }
0x1f: {  	_ =	swait.ge [sflag:s14], $0x1000  }
0x20: {  	[sflag:s14] =	ssyncset.done $0x0  }
0x21: {  	[sflag:s14] =	ssyncadd.s32 $0xFFFFF000  }
0x22: {  	[tilespmem:s17], [sflag:$0x1] =	stream.indirect.gather [hbm4b:s0+s16], $0x80, s26, s16, $0xb8;
	[tilespmem:$0x1DC00] =	vst v63  }
0x23: {  	_ = 	snop  }
0x24: {  	[tilespmem:s18], [sflag:$0x2] =	stream.indirect.gather [hbm4b:s0+s16], $0x80, s16, s16, $0xb8;
	[tilespmem:$0x1DC00] =	vst v63  }
0x25: {  	_ =	swait.ge [sflag:s19], $0x4000  }
0x26: {  	[sflag:s19] =	ssyncset.done $0x0  }
0x27: {  	s29 =	simm.s32 $0x1000;
	[sflag:s19] =	ssyncadd.s32 $0xFFFFC000  }
0x28: {  	[spmem:s3] =	stream.indirect.scatter.add.f32 [tilespmem:s17], [sflag:$0x3], $0x80, s29, s16, $0xb8;
	[tilespmem:$0x1DC00] =	vst v63  }
0x29: {  	_ =	swait.ge [sflag:s14], $0x4000  }
0x2a: {  	[sflag:s14] =	ssyncset.done $0x0  }
0x2b: {  	s30 =	simm.s32 $0x100;
	[sflag:s14] =	ssyncadd.s32 $0xFFFFC000  }
0x2c: {  	[tilespmem:s17], [sflag:$0x1] =	stream.indirect.gather [hbm4b:s0+s16], $0x80, s30, s16, $0xb8;
	[tilespmem:$0x1DC00] =	vst v63  }
0x2d: {  	_ =	swait.ge [sflag:s20], $0x4000  }
0x2e: {  	[sflag:s20] =	ssyncset.done $0x0  }
0x2f: {  	s31 =	simm.s32 $0x1080;
	[sflag:s20] =	ssyncadd.s32 $0xFFFFC000  }
0x30: {  	[spmem:s3] =	stream.indirect.scatter.add.f32 [tilespmem:s18], [sflag:$0x3], $0x80, s31, s16, $0xb8;
	[tilespmem:$0x1DC00] =	vst v63  }
0x31: {  	_ =	swait.ge [sflag:s14], $0x4000  }
0x32: {  	[sflag:s14] =	ssyncset.done $0x0  }
0x33: {  	s25 =	simm.s32 $0x180;
	s24 =	simm.s32 $0x400;
	[sflag:s14] =	ssyncadd.s32 $0xFFFFC000  }
.LBB2_3:
0x34: {  	[tilespmem:s18], [sflag:$0x2] =	stream.indirect.gather [hbm4b:s0+s16], $0x80, s25, s16, $0xb8;
	[tilespmem:$0x1DC00] =	vst v63  }
0x35: {  	s25 =	smov.u32 s24  }
0x36: {  	p0 =	sne.s32 s24, $0x3800;
	s24 =	sadd.s32 $0x400, s24;
	_ =	swait.ge [sflag:s19], $0x4000  }
0x37: {  	s25 =	sshra.s32 s25, $0x2;
	[sflag:s19] =	ssyncset.done $0x0  }
0x38: {  	s26 =	sadd.s32 $0x1000, s25;
	[sflag:s19] =	ssyncadd.s32 $0xFFFFC000  }
0x39: {  	[spmem:s3] =	stream.indirect.scatter.add.f32 [tilespmem:s17], [sflag:$0x3], $0x80, s26, s16, $0xb8;
	[tilespmem:$0x1DC00] =	vst v63  }
0x3a: {  	_ =	swait.ge [sflag:s14], $0x4000  }
0x3b: {  	[sflag:s14] =	ssyncset.done $0x0  }
0x3c: {  	s26 =	sadd.s32 $0x100, s25;
	[sflag:s14] =	ssyncadd.s32 $0xFFFFC000  }
0x3d: {  	[tilespmem:s17], [sflag:$0x1] =	stream.indirect.gather [hbm4b:s0+s16], $0x80, s26, s16, $0xb8;
	[tilespmem:$0x1DC00] =	vst v63  }
0x3e: {  	_ =	swait.ge [sflag:s20], $0x4000  }
0x3f: {  	[sflag:s20] =	ssyncset.done $0x0  }
.Ltmp0:
0x40: {  	s26 =	sadd.s32 $0x1080, s25;
	[sflag:s20] =	ssyncadd.s32 $0xFFFFC000;
	(pc) =	sbr.rel @p0 .LBB2_3-.Ltmp0, $4  }
0x41: {  	[spmem:s3] =	stream.indirect.scatter.add.f32 [tilespmem:s18], [sflag:$0x3], $0x80, s26, s16, $0xb8;
	[tilespmem:$0x1DC00] =	vst v63  }
0x42: {  	_ =	swait.ge [sflag:s14], $0x4000  }
0x43: {  	[sflag:s14] =	ssyncset.done $0x0  }
0x44: {  	s25 =	sadd.s32 $0x180, s25;
	[sflag:s14] =	ssyncadd.s32 $0xFFFFC000  }
0x45: {  	[tilespmem:s18], [sflag:$0x2] =	stream.indirect.gather [hbm4b:s0+s16], $0x80, s25, s16, $0xb8;
	[tilespmem:$0x1DC00] =	vst v63  }
0x46: {  	_ =	swait.ge [sflag:s19], $0x4000  }
0x47: {  	[sflag:s19] =	ssyncset.done $0x0  }
0x48: {  	[sflag:s19] =	ssyncadd.s32 $0xFFFFC000  }
0x49: {  	[spmem:s3] =	stream.indirect.scatter.add.f32 [tilespmem:s17], [sflag:$0x3], $0x80, s21, s16, $0xb8;
	[tilespmem:$0x1DC00] =	vst v63  }
0x4a: {  	_ =	swait.ge [sflag:s14], $0x4000  }
0x4b: {  	[sflag:s14] =	ssyncset.done $0x0  }
0x4c: {  	s23 =	sadd.s32 $0x1, s23;
	[sflag:s14] =	ssyncadd.s32 $0xFFFFC000  }
0x4d: {  	s24 =	sxor.u32 s23, s4;
	_ =	swait.ge [sflag:s20], $0x4000  }
0x4e: {  	p0 =	sne.s32 s24, $0x3;
	[sflag:s20] =	ssyncset.done $0x0  }
.Ltmp1:
0x4f: {  	[sflag:s20] =	ssyncadd.s32 $0xFFFFC000;
	(pc) =	sbr.rel @p0 .LBB2_2-.Ltmp1, $4  }
0x50: {  	[spmem:s3] =	stream.indirect.scatter.add.f32 [tilespmem:s18], [sflag:$0x3], $0x80, s22, s16, $0xb8;
	[tilespmem:$0x1DC00] =	vst v63  }
0x51: {  	_ =	swait.ge [sflag:s14], $0x4000  }
0x52: {  	[sflag:s14] =	ssyncset.done $0x0  }
0x53: {  	[sflag:s14] =	ssyncadd.s32 $0xFFFFC000  }
0x54: {  	s5 =	sadd.s32 $0x1, s5  }
0x55: {  	p0 =	sne.s32 s5, s12  }
.Ltmp2:
0x56: {  	[bflag:$0x0] =	sbarrier.arrive $0xFFFF;
	(pc) =	sbr.rel @p0 .LBB2_1-.Ltmp2, $4  }
0x57: {  	[hbm:s11], [sflag:s9] =	dma.local [spmem:s13], $0x2780  }
0x58: {  	_ =	swait.ge [sflag:s14], $0x2780  }
0x59: {  	[sflag:s14] =	ssyncset.done $0x0  }
0x5a: {  	[sflag:s14] =	ssyncadd.s32 $0xFFFFD880  }
0x5b: {  	_ =	sfence.sel $0x180000  }
0x5c: {  	[bflag:$0x0] =	sbarrier.arrive $0xFFFF  }
0x5d: {  	p0 =	sne.s32 s2, $0x0;
	_ =	strace $0x9000004D  }
0x5e: {  	s0 =	sadd.s32 @!p0 $0x100000, s1;
	[bflag:$0x2] =	sbarrier.arrive $0xFFFF  }
0x5f: {  	[sflag:s0] =	ssyncadd.tile.s32 @!p0 $0x1;
	_ =	shalt  }
.Lfunc_end2:
_tile_overlayer_lowered:
.L_overlay_start_2:
0x60: {  	(tag) =	ssettag $0x2  }
0x61: {  	s0 =	rddreg [dreg:$0x0];
	s2 =	stileid.u32  }
0x62: {  	s1 =	rddreg [dreg:$0x1];
	p0 =	sne.s32 s2, $0x0  }
0x63: {  	s3 =	rddreg [dreg:$0x2];
	[bflag:$0x3] =	sbarrier.arrive $0xFFFF;
	s2 =	simm.s32 @!p0 $0x1C03  }
0x64: {  	[timem:s3], [sflag:s2] =	dma.local @!p0 [hbm:s0], s1  }
0x65: {  	s0 =	simm.s32 @!p0 $0x3  }
0x66: {  	_ =	swait.ge @!p0 [sflag:s0], s1  }
0x67: {  	s1 =	ssub.s32 @!p0 $0x0, s1;
	[sflag:s0] =	ssyncset.done @!p0 $0x0  }
0x68: {  	[sflag:s0] =	ssyncadd.s32 @!p0 s1  }
0x69: {  	[bflag:$0x3] =	sbarrier.arrive $0xFFFF  }
0x6a: {  	_ =	shalt  }

// kernel: kernel.22.cloned.1.call-start
scs
__scs_entry_jumppad:
0x0: {  	(pc) =	sbr.rel $0x88, $3  }
0x1: {  	(tag) =	ssettag $0x0;
	lr =	simm.s32 $0x1  }
0x2: {  	[smem:$0x3F93] =	sst lr;
	_ =	strace $0xD0000000  }
0x3: {  	_ = 	snop  }
0x4: {  	_ = 	snop  }
0x5: {  	_ = 	snop  }
0x6: {  	_ = 	snop  }
0x7: {  	_ = 	snop  }
__scs_overlays_trampoline_lowered:
0x8: {  	[smem:$0x3FA2] =	sst s0  }
0x9: {  	[smem:$0x3FA3] =	sst s1  }
0xa: {  	[smem:$0x3FA4] =	sst s2  }
0xb: {  	[smem:$0x3FA5] =	sst s3  }
0xc: {  	[smem:$0x3FA6] =	sst s4  }
0xd: {  	[smem:$0x3FA7] =	sst s5  }
0xe: {  	[smem:$0x3FA8] =	sst s6  }
0xf: {  	[smem:$0x3FA9] =	sst s7  }
0x10: {  	[smem:$0x3FAA] =	sst s8  }
0x11: {  	[smem:$0x3FAB] =	sst s9;
	s0 =	simm.s32 @!p0 $0x0  }
0x12: {  	s1 =	sld [smem:$0x3F91];
	s0 =	simm.s32 @p0 $0x1  }
0x13: {  	[smem:$0x3FAC] =	sst s0;
	s0 =	simm.s32 @!p1 $0x0  }
0x14: {  	s2 =	sld [smem:$0x3F90];
	s0 =	simm.s32 @p1 $0x1  }
0x15: {  	[smem:$0x3FAD] =	sst s0;
	s0 =	simm.s32 @!p2 $0x0  }
0x16: {  	s3 =	sld [smem:$0x3FDB];
	s0 =	simm.s32 @p2 $0x1  }
0x17: {  	s4 =	simm.s32 $0x1BF5;
	[smem:$0x3FAF] =	sst s0  }
0x18: {  	s0 =	sld [smem:$0x3F92];
	_ =	swait.ge [sflag:s4], $0x0  }
0x19: {  	s7 =	sld [smem:$0x3F93]  }
0x1a: {  	s8 =	sadd.s32 $0xFFFFE003, lr  }
0x1b: {  	s9 =	sadd.s32 $0xFFFFFEF7, lr;
	s5 =	simm.s32 $0xFFFFFFFF;
	p2 =	slt.u32 s8, $0xFFFFF086  }
0x1c: {  	p1 =	slt.u32 s9, $0xF7A;
	s5 =	simm.s32 @!p2 $0x0  }
0x1d: {  	s5 =	simm.s32 @p1 $0x1;
	p0 =	seq.s32 s7, s2  }
0x1e: {  	s7 =	smul.u32 @!p0 $0xF7A, s2;
	p2 =	seq.s32 @!p0 s5, $0x0  }
0x1f: {  	s9 =	smul.u32 $0xF7A, s1;
	s8 =	simm.s32 @!p0 $0x1BF5;
	p2 =	por !p2, p0  }
0x20: {  	[sflag:s8] =	ssyncset.s32 @!p0 $0xFFFFF086;
	s6 =	sadd.s32 @!p0 s3, s7;
	s7 =	simm.s32 @!p0 $0x108  }
0x21: {  	s3 =	sadd.s32 s3, s9;
	s6 =	sadd.s32 @!p0 $0x88, s6;
	s7 =	simm.s32 @p2 $0x1082  }
0x22: {  	[simem:s7], [sflag:s8] =	dma.local @!p0 [hbm:s6], $0xF7A  }
0x23: {  	s9 =	sor.u32 $0xD0000000, s2;
	s6 =	simm.s32 $0x108;
	_ =	swait.ge @!p0 [sflag:s8], $0x0  }
0x24: {  	s3 =	sadd.s32 $0x88, s3;
	s6 =	simm.s32 @!p1 $0x1082;
	[sflag:s4] =	ssyncset.s32 $0xFFFFF086  }
0x25: {  	[simem:s6], [sflag:s4] =	dma.local [hbm:s3], $0xF7A  }
0x26: {  	[smem:$0x3F93] =	sst s1;
	(tag) =	ssettag s2;
	_ =	strace s9  }
0x27: {  	s1 =	sld [smem:$0x3FA3]  }
0x28: {  	s2 =	sld [smem:$0x3FA4]  }
0x29: {  	s4 =	sld [smem:$0x3FA6]  }
0x2a: {  	p0 =	seq.s32 s5, $0x0;
	s5 =	sld [smem:$0x3FA7]  }
0x2b: {  	s6 =	sld [smem:$0x3FA8]  }
0x2c: {  	s7 =	sld [smem:$0x3FA9]  }
0x2d: {  	s3 =	simm.s32 $0x108;
	s8 =	sld [smem:$0x3FAA]  }
0x2e: {  	s3 =	simm.s32 @!p0 $0x1082;
	s9 =	sld [smem:$0x3FAB]  }
0x2f: {  	lr =	sadd.s32 s0, s3;
	s0 =	sld [smem:$0x3FA2]  }
0x30: {  	s3 =	sld [smem:$0x3FA5]  }
0x31: {  	[smem:$0x3FAE] =	sst s10  }
0x32: {  	s10 =	sld [smem:$0x3FAC];
	_ =	sdelay $0x3  }
0x33: {  	p0 =	seq.s32 s10, $0x1;
	s10 =	sld [smem:$0x3FAE];
	_ =	sdelay $0x3  }
0x34: {  	[smem:$0x3FAE] =	sst s10  }
0x35: {  	s10 =	sld [smem:$0x3FAD];
	_ =	sdelay $0x3  }
0x36: {  	p1 =	seq.s32 s10, $0x1;
	s10 =	sld [smem:$0x3FAE];
	_ =	sdelay $0x3  }
0x37: {  	[smem:$0x3FAE] =	sst s10  }
0x38: {  	s10 =	sld [smem:$0x3FAF]  }
0x39: {  	_ = 	snop;
	(pc) =	sbr.ind lr, $3  }
0x3a: {  	_ = 	snop  }
0x3b: {  	_ = 	snop  }
0x3c: {  	p2 =	seq.s32 s10, $0x1;
	s10 =	sld [smem:$0x3FAE]  }
0x3d: {  	_ =	shalt  }
0x3e: {  	_ =	shalt  }
0x3f: {  	_ =	shalt  }
0x40: {  	_ =	shalt  }
0x41: {  	_ =	shalt  }
0x42: {  	_ =	shalt  }
0x43: {  	_ =	shalt  }
0x44: {  	_ =	shalt  }
0x45: {  	_ =	shalt  }
0x46: {  	_ =	shalt  }
0x47: {  	_ =	shalt  }
0x48: {  	_ =	shalt  }
0x49: {  	_ =	shalt  }
0x4a: {  	_ =	shalt  }
0x4b: {  	_ =	shalt  }
0x4c: {  	_ =	shalt  }
0x4d: {  	_ =	shalt  }
0x4e: {  	_ =	shalt  }
0x4f: {  	_ =	shalt  }
0x50: {  	_ =	shalt  }
0x51: {  	_ =	shalt  }
0x52: {  	_ =	shalt  }
0x53: {  	_ =	shalt  }
0x54: {  	_ =	shalt  }
0x55: {  	_ =	shalt  }
0x56: {  	_ =	shalt  }
0x57: {  	_ =	shalt  }
0x58: {  	_ =	shalt  }
0x59: {  	_ =	shalt  }
0x5a: {  	_ =	shalt  }
0x5b: {  	_ =	shalt  }
0x5c: {  	_ =	shalt  }
0x5d: {  	_ =	shalt  }
0x5e: {  	_ =	shalt  }
0x5f: {  	_ =	shalt  }
0x60: {  	_ =	shalt  }
0x61: {  	_ =	shalt  }
0x62: {  	_ =	shalt  }
0x63: {  	_ =	shalt  }
0x64: {  	_ =	shalt  }
0x65: {  	_ =	shalt  }
0x66: {  	_ =	shalt  }
0x67: {  	_ =	shalt  }
0x68: {  	_ =	shalt  }
0x69: {  	_ =	shalt  }
0x6a: {  	_ =	shalt  }
0x6b: {  	_ =	shalt  }
0x6c: {  	_ =	shalt  }
0x6d: {  	_ =	shalt  }
0x6e: {  	_ =	shalt  }
0x6f: {  	_ =	shalt  }
0x70: {  	_ =	shalt  }
0x71: {  	_ =	shalt  }
0x72: {  	_ =	shalt  }
0x73: {  	_ =	shalt  }
0x74: {  	_ =	shalt  }
0x75: {  	_ =	shalt  }
0x76: {  	_ =	shalt  }
0x77: {  	_ =	shalt  }
0x78: {  	_ =	shalt  }
0x79: {  	_ =	shalt  }
0x7a: {  	_ =	shalt  }
0x7b: {  	_ =	shalt  }
0x7c: {  	_ =	shalt  }
0x7d: {  	_ =	shalt  }
0x7e: {  	_ =	shalt  }
0x7f: {  	_ =	shalt  }
0x80: {  	_ =	shalt  }
0x81: {  	_ =	shalt  }
0x82: {  	_ =	shalt  }
0x83: {  	_ =	shalt  }
0x84: {  	_ =	shalt  }
0x85: {  	_ =	shalt  }
0x86: {  	_ =	shalt  }
0x87: {  	_ =	shalt  }
.Lfunc_end0:
.L_simem_size_0:
called_computation.3_lowered:
.L_overlay_start_0:
0x88: {  	s2 =	sld [smem:$0x3FD9]  }
0x89: {  	s3 =	sld [smem:$0x3FFE];
	_ =	sdelay $0x1  }
0x8a: {  	s1 =	srdreg.scid  }
0x8b: {  	s0 =	sand.u32 $0x1, s1  }
0x8c: {  	s17 =	sshll.u32 s0, $0xA;
	s2 =	sadd.s32 s3, s2  }
0x8d: {  	s2 =	sadd.s32 s2, s17  }
0x8e: {  	[smem:$0x3FBA] =	sst s2  }
0x8f: {  	_ = 	snop  }
0x90: {  	s2 =	sld [smem:$0x3FD0];
	(tm) =	ssettm $0x1  }
0x91: {  	s18 =	sld [smem:$0x3FFB];
	_ =	sdelay $0x3  }
0x92: {  	_ =	strace s18  }
0x93: {  	s3 =	sld [smem:$0x3FFC];
	_ =	sdelay $0x3  }
0x94: {  	_ =	strace s3  }
0x95: {  	s3 =	sld [smem:$0x3FFD];
	_ =	sdelay $0x3  }
0x96: {  	_ =	strace s3  }
0x97: {  	_ =	strace $0x8FFFFFFF  }
0x98: {  	s19 =	sld [smem:$0x3FDB];
	_ =	sdelay $0x1  }
0x99: {  	s4 =	simm.s32 $_scs_section_size  }
0x9a: {  	s5 =	simm.s32 $_size__tile_overlayer_lowered;
	s6 =	simm.s32 $_tile_overlayer_lowered  }
0x9b: {  	s22 =	simm.s32 $0x1BFF;
	s21 =	sshll.u32 s6, $0x1;
	s3 =	sadd.s32 s4, s19  }
0x9c: {  	s7 =	simm.s32 $0x0;
	s20 =	sshll.u32 s5, $0x1;
	s5 =	sadd.s32 s21, s3  }
0x9d: {  	[timem:s7], [sflag:s22] =	dma.local [hbm:s5], s20  }
0x9e: {  	_ =	swait.ge [sflag:s22], s20  }
0x9f: {  	s4 =	ssub.s32 $0x0, s20;
	[sflag:s22] =	ssyncset.done $0x0  }
0xa0: {  	[sflag:s22] =	ssyncadd.s32 s4;
	_ =	sdelay $0x1  }
0xa1: {  	s23 =	simm.s32 $0x1B8B  }
0xa2: {  	_ =	swait.ge [sflag:s23], $0x1  }
0xa3: {  	[sflag:s23] =	ssyncset.done $0x0  }
0xa4: {  	s25 =	simm.s32 $0x1B8E;
	s24 =	sld [smem:$0x3FFE];
	[sflag:s23] =	ssyncadd.s32 $0xFFFFFFFF  }
0xa5: {  	s26 =	simm.s32 $execute0_lowered;
	[smem:$0x3FD2] =	sst s25  }
0xa6: {  	s5 =	sshll.u32 s26, $0x1;
	_ =	strace $0x8000004F;
	[dreg:$0x1] =	wrdreg $0xFFFFFFFF  }
0xa7: {  	s28 =	simm.s32 $_size_execute0_lowered;
	s3 =	sadd.s32 s3, s5;
	[dreg:$0x0] =	wrdreg $0x0  }
0xa8: {  	s5 =	sshll.u32 s28, $0x1;
	[dreg:$0x2] =	wrdreg s3  }
0xa9: {  	[dreg:$0x3] =	wrdreg s5  }
0xaa: {  	[dreg:$0x4] =	wrdreg $0xC0  }
0xab: {  	_ =	task [dreg:s7], $0x5FFFF  }
0xac: {  	[dreg:$0x1] =	wrdreg $0xFFFFFFFF  }
0xad: {  	[dreg:$0x0] =	wrdreg $0x60  }
0xae: {  	[dreg:$0x2] =	wrdreg s2  }
0xaf: {  	[dreg:$0x3] =	wrdreg s24  }
0xb0: {  	[dreg:$0x4] =	wrdreg $0xA0000  }
0xb1: {  	[dreg:$0x5] =	wrdreg $0x9  }
0xb2: {  	_ =	task.clear_ibuf [dreg:s7], $0x6FFFF;
	_ =	strace $0x9000004F  }
0xb3: {  	s29 =	simm.s32 $0x9;
	_ =	strace $0x80000051  }
0xb4: {  	_ =	swait.ge [sflag:s29], $0x1  }
0xb5: {  	[sflag:s29] =	ssyncadd.s32 $0xFFFFFFFF  }
0xb6: {  	_ =	strace $0x90000051  }
0xb7: {  	_ =	sfence  }
0xb8: {  	s30 =	sld [smem:$0x0];
	_ =	sdelay $0x2  }
0xb9: {  	s31 =	sshll.u32 s1, $0xD;
	s1 =	sshrl.u32 s1, $0x2  }
0xba: {  	s3 =	sand.u32 $0x4000, s31;
	s1 =	sadd.s32 s1, s30  }
0xbb: {  	s0 =	sor.u32 s3, s0;
	s1 =	sshll.u32 s1, $0x11  }
0xbc: {  	s0 =	sor.u32 s1, s0  }
0xbd: {  	s0 =	sadd.s32 $0x8F2B, s0  }
0xbe: {  	[sflag:s0] =	ssyncadd.remote.s32 $0x1  }
0xbf: {  	_ =	sfence.sel $0xFFFF  }
0xc0: {  	[dreg:$0x0] =	wrdreg $0xFFFFFFFF;
	(pc) =	sbr.abs _section_cstart, $3  }
0xc1: {  	[dreg:$0x1] =	wrdreg $0xFFFFFFFF  }
0xc2: {  	_ =	task.clear_ibuf [dreg:s7], $0x2FFFF;
	_ =	strace $0x9FFFFFFF  }
0xc3: {  	(tm) =	ssettm $0x7FFFFFFF  }
tec
execute0_lowered:
.L_overlay_start_1:
0x0: {  	(tag) =	ssettag $0x1  }
0x1: {  	s0 =	rddreg [dreg:$0x0]  }
0x2: {  	s9 =	rddreg [dreg:$0x1]  }
0x3: {  	s1 =	srdreg.scid;
	s3 =	rddreg [dreg:$0x2]  }
0x4: {  	s2 =	stileid.u32;
	s5 =	simm.s32 $0x0;
	s16 =	simm.s32 $0x80  }
0x5: {  	s17 =	simm.s32 $0x2000;
	s18 =	simm.s32 $0x6000;
	s19 =	simm.s32 $0x1  }
0x6: {  	s20 =	simm.s32 $0x2;
	s21 =	simm.s32 $0x1F00;
	s7 =	smul.u32 $0x13C00, s2  }
0x7: {  	s4 =	sand.u32 $0x1, s1;
	s1 =	rddreg [dreg:$0x3];
	s29 =	smul.u32 $0x4F000, s2  }
0x8: {  	s22 =	simm.s32 $0x1F80;
	[smem:$0x7FF] =	sst s5;
	s13 =	smul.u32 $0x60, s2  }
0x9: {  	s12 =	sshll.u32 s2, $0x6;
	s6 =	smul.u32 $0x13C000, s4;
	_ =	strace $0x80000050  }
0xa: {  	s30 =	ssub.s32 $0x2, s4;
	p0 =	seq.s32 s4, $0x0;
	s15 =	sadd.s32 $0x600, s12  }
0xb: {  	s14 =	sshrl.u32 s30, $0x1;
	s15 =	smov.u32 @p0 s13;
	s8 =	sadd.s32 s7, s6  }
0xc: {  	s6 =	sadd.s32 $0x19A00, s9;
	s7 =	sadd.s32 $0x5C00, s9;
	s10 =	sshrl.u32 s8, $0x3  }
0xd: {  	s14 =	ssub.s32 s30, s14;
	s8 =	sadd.s32 $0xFC00, s9;
	s11 =	sadd.s32 s10, s9  }
0xe: {  	s9 =	sshrl.u32 s29, $0x2;
	s10 =	sshll.u32 s15, $0x7;
	s15 =	simm.s32 $0x1000  }
0xf: {  	s31 =	sadd.s32 s9, s3;
	s9 =	sor.u32 $0x1C03, s12;
	s11 =	sadd.s32 $0x23A00, s11  }
0x10: {  	s12 =	smax.u32 s14, $0x1;
	s14 =	simm.s32 $0x3;
	s13 =	sshrl.u32 s31, $0x3  }
.LBB2_1:
0x11: {  	[spmem:s13], [sflag:s9] =	dma.local [hbm:s8], $0x2780  }
0x12: {  	_ =	swait.ge [sflag:s14], $0x2780  }
0x13: {  	[sflag:s14] =	ssyncset.done $0x0  }
0x14: {  	[sflag:s14] =	ssyncadd.s32 $0xFFFFD880  }
0x15: {  	s23 =	simm.s32 $0x0;
	[bflag:$0x0] =	sbarrier.arrive $0xFFFF  }
.LBB2_2:
0x16: {  	s24 =	sshll.u32 s23, $0xC  }
0x17: {  	s24 =	sadd.s32 s10, s24  }
0x18: {  	s24 =	sshrl.u32 s24, $0x3  }
0x19: {  	s26 =	simm.s32 $0x0;
	s25 =	sadd.s32 s6, s24  }
0x1a: {  	[tilespmem:s26], [sflag:$0x3] =	stream.linear.gather [hbm4b:s25+s26], $0x1000, $0x38;
	[tilespmem:$0x1DC00] =	vst v63  }
0x1b: {  	_ =	swait.ge [sflag:s14], $0x1000  }
0x1c: {  	[sflag:s14] =	ssyncset.done $0x0  }
0x1d: {  	s24 =	sadd.s32 s7, s24;
	[sflag:s14] =	ssyncadd.s32 $0xFFFFF000  }
0x1e: {  	[tilespmem:s15], [sflag:$0x3] =	stream.linear.gather [hbm4b:s24+s26], $0x1000, $0x38;
	[tilespmem:$0x1DC00] =	vst v63  }
0x1f: {  	_ =	swait.ge [sflag:s14], $0x1000  }
0x20: {  	[sflag:s14] =	ssyncset.done $0x0  }
0x21: {  	[sflag:s14] =	ssyncadd.s32 $0xFFFFF000  }
0x22: {  	[tilespmem:s17], [sflag:$0x1] =	stream.indirect.gather [hbm4b:s0+s16], $0x80, s26, s16, $0xb8;
	[tilespmem:$0x1DC00] =	vst v63  }
0x23: {  	_ = 	snop  }
0x24: {  	[tilespmem:s18], [sflag:$0x2] =	stream.indirect.gather [hbm4b:s0+s16], $0x80, s16, s16, $0xb8;
	[tilespmem:$0x1DC00] =	vst v63  }
0x25: {  	_ =	swait.ge [sflag:s19], $0x4000  }
0x26: {  	[sflag:s19] =	ssyncset.done $0x0  }
0x27: {  	s29 =	simm.s32 $0x1000;
	[sflag:s19] =	ssyncadd.s32 $0xFFFFC000  }
0x28: {  	[spmem:s3] =	stream.indirect.scatter.add.f32 [tilespmem:s17], [sflag:$0x3], $0x80, s29, s16, $0xb8;
	[tilespmem:$0x1DC00] =	vst v63  }
0x29: {  	_ =	swait.ge [sflag:s14], $0x4000  }
0x2a: {  	[sflag:s14] =	ssyncset.done $0x0  }
0x2b: {  	s30 =	simm.s32 $0x100;
	[sflag:s14] =	ssyncadd.s32 $0xFFFFC000  }
0x2c: {  	[tilespmem:s17], [sflag:$0x1] =	stream.indirect.gather [hbm4b:s0+s16], $0x80, s30, s16, $0xb8;
	[tilespmem:$0x1DC00] =	vst v63  }
0x2d: {  	_ =	swait.ge [sflag:s20], $0x4000  }
0x2e: {  	[sflag:s20] =	ssyncset.done $0x0  }
0x2f: {  	s31 =	simm.s32 $0x1080;
	[sflag:s20] =	ssyncadd.s32 $0xFFFFC000  }
0x30: {  	[spmem:s3] =	stream.indirect.scatter.add.f32 [tilespmem:s18], [sflag:$0x3], $0x80, s31, s16, $0xb8;
	[tilespmem:$0x1DC00] =	vst v63  }
0x31: {  	_ =	swait.ge [sflag:s14], $0x4000  }
0x32: {  	[sflag:s14] =	ssyncset.done $0x0  }
0x33: {  	s25 =	simm.s32 $0x180;
	s24 =	simm.s32 $0x400;
	[sflag:s14] =	ssyncadd.s32 $0xFFFFC000  }
.LBB2_3:
0x34: {  	[tilespmem:s18], [sflag:$0x2] =	stream.indirect.gather [hbm4b:s0+s16], $0x80, s25, s16, $0xb8;
	[tilespmem:$0x1DC00] =	vst v63  }
0x35: {  	s25 =	smov.u32 s24  }
0x36: {  	p0 =	sne.s32 s24, $0x3800;
	s24 =	sadd.s32 $0x400, s24;
	_ =	swait.ge [sflag:s19], $0x4000  }
0x37: {  	s25 =	sshra.s32 s25, $0x2;
	[sflag:s19] =	ssyncset.done $0x0  }
0x38: {  	s26 =	sadd.s32 $0x1000, s25;
	[sflag:s19] =	ssyncadd.s32 $0xFFFFC000  }
0x39: {  	[spmem:s3] =	stream.indirect.scatter.add.f32 [tilespmem:s17], [sflag:$0x3], $0x80, s26, s16, $0xb8;
	[tilespmem:$0x1DC00] =	vst v63  }
0x3a: {  	_ =	swait.ge [sflag:s14], $0x4000  }
0x3b: {  	[sflag:s14] =	ssyncset.done $0x0  }
0x3c: {  	s26 =	sadd.s32 $0x100, s25;
	[sflag:s14] =	ssyncadd.s32 $0xFFFFC000  }
0x3d: {  	[tilespmem:s17], [sflag:$0x1] =	stream.indirect.gather [hbm4b:s0+s16], $0x80, s26, s16, $0xb8;
	[tilespmem:$0x1DC00] =	vst v63  }
0x3e: {  	_ =	swait.ge [sflag:s20], $0x4000  }
0x3f: {  	[sflag:s20] =	ssyncset.done $0x0  }
.Ltmp0:
0x40: {  	s26 =	sadd.s32 $0x1080, s25;
	[sflag:s20] =	ssyncadd.s32 $0xFFFFC000;
	(pc) =	sbr.rel @p0 .LBB2_3-.Ltmp0, $4  }
0x41: {  	[spmem:s3] =	stream.indirect.scatter.add.f32 [tilespmem:s18], [sflag:$0x3], $0x80, s26, s16, $0xb8;
	[tilespmem:$0x1DC00] =	vst v63  }
0x42: {  	_ =	swait.ge [sflag:s14], $0x4000  }
0x43: {  	[sflag:s14] =	ssyncset.done $0x0  }
0x44: {  	s25 =	sadd.s32 $0x180, s25;
	[sflag:s14] =	ssyncadd.s32 $0xFFFFC000  }
0x45: {  	[tilespmem:s18], [sflag:$0x2] =	stream.indirect.gather [hbm4b:s0+s16], $0x80, s25, s16, $0xb8;
	[tilespmem:$0x1DC00] =	vst v63  }
0x46: {  	_ =	swait.ge [sflag:s19], $0x4000  }
0x47: {  	[sflag:s19] =	ssyncset.done $0x0  }
0x48: {  	[sflag:s19] =	ssyncadd.s32 $0xFFFFC000  }
0x49: {  	[spmem:s3] =	stream.indirect.scatter.add.f32 [tilespmem:s17], [sflag:$0x3], $0x80, s21, s16, $0xb8;
	[tilespmem:$0x1DC00] =	vst v63  }
0x4a: {  	_ =	swait.ge [sflag:s14], $0x4000  }
0x4b: {  	[sflag:s14] =	ssyncset.done $0x0  }
0x4c: {  	s23 =	sadd.s32 $0x1, s23;
	[sflag:s14] =	ssyncadd.s32 $0xFFFFC000  }
0x4d: {  	s24 =	sxor.u32 s23, s4;
	_ =	swait.ge [sflag:s20], $0x4000  }
0x4e: {  	p0 =	sne.s32 s24, $0x3;
	[sflag:s20] =	ssyncset.done $0x0  }
.Ltmp1:
0x4f: {  	[sflag:s20] =	ssyncadd.s32 $0xFFFFC000;
	(pc) =	sbr.rel @p0 .LBB2_2-.Ltmp1, $4  }
0x50: {  	[spmem:s3] =	stream.indirect.scatter.add.f32 [tilespmem:s18], [sflag:$0x3], $0x80, s22, s16, $0xb8;
	[tilespmem:$0x1DC00] =	vst v63  }
0x51: {  	_ =	swait.ge [sflag:s14], $0x4000  }
0x52: {  	[sflag:s14] =	ssyncset.done $0x0  }
0x53: {  	[sflag:s14] =	ssyncadd.s32 $0xFFFFC000  }
0x54: {  	s5 =	sadd.s32 $0x1, s5  }
0x55: {  	p0 =	sne.s32 s5, s12  }
.Ltmp2:
0x56: {  	[bflag:$0x0] =	sbarrier.arrive $0xFFFF;
	(pc) =	sbr.rel @p0 .LBB2_1-.Ltmp2, $4  }
0x57: {  	[hbm:s11], [sflag:s9] =	dma.local [spmem:s13], $0x2780  }
0x58: {  	_ =	swait.ge [sflag:s14], $0x2780  }
0x59: {  	[sflag:s14] =	ssyncset.done $0x0  }
0x5a: {  	[sflag:s14] =	ssyncadd.s32 $0xFFFFD880  }
0x5b: {  	_ =	sfence.sel $0x180000  }
0x5c: {  	[bflag:$0x0] =	sbarrier.arrive $0xFFFF  }
0x5d: {  	p0 =	sne.s32 s2, $0x0;
	_ =	strace $0x90000050  }
0x5e: {  	s0 =	sadd.s32 @!p0 $0x100000, s1;
	[bflag:$0x2] =	sbarrier.arrive $0xFFFF  }
0x5f: {  	[sflag:s0] =	ssyncadd.tile.s32 @!p0 $0x1;
	_ =	shalt  }
.Lfunc_end2:
_tile_overlayer_lowered:
.L_overlay_start_2:
0x60: {  	(tag) =	ssettag $0x2  }
0x61: {  	s0 =	rddreg [dreg:$0x0];
	s2 =	stileid.u32  }
0x62: {  	s1 =	rddreg [dreg:$0x1];
	p0 =	sne.s32 s2, $0x0  }
0x63: {  	s3 =	rddreg [dreg:$0x2];
	[bflag:$0x3] =	sbarrier.arrive $0xFFFF;
	s2 =	simm.s32 @!p0 $0x1C03  }
0x64: {  	[timem:s3], [sflag:s2] =	dma.local @!p0 [hbm:s0], s1  }
0x65: {  	s0 =	simm.s32 @!p0 $0x3  }
0x66: {  	_ =	swait.ge @!p0 [sflag:s0], s1  }
0x67: {  	s1 =	ssub.s32 @!p0 $0x0, s1;
	[sflag:s0] =	ssyncset.done @!p0 $0x0  }
0x68: {  	[sflag:s0] =	ssyncadd.s32 @!p0 s1  }
0x69: {  	[bflag:$0x3] =	sbarrier.arrive $0xFFFF  }
0x6a: {  	_ =	shalt  }

</sc_bundles>
